<compile_context>
chip_gen: v7x
topology: tpu7x:2x2x1
jax: 0.10.2.dev20260603
libtpu: 0.0.44.dev20260713+nightly
codegen_flags: <defaults>
</compile_context>

<pallas_src>
import functools

import jax
import jax.numpy as jnp
from jax import lax
from jax.experimental import pallas as pl
from jax.experimental.pallas import tpu as pltpu
from jax.experimental.pallas import tpu_sc as plsc

N = 10000
E = 320000
DIM = 128
H = 4
DH = DIM // H
SCALE = DH ** (-0.5)

NPAD = 10240
EPAD = 327680
EPT = EPAD // 16
CHUNK = 128
NCHUNKS = EPT // CHUNK
ROWW = 80
ROWS_PER_TILE = NPAD // 16


def _qkv_body(x_ref, w_ref, b_ref, qa_ref, qb_ref, kva_ref, kvb_ref):
    x = x_ref[...]
    w = w_ref[...]
    acc = lax.dot_general(x, w, (((1,), (1,)), ((), ())),
                          preferred_element_type=jnp.float32)
    acc = acc + b_ref[...]
    qa_ref[...] = acc[:, 0:64] * SCALE
    qb_ref[...] = acc[:, 64:128] * SCALE
    kva_ref[...] = jnp.concatenate((acc[:, 128:192], acc[:, 256:320]), axis=1)
    kvb_ref[...] = jnp.concatenate((acc[:, 192:256], acc[:, 320:384]), axis=1)


def _qkv_tables(x_pad, w, b2):
    blk = 256
    grid = NPAD // blk
    return pl.pallas_call(
        _qkv_body,
        grid=(grid,),
        in_specs=[
            pl.BlockSpec((blk, DIM), lambda i: (i, 0)),
            pl.BlockSpec((3 * DIM, DIM), lambda i: (0, 0)),
            pl.BlockSpec((1, 3 * DIM), lambda i: (0, 0)),
        ],
        out_specs=[
            pl.BlockSpec((blk, 64), lambda i: (i, 0)),
            pl.BlockSpec((blk, 64), lambda i: (i, 0)),
            pl.BlockSpec((blk, 128), lambda i: (i, 0)),
            pl.BlockSpec((blk, 128), lambda i: (i, 0)),
        ],
        out_shape=[
            jax.ShapeDtypeStruct((NPAD, 64), jnp.float32),
            jax.ShapeDtypeStruct((NPAD, 64), jnp.float32),
            jax.ShapeDtypeStruct((NPAD, 128), jnp.float32),
            jax.ShapeDtypeStruct((NPAD, 128), jnp.float32),
        ],
    )(x_pad, w, b2)


def _edge_body(qa_hbm, qb_hbm, kva_hbm, kvb_hbm, s_hbm, t_hbm, out_hbm,
               si, ti, qb, kvb, msg, acc_sh, sem1, sem2):
    cid = lax.axis_index("c")
    sid = lax.axis_index("s")
    zero16 = jnp.zeros((16,), jnp.float32)
    lane = lax.iota(jnp.int32, 16)
    one16 = jnp.full((16,), 1, jnp.int32)

    def zrow(r, c):
        for j in range(ROWW // 16):
            msg[r, pl.ds(j * 16, 16)] = zero16
        return c
    lax.fori_loop(0, CHUNK, zrow, 0)
    for kk in range(ROWS_PER_TILE // CHUNK):
        pltpu.sync_copy(msg, acc_sh.at[pl.ds(sid * ROWS_PER_TILE + kk * CHUNK, CHUNK)])
    plsc.subcore_barrier()

    ebase0 = sid * EPT

    def chunk_body(ci, c):
        ebase = ebase0 + ci * CHUNK
        pltpu.sync_copy(s_hbm.at[pl.ds(ebase, CHUNK)], si)
        pltpu.sync_copy(t_hbm.at[pl.ds(ebase, CHUNK)], ti)

        @pl.when(cid == 0)
        def _():
            cp1 = pltpu.async_copy(qa_hbm.at[si], qb, sem1)
            cp2 = pltpu.async_copy(kva_hbm.at[ti], kvb, sem2)
            cp1.wait()
            cp2.wait()

        @pl.when(cid == 1)
        def _():
            cp1 = pltpu.async_copy(qb_hbm.at[si], qb, sem1)
            cp2 = pltpu.async_copy(kvb_hbm.at[ti], kvb, sem2)
            cp1.wait()
            cp2.wait()

        def group_fn(g, cc):
            row = lane + g * 16
            exvecs = []
            for lh in range(2):
                colv = jnp.full((16,), lh * DH, jnp.int32)
                acc = zero16
                for _ in range(DH):
                    qv = plsc.load_gather(qb, [row, colv])
                    kk_ = plsc.load_gather(kvb, [row, colv])
                    acc = acc + qv * kk_
                    colv = colv + one16
                ex_h = jnp.exp(acc)
                plsc.store_scatter(
                    msg, [row, jnp.full((16,), 64 + lh, jnp.int32)], ex_h)
                exvecs.append(ex_h)

            for l in range(16):
                e = g * 16 + l
                for j in range(4):
                    exv = jnp.full((16,), exvecs[j // 2][l], jnp.float32)
                    msg[e, pl.ds(j * 16, 16)] = (
                        kvb[e, pl.ds(64 + j * 16, 16)] * exv)
            return cc
        lax.fori_loop(0, CHUNK // 16, group_fn, 0)

        pltpu.sync_copy(msg, acc_sh.at[si], add=True)
        return c
    lax.fori_loop(0, NCHUNKS, chunk_body, 0)

    plsc.subcore_barrier()

    for kk in range(ROWS_PER_TILE // CHUNK):
        r0 = sid * ROWS_PER_TILE + kk * CHUNK
        pltpu.sync_copy(acc_sh.at[pl.ds(r0, CHUNK)], msg)
        pltpu.sync_copy(msg, out_hbm.at[cid, pl.ds(r0, CHUNK)])


def _edge_aggregate(qa, qbt, kva, kvb, s_full, t_full):
    mesh = plsc.VectorSubcoreMesh(core_axis_name="c", subcore_axis_name="s")
    f = functools.partial(
        pl.kernel,
        mesh=mesh,
        compiler_params=pltpu.CompilerParams(
            needs_layout_passes=False, use_tc_tiling_on_sc=False),
        out_type=jax.ShapeDtypeStruct((2, NPAD, ROWW), jnp.float32),
        scratch_types=[
            pltpu.VMEM((CHUNK,), jnp.int32),
            pltpu.VMEM((CHUNK,), jnp.int32),
            pltpu.VMEM((CHUNK, 64), jnp.float32),
            pltpu.VMEM((CHUNK, 128), jnp.float32),
            pltpu.VMEM((CHUNK, ROWW), jnp.float32),
            pltpu.VMEM_SHARED((NPAD, ROWW), jnp.float32),
            pltpu.SemaphoreType.DMA,
            pltpu.SemaphoreType.DMA,
        ],
    )(_edge_body)
    return f(qa, qbt, kva, kvb, s_full, t_full)


def _finalize_body(acc_ref, out_ref):
    a0 = acc_ref[0]
    a1 = acc_ref[1]
    k_ix = lax.broadcasted_iota(jnp.int32, (ROWW, DIM), 0)
    j_ix = lax.broadcasted_iota(jnp.int32, (ROWW, DIM), 1)
    m0 = jnp.where((k_ix < 64) & (j_ix == k_ix), 1.0, 0.0)
    m1 = jnp.where((k_ix < 64) & (j_ix == 64 + k_ix), 1.0, 0.0)
    d0 = jnp.where((k_ix >= 64) & (k_ix < 66) & (j_ix // DH == k_ix - 64),
                   1.0, 0.0)
    d1 = jnp.where((k_ix >= 64) & (k_ix < 66) & (j_ix // DH == k_ix - 62),
                   1.0, 0.0)
    dn = (((1,), (0,)), ((), ()))
    v = (lax.dot_general(a0, m0, dn, preferred_element_type=jnp.float32)
         + lax.dot_general(a1, m1, dn, preferred_element_type=jnp.float32))
    den = (lax.dot_general(a0, d0, dn, preferred_element_type=jnp.float32)
           + lax.dot_general(a1, d1, dn, preferred_element_type=jnp.float32))
    out_ref[...] = v / (den + 1e-16)


def _finalize(acc2):
    blk = 256
    grid = NPAD // blk
    return pl.pallas_call(
        _finalize_body,
        grid=(grid,),
        in_specs=[pl.BlockSpec((2, blk, ROWW), lambda i: (0, i, 0))],
        out_specs=pl.BlockSpec((blk, DIM), lambda i: (i, 0)),
        out_shape=jax.ShapeDtypeStruct((NPAD, DIM), jnp.float32),
    )(acc2)


def kernel(x, edge_index, qkv_w, qkv_b):
    s = edge_index[0].astype(jnp.int32)
    t = edge_index[1].astype(jnp.int32)
    npadrows = NPAD - N
    pad_idx = (N + (jnp.arange(EPAD - E, dtype=jnp.int32) % npadrows))
    s_full = jnp.concatenate([s, pad_idx])
    t_full = jnp.concatenate([t, pad_idx])

    x_pad = jnp.zeros((NPAD, DIM), jnp.float32).at[:N].set(x)
    b2 = qkv_b.reshape(1, 3 * DIM)

    qa, qbt, kva, kvb = _qkv_tables(x_pad, qkv_w, b2)
    acc2 = _edge_aggregate(qa, qbt, kva, kvb, s_full, t_full)
    out_pad = _finalize(acc2)
    return out_pad[:N]

# --- scband reference (transcript-rebuilt; emitter-appended) ---
"""Pipeline reference for scband-self-attention-block-33595234189476 (READ-ONLY COPY).

The authoritative reference and input builder live on the scoring server;
editing this copy changes nothing except your own understanding.
"""

import jax, jax.numpy as jnp
import numpy as np

N = 10000
E = 320000
DIM = 128
H = 4
DH = DIM // H
QK_SCALE = (DIM // H) ** (-0.5)


def setup_inputs(seed: int = 0) -> dict:
    key = jax.random.key(seed)
    k1, k2, k3, k4 = jax.random.split(key, 4)
    x = jax.random.normal(k1, (N, DIM), dtype=jnp.float32)
    edge_index = jax.random.randint(k2, (2, E), 0, N, dtype=jnp.int64)
    qkv_w = jax.random.normal(k3, (3 * DIM, DIM), dtype=jnp.float32) * (1.0 / np.sqrt(DIM))
    qkv_b = jax.random.normal(k4, (3 * DIM,), dtype=jnp.float32) * 0.02
    return {"x": x, "edge_index": edge_index, "qkv_w": qkv_w, "qkv_b": qkv_b}


def reference(x, edge_index, qkv_w, qkv_b):
    n = x.shape[0]
    e = edge_index.shape[1]
    # qkv linear projection
    qkv = (x @ qkv_w.T + qkv_b).reshape(n, 3, H, DH)
    s = edge_index[0]
    t = edge_index[1]
    # gather per-edge q (from source/querying node), k and v (from target node)
    q = qkv[s, 0]  # (E, H, DH)
    k = qkv[t, 1]  # (E, H, DH)
    v = qkv[t, 2]  # (E, H, DH)
    q = q * QK_SCALE
    # per-edge, per-head compatibility
    compat = jnp.einsum('ehd,ehd->eh', q, k)  # (E, H)
    # segment (sparse) softmax over edges grouped by source node
    cmax = jax.ops.segment_max(compat, s, num_segments=n)  # (N, H)
    ex = jnp.exp(compat - cmax[s])
    denom = jax.ops.segment_sum(ex, s, num_segments=n)  # (N, H)
    attn = ex / (denom[s] + 1e-16)  # (E, H)
    # weighted values, scatter-sum back to nodes
    msg = (v * attn[:, :, None]).reshape(e, DIM)
    out = jax.ops.segment_sum(msg, s, num_segments=n)  # (N, DIM)
    return out

if __name__ == "__main__":
    import jax
    _d = setup_inputs()
    print(jax.jit(kernel)(*tuple(_d.values())))

</pallas_src>

<mosaic_0001>
#map = affine_map<(d0, d1) -> (0, 0)>
#map1 = affine_map<(d0, d1) -> (0)>
#map2 = affine_map<(d0, d1) -> (0, 0, 0)>
module attributes {stable_mosaic.version = 14 : i64} {
  func.func @_edge_body(%arg0: i32, %arg1: i32, %arg2: memref<10240x64xf32, #tpu.memory_space<hbm>>, %arg3: memref<10240x64xf32, #tpu.memory_space<hbm>>, %arg4: memref<10240x128xf32, #tpu.memory_space<hbm>>, %arg5: memref<10240x128xf32, #tpu.memory_space<hbm>>, %arg6: memref<327680xi32, #tpu.memory_space<hbm>>, %arg7: memref<327680xi32, #tpu.memory_space<hbm>>, %arg8: memref<2x10240x80xf32, #tpu.memory_space<hbm>>, %arg9: memref<128xi32, #tpu.memory_space<vmem>>, %arg10: memref<128xi32, #tpu.memory_space<vmem>>, %arg11: memref<128x64xf32, #tpu.memory_space<vmem>>, %arg12: memref<128x128xf32, #tpu.memory_space<vmem>>, %arg13: memref<128x80xf32, #tpu.memory_space<vmem>>, %arg14: memref<10240x80xf32, #tpu.memory_space<vmem_shared>>, %arg15: memref<!tpu.dma_semaphore, #tpu.memory_space<semaphore_mem>>, %arg16: memref<!tpu.dma_semaphore, #tpu.memory_space<semaphore_mem>>) attributes {dimension_semantics = [#tpu.dimension_semantics<core_parallel>, #tpu.dimension_semantics<subcore_parallel>], iteration_bounds = array<i64: 2, 16>, scalar_prefetch = 0 : i64, scratch_operands = 8 : i64, tpu.core_type = #tpu.core_type<sc_vector_subcore>, window_params = [{transform_indices = #map}, {transform_indices = #map}, {transform_indices = #map}, {transform_indices = #map}, {transform_indices = #map1}, {transform_indices = #map1}, {transform_indices = #map2}]} {
    %broadcast_in_dim3A = arith.constant 0.000000e+00 : f32
    %broadcast_in_dim3A_0 = vector.broadcast %broadcast_in_dim3A : f32 to vector<16xf32>
    %iota3A = tpu.iota {dimensions = array<i32: 0>} : vector<16xi32>
    %broadcast_in_dim3A_1 = arith.constant 1 : i32
    %broadcast_in_dim3A_2 = vector.broadcast %broadcast_in_dim3A_1 : i32 to vector<16xi32>
    %scan3A = arith.constant 0 : i32
    %scan3A_3 = arith.constant 0 : i32
    %scan3A_4 = arith.constant 128 : i32
    %scan3A_5 = arith.addi %scan3A_3, %scan3A_4 : i32
    %scan3A_6 = arith.constant 1 : i32
    scf.for %scan3A_55 = %scan3A_3 to %scan3A_5 step %scan3A_6  : i32 {
      %swap3A = arith.index_cast %scan3A_55 : i32 to index
      %swap3A_56 = arith.constant 0 : index
      %swap3A_57 = tpu.vector_load %arg13[%swap3A, %swap3A_56] {strides = array<i32>} : memref<128x80xf32, #tpu.memory_space<vmem>>, vector<16xf32>,
      tpu.vector_store %arg13[%swap3A, %swap3A_56], %broadcast_in_dim3A_0 {strides = array<i32>} : memref<128x80xf32, #tpu.memory_space<vmem>>, vector<16xf32>,
      %swap3A_58 = arith.index_cast %scan3A_55 : i32 to index
      %swap3A_59 = arith.constant 16 : index
      %swap3A_60 = tpu.vector_load %arg13[%swap3A_58, %swap3A_59] {strides = array<i32>} : memref<128x80xf32, #tpu.memory_space<vmem>>, vector<16xf32>,
      tpu.vector_store %arg13[%swap3A_58, %swap3A_59], %broadcast_in_dim3A_0 {strides = array<i32>} : memref<128x80xf32, #tpu.memory_space<vmem>>, vector<16xf32>,
      %swap3A_61 = arith.index_cast %scan3A_55 : i32 to index
      %swap3A_62 = arith.constant 32 : index
      %swap3A_63 = tpu.vector_load %arg13[%swap3A_61, %swap3A_62] {strides = array<i32>} : memref<128x80xf32, #tpu.memory_space<vmem>>, vector<16xf32>,
      tpu.vector_store %arg13[%swap3A_61, %swap3A_62], %broadcast_in_dim3A_0 {strides = array<i32>} : memref<128x80xf32, #tpu.memory_space<vmem>>, vector<16xf32>,
      %swap3A_64 = arith.index_cast %scan3A_55 : i32 to index
      %swap3A_65 = arith.constant 48 : index
      %swap3A_66 = tpu.vector_load %arg13[%swap3A_64, %swap3A_65] {strides = array<i32>} : memref<128x80xf32, #tpu.memory_space<vmem>>, vector<16xf32>,
      tpu.vector_store %arg13[%swap3A_64, %swap3A_65], %broadcast_in_dim3A_0 {strides = array<i32>} : memref<128x80xf32, #tpu.memory_space<vmem>>, vector<16xf32>,
      %swap3A_67 = arith.index_cast %scan3A_55 : i32 to index
      %swap3A_68 = arith.constant 64 : index
      %swap3A_69 = tpu.vector_load %arg13[%swap3A_67, %swap3A_68] {strides = array<i32>} : memref<128x80xf32, #tpu.memory_space<vmem>>, vector<16xf32>,
      tpu.vector_store %arg13[%swap3A_67, %swap3A_68], %broadcast_in_dim3A_0 {strides = array<i32>} : memref<128x80xf32, #tpu.memory_space<vmem>>, vector<16xf32>,
    }
    %scan3A_7 = arith.constant 128 : i32
    %mul3A = arith.constant 640 : i32
    %mul3A_8 = arith.muli %arg1, %mul3A : i32
    %add3A = arith.constant 0 : i32
    %add3A_9 = arith.addi %mul3A_8, %add3A : i32
    "tpu.region"() ({
      %run_scoped3A = tpu.sem_alloc : memref<!tpu.dma_semaphore, #tpu.memory_space<semaphore_mem>>
      %dma_start3A = arith.constant 0 : i32
      %dma_start3A_55 = tpu.memref_slice %arg14[%add3A_9, %dma_start3A] : memref<10240x80xf32, #tpu.memory_space<vmem_shared>> -> memref<128x80xf32, #tpu.memory_space<vmem_shared>>
      %dma_start3A_56 = arith.constant 0 : i32
      %dma_start3A_57 = tpu.memref_slice %arg14[%add3A_9, %dma_start3A_56] : memref<10240x80xf32, #tpu.memory_space<vmem_shared>> -> memref<128x80xf32, #tpu.memory_space<vmem_shared>>
      tpu.enqueue_dma source(%arg13 : memref<128x80xf32, #tpu.memory_space<vmem>>) target(%dma_start3A_57 : memref<128x80xf32, #tpu.memory_space<vmem_shared>>) target_semaphore(%run_scoped3A : memref<!tpu.dma_semaphore, #tpu.memory_space<semaphore_mem>>)
      %dma_wait3A = arith.constant 0 : i32
      %dma_wait3A_58 = tpu.memref_slice %arg14[%add3A_9, %dma_wait3A] : memref<10240x80xf32, #tpu.memory_space<vmem_shared>> -> memref<128x80xf32, #tpu.memory_space<vmem_shared>>
      %dma_wait3A_59 = arith.constant 0 : i32
      %dma_wait3A_60 = tpu.memref_slice %arg14[%add3A_9, %dma_wait3A_59] : memref<10240x80xf32, #tpu.memory_space<vmem_shared>> -> memref<128x80xf32, #tpu.memory_space<vmem_shared>>
      tpu.wait_dma2 semaphore(%run_scoped3A : memref<!tpu.dma_semaphore, #tpu.memory_space<semaphore_mem>>) src(%arg13 : memref<128x80xf32, #tpu.memory_space<vmem>>) dst(%dma_wait3A_60 : memref<128x80xf32, #tpu.memory_space<vmem_shared>>)
      tpu.yield
    }) : () -> ()
    %mul3A_10 = arith.constant 640 : i32
    %mul3A_11 = arith.muli %arg1, %mul3A_10 : i32
    %add3A_12 = arith.constant 128 : i32
    %add3A_13 = arith.addi %mul3A_11, %add3A_12 : i32
    "tpu.region"() ({
      %run_scoped3A = tpu.sem_alloc : memref<!tpu.dma_semaphore, #tpu.memory_space<semaphore_mem>>
      %dma_start3A = arith.constant 0 : i32
      %dma_start3A_55 = tpu.memref_slice %arg14[%add3A_13, %dma_start3A] : memref<10240x80xf32, #tpu.memory_space<vmem_shared>> -> memref<128x80xf32, #tpu.memory_space<vmem_shared>>
      %dma_start3A_56 = arith.constant 0 : i32
      %dma_start3A_57 = tpu.memref_slice %arg14[%add3A_13, %dma_start3A_56] : memref<10240x80xf32, #tpu.memory_space<vmem_shared>> -> memref<128x80xf32, #tpu.memory_space<vmem_shared>>
      tpu.enqueue_dma source(%arg13 : memref<128x80xf32, #tpu.memory_space<vmem>>) target(%dma_start3A_57 : memref<128x80xf32, #tpu.memory_space<vmem_shared>>) target_semaphore(%run_scoped3A : memref<!tpu.dma_semaphore, #tpu.memory_space<semaphore_mem>>)
      %dma_wait3A = arith.constant 0 : i32
      %dma_wait3A_58 = tpu.memref_slice %arg14[%add3A_13, %dma_wait3A] : memref<10240x80xf32, #tpu.memory_space<vmem_shared>> -> memref<128x80xf32, #tpu.memory_space<vmem_shared>>
      %dma_wait3A_59 = arith.constant 0 : i32
      %dma_wait3A_60 = tpu.memref_slice %arg14[%add3A_13, %dma_wait3A_59] : memref<10240x80xf32, #tpu.memory_space<vmem_shared>> -> memref<128x80xf32, #tpu.memory_space<vmem_shared>>
      tpu.wait_dma2 semaphore(%run_scoped3A : memref<!tpu.dma_semaphore, #tpu.memory_space<semaphore_mem>>) src(%arg13 : memref<128x80xf32, #tpu.memory_space<vmem>>) dst(%dma_wait3A_60 : memref<128x80xf32, #tpu.memory_space<vmem_shared>>)
      tpu.yield
    }) : () -> ()
    %mul3A_14 = arith.constant 640 : i32
    %mul3A_15 = arith.muli %arg1, %mul3A_14 : i32
    %add3A_16 = arith.constant 256 : i32
    %add3A_17 = arith.addi %mul3A_15, %add3A_16 : i32
    "tpu.region"() ({
      %run_scoped3A = tpu.sem_alloc : memref<!tpu.dma_semaphore, #tpu.memory_space<semaphore_mem>>
      %dma_start3A = arith.constant 0 : i32
      %dma_start3A_55 = tpu.memref_slice %arg14[%add3A_17, %dma_start3A] : memref<10240x80xf32, #tpu.memory_space<vmem_shared>> -> memref<128x80xf32, #tpu.memory_space<vmem_shared>>
      %dma_start3A_56 = arith.constant 0 : i32
      %dma_start3A_57 = tpu.memref_slice %arg14[%add3A_17, %dma_start3A_56] : memref<10240x80xf32, #tpu.memory_space<vmem_shared>> -> memref<128x80xf32, #tpu.memory_space<vmem_shared>>
      tpu.enqueue_dma source(%arg13 : memref<128x80xf32, #tpu.memory_space<vmem>>) target(%dma_start3A_57 : memref<128x80xf32, #tpu.memory_space<vmem_shared>>) target_semaphore(%run_scoped3A : memref<!tpu.dma_semaphore, #tpu.memory_space<semaphore_mem>>)
      %dma_wait3A = arith.constant 0 : i32
      %dma_wait3A_58 = tpu.memref_slice %arg14[%add3A_17, %dma_wait3A] : memref<10240x80xf32, #tpu.memory_space<vmem_shared>> -> memref<128x80xf32, #tpu.memory_space<vmem_shared>>
      %dma_wait3A_59 = arith.constant 0 : i32
      %dma_wait3A_60 = tpu.memref_slice %arg14[%add3A_17, %dma_wait3A_59] : memref<10240x80xf32, #tpu.memory_space<vmem_shared>> -> memref<128x80xf32, #tpu.memory_space<vmem_shared>>
      tpu.wait_dma2 semaphore(%run_scoped3A : memref<!tpu.dma_semaphore, #tpu.memory_space<semaphore_mem>>) src(%arg13 : memref<128x80xf32, #tpu.memory_space<vmem>>) dst(%dma_wait3A_60 : memref<128x80xf32, #tpu.memory_space<vmem_shared>>)
      tpu.yield
    }) : () -> ()
    %mul3A_18 = arith.constant 640 : i32
    %mul3A_19 = arith.muli %arg1, %mul3A_18 : i32
    %add3A_20 = arith.constant 384 : i32
    %add3A_21 = arith.addi %mul3A_19, %add3A_20 : i32
    "tpu.region"() ({
      %run_scoped3A = tpu.sem_alloc : memref<!tpu.dma_semaphore, #tpu.memory_space<semaphore_mem>>
      %dma_start3A = arith.constant 0 : i32
      %dma_start3A_55 = tpu.memref_slice %arg14[%add3A_21, %dma_start3A] : memref<10240x80xf32, #tpu.memory_space<vmem_shared>> -> memref<128x80xf32, #tpu.memory_space<vmem_shared>>
      %dma_start3A_56 = arith.constant 0 : i32
      %dma_start3A_57 = tpu.memref_slice %arg14[%add3A_21, %dma_start3A_56] : memref<10240x80xf32, #tpu.memory_space<vmem_shared>> -> memref<128x80xf32, #tpu.memory_space<vmem_shared>>
      tpu.enqueue_dma source(%arg13 : memref<128x80xf32, #tpu.memory_space<vmem>>) target(%dma_start3A_57 : memref<128x80xf32, #tpu.memory_space<vmem_shared>>) target_semaphore(%run_scoped3A : memref<!tpu.dma_semaphore, #tpu.memory_space<semaphore_mem>>)
      %dma_wait3A = arith.constant 0 : i32
      %dma_wait3A_58 = tpu.memref_slice %arg14[%add3A_21, %dma_wait3A] : memref<10240x80xf32, #tpu.memory_space<vmem_shared>> -> memref<128x80xf32, #tpu.memory_space<vmem_shared>>
      %dma_wait3A_59 = arith.constant 0 : i32
      %dma_wait3A_60 = tpu.memref_slice %arg14[%add3A_21, %dma_wait3A_59] : memref<10240x80xf32, #tpu.memory_space<vmem_shared>> -> memref<128x80xf32, #tpu.memory_space<vmem_shared>>
      tpu.wait_dma2 semaphore(%run_scoped3A : memref<!tpu.dma_semaphore, #tpu.memory_space<semaphore_mem>>) src(%arg13 : memref<128x80xf32, #tpu.memory_space<vmem>>) dst(%dma_wait3A_60 : memref<128x80xf32, #tpu.memory_space<vmem_shared>>)
      tpu.yield
    }) : () -> ()
    %mul3A_22 = arith.constant 640 : i32
    %mul3A_23 = arith.muli %arg1, %mul3A_22 : i32
    %add3A_24 = arith.constant 512 : i32
    %add3A_25 = arith.addi %mul3A_23, %add3A_24 : i32
    "tpu.region"() ({
      %run_scoped3A = tpu.sem_alloc : memref<!tpu.dma_semaphore, #tpu.memory_space<semaphore_mem>>
      %dma_start3A = arith.constant 0 : i32
      %dma_start3A_55 = tpu.memref_slice %arg14[%add3A_25, %dma_start3A] : memref<10240x80xf32, #tpu.memory_space<vmem_shared>> -> memref<128x80xf32, #tpu.memory_space<vmem_shared>>
      %dma_start3A_56 = arith.constant 0 : i32
      %dma_start3A_57 = tpu.memref_slice %arg14[%add3A_25, %dma_start3A_56] : memref<10240x80xf32, #tpu.memory_space<vmem_shared>> -> memref<128x80xf32, #tpu.memory_space<vmem_shared>>
      tpu.enqueue_dma source(%arg13 : memref<128x80xf32, #tpu.memory_space<vmem>>) target(%dma_start3A_57 : memref<128x80xf32, #tpu.memory_space<vmem_shared>>) target_semaphore(%run_scoped3A : memref<!tpu.dma_semaphore, #tpu.memory_space<semaphore_mem>>)
      %dma_wait3A = arith.constant 0 : i32
      %dma_wait3A_58 = tpu.memref_slice %arg14[%add3A_25, %dma_wait3A] : memref<10240x80xf32, #tpu.memory_space<vmem_shared>> -> memref<128x80xf32, #tpu.memory_space<vmem_shared>>
      %dma_wait3A_59 = arith.constant 0 : i32
      %dma_wait3A_60 = tpu.memref_slice %arg14[%add3A_25, %dma_wait3A_59] : memref<10240x80xf32, #tpu.memory_space<vmem_shared>> -> memref<128x80xf32, #tpu.memory_space<vmem_shared>>
      tpu.wait_dma2 semaphore(%run_scoped3A : memref<!tpu.dma_semaphore, #tpu.memory_space<semaphore_mem>>) src(%arg13 : memref<128x80xf32, #tpu.memory_space<vmem>>) dst(%dma_wait3A_60 : memref<128x80xf32, #tpu.memory_space<vmem_shared>>)
      tpu.yield
    }) : () -> ()
    %barrier3A = arith.constant 0 : index
    tpu.barrier barrier_id(%barrier3A)
    %mul3A_26 = arith.constant 20480 : i32
    %mul3A_27 = arith.muli %arg1, %mul3A_26 : i32
    %scan3A_28 = arith.constant 0 : i32
    %scan3A_29 = arith.constant 0 : i32
    %scan3A_30 = arith.constant 160 : i32
    %scan3A_31 = arith.addi %scan3A_29, %scan3A_30 : i32
    %scan3A_32 = arith.constant 1 : i32
    scf.for %scan3A_55 = %scan3A_29 to %scan3A_31 step %scan3A_32  : i32 {
      %mul3A_56 = arith.constant 128 : i32
      %mul3A_57 = arith.muli %scan3A_55, %mul3A_56 : i32
      %add3A_58 = arith.addi %mul3A_27, %mul3A_57 : i32
      "tpu.region"() ({
        %run_scoped3A = tpu.sem_alloc : memref<!tpu.dma_semaphore, #tpu.memory_space<semaphore_mem>>
        %dma_start3A = tpu.memref_slice %arg6[%add3A_58] : memref<327680xi32, #tpu.memory_space<hbm>> -> memref<128xi32, #tpu.memory_space<hbm>>
        %dma_start3A_72 = tpu.memref_slice %arg6[%add3A_58] : memref<327680xi32, #tpu.memory_space<hbm>> -> memref<128xi32, #tpu.memory_space<hbm>>
        tpu.enqueue_dma source(%dma_start3A_72 : memref<128xi32, #tpu.memory_space<hbm>>) target(%arg9 : memref<128xi32, #tpu.memory_space<vmem>>) target_semaphore(%run_scoped3A : memref<!tpu.dma_semaphore, #tpu.memory_space<semaphore_mem>>)
        %dma_wait3A = tpu.memref_slice %arg6[%add3A_58] : memref<327680xi32, #tpu.memory_space<hbm>> -> memref<128xi32, #tpu.memory_space<hbm>>
        %dma_wait3A_73 = tpu.memref_slice %arg6[%add3A_58] : memref<327680xi32, #tpu.memory_space<hbm>> -> memref<128xi32, #tpu.memory_space<hbm>>
        tpu.wait_dma2 semaphore(%run_scoped3A : memref<!tpu.dma_semaphore, #tpu.memory_space<semaphore_mem>>) src(%dma_wait3A_73 : memref<128xi32, #tpu.memory_space<hbm>>) dst(%arg9 : memref<128xi32, #tpu.memory_space<vmem>>)
        tpu.yield
      }) : () -> ()
      "tpu.region"() ({
        %run_scoped3A = tpu.sem_alloc : memref<!tpu.dma_semaphore, #tpu.memory_space<semaphore_mem>>
        %dma_start3A = tpu.memref_slice %arg7[%add3A_58] : memref<327680xi32, #tpu.memory_space<hbm>> -> memref<128xi32, #tpu.memory_space<hbm>>
        %dma_start3A_72 = tpu.memref_slice %arg7[%add3A_58] : memref<327680xi32, #tpu.memory_space<hbm>> -> memref<128xi32, #tpu.memory_space<hbm>>
        tpu.enqueue_dma source(%dma_start3A_72 : memref<128xi32, #tpu.memory_space<hbm>>) target(%arg10 : memref<128xi32, #tpu.memory_space<vmem>>) target_semaphore(%run_scoped3A : memref<!tpu.dma_semaphore, #tpu.memory_space<semaphore_mem>>)
        %dma_wait3A = tpu.memref_slice %arg7[%add3A_58] : memref<327680xi32, #tpu.memory_space<hbm>> -> memref<128xi32, #tpu.memory_space<hbm>>
        %dma_wait3A_73 = tpu.memref_slice %arg7[%add3A_58] : memref<327680xi32, #tpu.memory_space<hbm>> -> memref<128xi32, #tpu.memory_space<hbm>>
        tpu.wait_dma2 semaphore(%run_scoped3A : memref<!tpu.dma_semaphore, #tpu.memory_space<semaphore_mem>>) src(%dma_wait3A_73 : memref<128xi32, #tpu.memory_space<hbm>>) dst(%arg10 : memref<128xi32, #tpu.memory_space<vmem>>)
        tpu.yield
      }) : () -> ()
      %eq3A = arith.constant 0 : i32
      %eq3A_59 = arith.cmpi eq, %arg0, %eq3A : i32
      %convert_element_type3A = arith.extui %eq3A_59 : i1 to i32
      %cond3A = arith.constant 0 : i32
      %cond3A_60 = arith.cmpi ne, %convert_element_type3A, %cond3A : i32
      scf.if %cond3A_60 {
        %dma_start3A = arith.constant 0 : i32
        %dma_start3A_72 = arith.constant 0 : i32
        %dma_start3A_73 = tpu.memref_slice %arg2[%dma_start3A, %dma_start3A_72] : memref<10240x64xf32, #tpu.memory_space<hbm>> -> memref<10240x64xf32, #tpu.memory_space<hbm>>
        tpu.enqueue_indirect_dma source(%dma_start3A_73 : memref<10240x64xf32, #tpu.memory_space<hbm>>) target(%arg11 : memref<128x64xf32, #tpu.memory_space<vmem>>) offsets(%arg9 : memref<128xi32, #tpu.memory_space<vmem>>) semaphore(%arg15 : memref<!tpu.dma_semaphore, #tpu.memory_space<semaphore_mem>>)
        %dma_start3A_74 = arith.constant 0 : i32
        %dma_start3A_75 = arith.constant 0 : i32
        %dma_start3A_76 = tpu.memref_slice %arg4[%dma_start3A_74, %dma_start3A_75] : memref<10240x128xf32, #tpu.memory_space<hbm>> -> memref<10240x128xf32, #tpu.memory_space<hbm>>
        tpu.enqueue_indirect_dma source(%dma_start3A_76 : memref<10240x128xf32, #tpu.memory_space<hbm>>) target(%arg12 : memref<128x128xf32, #tpu.memory_space<vmem>>) offsets(%arg10 : memref<128xi32, #tpu.memory_space<vmem>>) semaphore(%arg16 : memref<!tpu.dma_semaphore, #tpu.memory_space<semaphore_mem>>)
        %dma_wait3A = arith.constant 0 : i32
        %dma_wait3A_77 = arith.constant 0 : i32
        %dma_wait3A_78 = tpu.memref_slice %arg2[%dma_wait3A, %dma_wait3A_77] : memref<10240x64xf32, #tpu.memory_space<hbm>> -> memref<10240x64xf32, #tpu.memory_space<hbm>>
        tpu.wait_indirect_dma semaphore(%arg15 : memref<!tpu.dma_semaphore, #tpu.memory_space<semaphore_mem>>) src(%dma_wait3A_78 : memref<10240x64xf32, #tpu.memory_space<hbm>>) dst(%arg11 : memref<128x64xf32, #tpu.memory_space<vmem>>)
        %dma_wait3A_79 = arith.constant 0 : i32
        %dma_wait3A_80 = arith.constant 0 : i32
        %dma_wait3A_81 = tpu.memref_slice %arg4[%dma_wait3A_79, %dma_wait3A_80] : memref<10240x128xf32, #tpu.memory_space<hbm>> -> memref<10240x128xf32, #tpu.memory_space<hbm>>
        tpu.wait_indirect_dma semaphore(%arg16 : memref<!tpu.dma_semaphore, #tpu.memory_space<semaphore_mem>>) src(%dma_wait3A_81 : memref<10240x128xf32, #tpu.memory_space<hbm>>) dst(%arg12 : memref<128x128xf32, #tpu.memory_space<vmem>>)
      } else {
      }
      %eq3A_61 = arith.constant 1 : i32
      %eq3A_62 = arith.cmpi eq, %arg0, %eq3A_61 : i32
      %convert_element_type3A_63 = arith.extui %eq3A_62 : i1 to i32
      %cond3A_64 = arith.constant 0 : i32
      %cond3A_65 = arith.cmpi ne, %convert_element_type3A_63, %cond3A_64 : i32
      scf.if %cond3A_65 {
        %dma_start3A = arith.constant 0 : i32
        %dma_start3A_72 = arith.constant 0 : i32
        %dma_start3A_73 = tpu.memref_slice %arg3[%dma_start3A, %dma_start3A_72] : memref<10240x64xf32, #tpu.memory_space<hbm>> -> memref<10240x64xf32, #tpu.memory_space<hbm>>
        tpu.enqueue_indirect_dma source(%dma_start3A_73 : memref<10240x64xf32, #tpu.memory_space<hbm>>) target(%arg11 : memref<128x64xf32, #tpu.memory_space<vmem>>) offsets(%arg9 : memref<128xi32, #tpu.memory_space<vmem>>) semaphore(%arg15 : memref<!tpu.dma_semaphore, #tpu.memory_space<semaphore_mem>>)
        %dma_start3A_74 = arith.constant 0 : i32
        %dma_start3A_75 = arith.constant 0 : i32
        %dma_start3A_76 = tpu.memref_slice %arg5[%dma_start3A_74, %dma_start3A_75] : memref<10240x128xf32, #tpu.memory_space<hbm>> -> memref<10240x128xf32, #tpu.memory_space<hbm>>
        tpu.enqueue_indirect_dma source(%dma_start3A_76 : memref<10240x128xf32, #tpu.memory_space<hbm>>) target(%arg12 : memref<128x128xf32, #tpu.memory_space<vmem>>) offsets(%arg10 : memref<128xi32, #tpu.memory_space<vmem>>) semaphore(%arg16 : memref<!tpu.dma_semaphore, #tpu.memory_space<semaphore_mem>>)
        %dma_wait3A = arith.constant 0 : i32
        %dma_wait3A_77 = arith.constant 0 : i32
        %dma_wait3A_78 = tpu.memref_slice %arg3[%dma_wait3A, %dma_wait3A_77] : memref<10240x64xf32, #tpu.memory_space<hbm>> -> memref<10240x64xf32, #tpu.memory_space<hbm>>
        tpu.wait_indirect_dma semaphore(%arg15 : memref<!tpu.dma_semaphore, #tpu.memory_space<semaphore_mem>>) src(%dma_wait3A_78 : memref<10240x64xf32, #tpu.memory_space<hbm>>) dst(%arg11 : memref<128x64xf32, #tpu.memory_space<vmem>>)
        %dma_wait3A_79 = arith.constant 0 : i32
        %dma_wait3A_80 = arith.constant 0 : i32
        %dma_wait3A_81 = tpu.memref_slice %arg5[%dma_wait3A_79, %dma_wait3A_80] : memref<10240x128xf32, #tpu.memory_space<hbm>> -> memref<10240x128xf32, #tpu.memory_space<hbm>>
        tpu.wait_indirect_dma semaphore(%arg16 : memref<!tpu.dma_semaphore, #tpu.memory_space<semaphore_mem>>) src(%dma_wait3A_81 : memref<10240x128xf32, #tpu.memory_space<hbm>>) dst(%arg12 : memref<128x128xf32, #tpu.memory_space<vmem>>)
      } else {
      }
      %scan3A_66 = arith.constant 0 : i32
      %scan3A_67 = arith.constant 0 : i32
      %scan3A_68 = arith.constant 8 : i32
      %scan3A_69 = arith.addi %scan3A_67, %scan3A_68 : i32
      %scan3A_70 = arith.constant 1 : i32
      scf.for %scan3A_72 = %scan3A_67 to %scan3A_69 step %scan3A_70  : i32 {
        %mul3A_73 = arith.constant 16 : i32
        %mul3A_74 = arith.muli %scan3A_72, %mul3A_73 : i32
        %add3A_75 = vector.broadcast %mul3A_74 : i32 to vector<16xi32>
        %add3A_76 = arith.addi %iota3A, %add3A_75 : vector<16xi32>
        %broadcast_in_dim3A_77 = arith.constant 0 : i32
        %broadcast_in_dim3A_78 = vector.broadcast %broadcast_in_dim3A_77 : i32 to vector<16xi32>
        %gather3A = tpu.vector_load_idx %arg11[%add3A_76, %broadcast_in_dim3A_78] : memref<128x64xf32, #tpu.memory_space<vmem>>[vector<16xi32>, vector<16xi32>], vector<16xf32>,
        %gather3A_79 = tpu.vector_load_idx %arg12[%add3A_76, %broadcast_in_dim3A_78] : memref<128x128xf32, #tpu.memory_space<vmem>>[vector<16xi32>, vector<16xi32>], vector<16xf32>,
        %mul3A_80 = arith.mulf %gather3A, %gather3A_79 : vector<16xf32>
        %add3A_81 = arith.addf %broadcast_in_dim3A_0, %mul3A_80 : vector<16xf32>
        %add3A_82 = arith.addi %broadcast_in_dim3A_78, %broadcast_in_dim3A_2 : vector<16xi32>
        %gather3A_83 = tpu.vector_load_idx %arg11[%add3A_76, %add3A_82] : memref<128x64xf32, #tpu.memory_space<vmem>>[vector<16xi32>, vector<16xi32>], vector<16xf32>,
        %gather3A_84 = tpu.vector_load_idx %arg12[%add3A_76, %add3A_82] : memref<128x128xf32, #tpu.memory_space<vmem>>[vector<16xi32>, vector<16xi32>], vector<16xf32>,
        %mul3A_85 = arith.mulf %gather3A_83, %gather3A_84 : vector<16xf32>
        %add3A_86 = arith.addf %add3A_81, %mul3A_85 : vector<16xf32>
        %add3A_87 = arith.addi %add3A_82, %broadcast_in_dim3A_2 : vector<16xi32>
        %gather3A_88 = tpu.vector_load_idx %arg11[%add3A_76, %add3A_87] : memref<128x64xf32, #tpu.memory_space<vmem>>[vector<16xi32>, vector<16xi32>], vector<16xf32>,
        %gather3A_89 = tpu.vector_load_idx %arg12[%add3A_76, %add3A_87] : memref<128x128xf32, #tpu.memory_space<vmem>>[vector<16xi32>, vector<16xi32>], vector<16xf32>,
        %mul3A_90 = arith.mulf %gather3A_88, %gather3A_89 : vector<16xf32>
        %add3A_91 = arith.addf %add3A_86, %mul3A_90 : vector<16xf32>
        %add3A_92 = arith.addi %add3A_87, %broadcast_in_dim3A_2 : vector<16xi32>
        %gather3A_93 = tpu.vector_load_idx %arg11[%add3A_76, %add3A_92] : memref<128x64xf32, #tpu.memory_space<vmem>>[vector<16xi32>, vector<16xi32>], vector<16xf32>,
        %gather3A_94 = tpu.vector_load_idx %arg12[%add3A_76, %add3A_92] : memref<128x128xf32, #tpu.memory_space<vmem>>[vector<16xi32>, vector<16xi32>], vector<16xf32>,
        %mul3A_95 = arith.mulf %gather3A_93, %gather3A_94 : vector<16xf32>
        %add3A_96 = arith.addf %add3A_91, %mul3A_95 : vector<16xf32>
        %add3A_97 = arith.addi %add3A_92, %broadcast_in_dim3A_2 : vector<16xi32>
        %gather3A_98 = tpu.vector_load_idx %arg11[%add3A_76, %add3A_97] : memref<128x64xf32, #tpu.memory_space<vmem>>[vector<16xi32>, vector<16xi32>], vector<16xf32>,
        %gather3A_99 = tpu.vector_load_idx %arg12[%add3A_76, %add3A_97] : memref<128x128xf32, #tpu.memory_space<vmem>>[vector<16xi32>, vector<16xi32>], vector<16xf32>,
        %mul3A_100 = arith.mulf %gather3A_98, %gather3A_99 : vector<16xf32>
        %add3A_101 = arith.addf %add3A_96, %mul3A_100 : vector<16xf32>
        %add3A_102 = arith.addi %add3A_97, %broadcast_in_dim3A_2 : vector<16xi32>
        %gather3A_103 = tpu.vector_load_idx %arg11[%add3A_76, %add3A_102] : memref<128x64xf32, #tpu.memory_space<vmem>>[vector<16xi32>, vector<16xi32>], vector<16xf32>,
        %gather3A_104 = tpu.vector_load_idx %arg12[%add3A_76, %add3A_102] : memref<128x128xf32, #tpu.memory_space<vmem>>[vector<16xi32>, vector<16xi32>], vector<16xf32>,
        %mul3A_105 = arith.mulf %gather3A_103, %gather3A_104 : vector<16xf32>
        %add3A_106 = arith.addf %add3A_101, %mul3A_105 : vector<16xf32>
        %add3A_107 = arith.addi %add3A_102, %broadcast_in_dim3A_2 : vector<16xi32>
        %gather3A_108 = tpu.vector_load_idx %arg11[%add3A_76, %add3A_107] : memref<128x64xf32, #tpu.memory_space<vmem>>[vector<16xi32>, vector<16xi32>], vector<16xf32>,
        %gather3A_109 = tpu.vector_load_idx %arg12[%add3A_76, %add3A_107] : memref<128x128xf32, #tpu.memory_space<vmem>>[vector<16xi32>, vector<16xi32>], vector<16xf32>,
        %mul3A_110 = arith.mulf %gather3A_108, %gather3A_109 : vector<16xf32>
        %add3A_111 = arith.addf %add3A_106, %mul3A_110 : vector<16xf32>
        %add3A_112 = arith.addi %add3A_107, %broadcast_in_dim3A_2 : vector<16xi32>
        %gather3A_113 = tpu.vector_load_idx %arg11[%add3A_76, %add3A_112] : memref<128x64xf32, #tpu.memory_space<vmem>>[vector<16xi32>, vector<16xi32>], vector<16xf32>,
        %gather3A_114 = tpu.vector_load_idx %arg12[%add3A_76, %add3A_112] : memref<128x128xf32, #tpu.memory_space<vmem>>[vector<16xi32>, vector<16xi32>], vector<16xf32>,
        %mul3A_115 = arith.mulf %gather3A_113, %gather3A_114 : vector<16xf32>
        %add3A_116 = arith.addf %add3A_111, %mul3A_115 : vector<16xf32>
        %add3A_117 = arith.addi %add3A_112, %broadcast_in_dim3A_2 : vector<16xi32>
        %gather3A_118 = tpu.vector_load_idx %arg11[%add3A_76, %add3A_117] : memref<128x64xf32, #tpu.memory_space<vmem>>[vector<16xi32>, vector<16xi32>], vector<16xf32>,
        %gather3A_119 = tpu.vector_load_idx %arg12[%add3A_76, %add3A_117] : memref<128x128xf32, #tpu.memory_space<vmem>>[vector<16xi32>, vector<16xi32>], vector<16xf32>,
        %mul3A_120 = arith.mulf %gather3A_118, %gather3A_119 : vector<16xf32>
        %add3A_121 = arith.addf %add3A_116, %mul3A_120 : vector<16xf32>
        %add3A_122 = arith.addi %add3A_117, %broadcast_in_dim3A_2 : vector<16xi32>
        %gather3A_123 = tpu.vector_load_idx %arg11[%add3A_76, %add3A_122] : memref<128x64xf32, #tpu.memory_space<vmem>>[vector<16xi32>, vector<16xi32>], vector<16xf32>,
        %gather3A_124 = tpu.vector_load_idx %arg12[%add3A_76, %add3A_122] : memref<128x128xf32, #tpu.memory_space<vmem>>[vector<16xi32>, vector<16xi32>], vector<16xf32>,
        %mul3A_125 = arith.mulf %gather3A_123, %gather3A_124 : vector<16xf32>
        %add3A_126 = arith.addf %add3A_121, %mul3A_125 : vector<16xf32>
        %add3A_127 = arith.addi %add3A_122, %broadcast_in_dim3A_2 : vector<16xi32>
        %gather3A_128 = tpu.vector_load_idx %arg11[%add3A_76, %add3A_127] : memref<128x64xf32, #tpu.memory_space<vmem>>[vector<16xi32>, vector<16xi32>], vector<16xf32>,
        %gather3A_129 = tpu.vector_load_idx %arg12[%add3A_76, %add3A_127] : memref<128x128xf32, #tpu.memory_space<vmem>>[vector<16xi32>, vector<16xi32>], vector<16xf32>,
        %mul3A_130 = arith.mulf %gather3A_128, %gather3A_129 : vector<16xf32>
        %add3A_131 = arith.addf %add3A_126, %mul3A_130 : vector<16xf32>
        %add3A_132 = arith.addi %add3A_127, %broadcast_in_dim3A_2 : vector<16xi32>
        %gather3A_133 = tpu.vector_load_idx %arg11[%add3A_76, %add3A_132] : memref<128x64xf32, #tpu.memory_space<vmem>>[vector<16xi32>, vector<16xi32>], vector<16xf32>,
        %gather3A_134 = tpu.vector_load_idx %arg12[%add3A_76, %add3A_132] : memref<128x128xf32, #tpu.memory_space<vmem>>[vector<16xi32>, vector<16xi32>], vector<16xf32>,
        %mul3A_135 = arith.mulf %gather3A_133, %gather3A_134 : vector<16xf32>
        %add3A_136 = arith.addf %add3A_131, %mul3A_135 : vector<16xf32>
        %add3A_137 = arith.addi %add3A_132, %broadcast_in_dim3A_2 : vector<16xi32>
        %gather3A_138 = tpu.vector_load_idx %arg11[%add3A_76, %add3A_137] : memref<128x64xf32, #tpu.memory_space<vmem>>[vector<16xi32>, vector<16xi32>], vector<16xf32>,
        %gather3A_139 = tpu.vector_load_idx %arg12[%add3A_76, %add3A_137] : memref<128x128xf32, #tpu.memory_space<vmem>>[vector<16xi32>, vector<16xi32>], vector<16xf32>,
        %mul3A_140 = arith.mulf %gather3A_138, %gather3A_139 : vector<16xf32>
        %add3A_141 = arith.addf %add3A_136, %mul3A_140 : vector<16xf32>
        %add3A_142 = arith.addi %add3A_137, %broadcast_in_dim3A_2 : vector<16xi32>
        %gather3A_143 = tpu.vector_load_idx %arg11[%add3A_76, %add3A_142] : memref<128x64xf32, #tpu.memory_space<vmem>>[vector<16xi32>, vector<16xi32>], vector<16xf32>,
        %gather3A_144 = tpu.vector_load_idx %arg12[%add3A_76, %add3A_142] : memref<128x128xf32, #tpu.memory_space<vmem>>[vector<16xi32>, vector<16xi32>], vector<16xf32>,
        %mul3A_145 = arith.mulf %gather3A_143, %gather3A_144 : vector<16xf32>
        %add3A_146 = arith.addf %add3A_141, %mul3A_145 : vector<16xf32>
        %add3A_147 = arith.addi %add3A_142, %broadcast_in_dim3A_2 : vector<16xi32>
        %gather3A_148 = tpu.vector_load_idx %arg11[%add3A_76, %add3A_147] : memref<128x64xf32, #tpu.memory_space<vmem>>[vector<16xi32>, vector<16xi32>], vector<16xf32>,
        %gather3A_149 = tpu.vector_load_idx %arg12[%add3A_76, %add3A_147] : memref<128x128xf32, #tpu.memory_space<vmem>>[vector<16xi32>, vector<16xi32>], vector<16xf32>,
        %mul3A_150 = arith.mulf %gather3A_148, %gather3A_149 : vector<16xf32>
        %add3A_151 = arith.addf %add3A_146, %mul3A_150 : vector<16xf32>
        %add3A_152 = arith.addi %add3A_147, %broadcast_in_dim3A_2 : vector<16xi32>
        %gather3A_153 = tpu.vector_load_idx %arg11[%add3A_76, %add3A_152] : memref<128x64xf32, #tpu.memory_space<vmem>>[vector<16xi32>, vector<16xi32>], vector<16xf32>,
        %gather3A_154 = tpu.vector_load_idx %arg12[%add3A_76, %add3A_152] : memref<128x128xf32, #tpu.memory_space<vmem>>[vector<16xi32>, vector<16xi32>], vector<16xf32>,
        %mul3A_155 = arith.mulf %gather3A_153, %gather3A_154 : vector<16xf32>
        %add3A_156 = arith.addf %add3A_151, %mul3A_155 : vector<16xf32>
        %add3A_157 = arith.addi %add3A_152, %broadcast_in_dim3A_2 : vector<16xi32>
        %gather3A_158 = tpu.vector_load_idx %arg11[%add3A_76, %add3A_157] : memref<128x64xf32, #tpu.memory_space<vmem>>[vector<16xi32>, vector<16xi32>], vector<16xf32>,
        %gather3A_159 = tpu.vector_load_idx %arg12[%add3A_76, %add3A_157] : memref<128x128xf32, #tpu.memory_space<vmem>>[vector<16xi32>, vector<16xi32>], vector<16xf32>,
        %mul3A_160 = arith.mulf %gather3A_158, %gather3A_159 : vector<16xf32>
        %add3A_161 = arith.addf %add3A_156, %mul3A_160 : vector<16xf32>
        %add3A_162 = arith.addi %add3A_157, %broadcast_in_dim3A_2 : vector<16xi32>
        %gather3A_163 = tpu.vector_load_idx %arg11[%add3A_76, %add3A_162] : memref<128x64xf32, #tpu.memory_space<vmem>>[vector<16xi32>, vector<16xi32>], vector<16xf32>,
        %gather3A_164 = tpu.vector_load_idx %arg12[%add3A_76, %add3A_162] : memref<128x128xf32, #tpu.memory_space<vmem>>[vector<16xi32>, vector<16xi32>], vector<16xf32>,
        %mul3A_165 = arith.mulf %gather3A_163, %gather3A_164 : vector<16xf32>
        %add3A_166 = arith.addf %add3A_161, %mul3A_165 : vector<16xf32>
        %add3A_167 = arith.addi %add3A_162, %broadcast_in_dim3A_2 : vector<16xi32>
        %gather3A_168 = tpu.vector_load_idx %arg11[%add3A_76, %add3A_167] : memref<128x64xf32, #tpu.memory_space<vmem>>[vector<16xi32>, vector<16xi32>], vector<16xf32>,
        %gather3A_169 = tpu.vector_load_idx %arg12[%add3A_76, %add3A_167] : memref<128x128xf32, #tpu.memory_space<vmem>>[vector<16xi32>, vector<16xi32>], vector<16xf32>,
        %mul3A_170 = arith.mulf %gather3A_168, %gather3A_169 : vector<16xf32>
        %add3A_171 = arith.addf %add3A_166, %mul3A_170 : vector<16xf32>
        %add3A_172 = arith.addi %add3A_167, %broadcast_in_dim3A_2 : vector<16xi32>
        %gather3A_173 = tpu.vector_load_idx %arg11[%add3A_76, %add3A_172] : memref<128x64xf32, #tpu.memory_space<vmem>>[vector<16xi32>, vector<16xi32>], vector<16xf32>,
        %gather3A_174 = tpu.vector_load_idx %arg12[%add3A_76, %add3A_172] : memref<128x128xf32, #tpu.memory_space<vmem>>[vector<16xi32>, vector<16xi32>], vector<16xf32>,
        %mul3A_175 = arith.mulf %gather3A_173, %gather3A_174 : vector<16xf32>
        %add3A_176 = arith.addf %add3A_171, %mul3A_175 : vector<16xf32>
        %add3A_177 = arith.addi %add3A_172, %broadcast_in_dim3A_2 : vector<16xi32>
        %gather3A_178 = tpu.vector_load_idx %arg11[%add3A_76, %add3A_177] : memref<128x64xf32, #tpu.memory_space<vmem>>[vector<16xi32>, vector<16xi32>], vector<16xf32>,
        %gather3A_179 = tpu.vector_load_idx %arg12[%add3A_76, %add3A_177] : memref<128x128xf32, #tpu.memory_space<vmem>>[vector<16xi32>, vector<16xi32>], vector<16xf32>,
        %mul3A_180 = arith.mulf %gather3A_178, %gather3A_179 : vector<16xf32>
        %add3A_181 = arith.addf %add3A_176, %mul3A_180 : vector<16xf32>
        %add3A_182 = arith.addi %add3A_177, %broadcast_in_dim3A_2 : vector<16xi32>
        %gather3A_183 = tpu.vector_load_idx %arg11[%add3A_76, %add3A_182] : memref<128x64xf32, #tpu.memory_space<vmem>>[vector<16xi32>, vector<16xi32>], vector<16xf32>,
        %gather3A_184 = tpu.vector_load_idx %arg12[%add3A_76, %add3A_182] : memref<128x128xf32, #tpu.memory_space<vmem>>[vector<16xi32>, vector<16xi32>], vector<16xf32>,
        %mul3A_185 = arith.mulf %gather3A_183, %gather3A_184 : vector<16xf32>
        %add3A_186 = arith.addf %add3A_181, %mul3A_185 : vector<16xf32>
        %add3A_187 = arith.addi %add3A_182, %broadcast_in_dim3A_2 : vector<16xi32>
        %gather3A_188 = tpu.vector_load_idx %arg11[%add3A_76, %add3A_187] : memref<128x64xf32, #tpu.memory_space<vmem>>[vector<16xi32>, vector<16xi32>], vector<16xf32>,
        %gather3A_189 = tpu.vector_load_idx %arg12[%add3A_76, %add3A_187] : memref<128x128xf32, #tpu.memory_space<vmem>>[vector<16xi32>, vector<16xi32>], vector<16xf32>,
        %mul3A_190 = arith.mulf %gather3A_188, %gather3A_189 : vector<16xf32>
        %add3A_191 = arith.addf %add3A_186, %mul3A_190 : vector<16xf32>
        %add3A_192 = arith.addi %add3A_187, %broadcast_in_dim3A_2 : vector<16xi32>
        %gather3A_193 = tpu.vector_load_idx %arg11[%add3A_76, %add3A_192] : memref<128x64xf32, #tpu.memory_space<vmem>>[vector<16xi32>, vector<16xi32>], vector<16xf32>,
        %gather3A_194 = tpu.vector_load_idx %arg12[%add3A_76, %add3A_192] : memref<128x128xf32, #tpu.memory_space<vmem>>[vector<16xi32>, vector<16xi32>], vector<16xf32>,
        %mul3A_195 = arith.mulf %gather3A_193, %gather3A_194 : vector<16xf32>
        %add3A_196 = arith.addf %add3A_191, %mul3A_195 : vector<16xf32>
        %add3A_197 = arith.addi %add3A_192, %broadcast_in_dim3A_2 : vector<16xi32>
        %gather3A_198 = tpu.vector_load_idx %arg11[%add3A_76, %add3A_197] : memref<128x64xf32, #tpu.memory_space<vmem>>[vector<16xi32>, vector<16xi32>], vector<16xf32>,
        %gather3A_199 = tpu.vector_load_idx %arg12[%add3A_76, %add3A_197] : memref<128x128xf32, #tpu.memory_space<vmem>>[vector<16xi32>, vector<16xi32>], vector<16xf32>,
        %mul3A_200 = arith.mulf %gather3A_198, %gather3A_199 : vector<16xf32>
        %add3A_201 = arith.addf %add3A_196, %mul3A_200 : vector<16xf32>
        %add3A_202 = arith.addi %add3A_197, %broadcast_in_dim3A_2 : vector<16xi32>
        %gather3A_203 = tpu.vector_load_idx %arg11[%add3A_76, %add3A_202] : memref<128x64xf32, #tpu.memory_space<vmem>>[vector<16xi32>, vector<16xi32>], vector<16xf32>,
        %gather3A_204 = tpu.vector_load_idx %arg12[%add3A_76, %add3A_202] : memref<128x128xf32, #tpu.memory_space<vmem>>[vector<16xi32>, vector<16xi32>], vector<16xf32>,
        %mul3A_205 = arith.mulf %gather3A_203, %gather3A_204 : vector<16xf32>
        %add3A_206 = arith.addf %add3A_201, %mul3A_205 : vector<16xf32>
        %add3A_207 = arith.addi %add3A_202, %broadcast_in_dim3A_2 : vector<16xi32>
        %gather3A_208 = tpu.vector_load_idx %arg11[%add3A_76, %add3A_207] : memref<128x64xf32, #tpu.memory_space<vmem>>[vector<16xi32>, vector<16xi32>], vector<16xf32>,
        %gather3A_209 = tpu.vector_load_idx %arg12[%add3A_76, %add3A_207] : memref<128x128xf32, #tpu.memory_space<vmem>>[vector<16xi32>, vector<16xi32>], vector<16xf32>,
        %mul3A_210 = arith.mulf %gather3A_208, %gather3A_209 : vector<16xf32>
        %add3A_211 = arith.addf %add3A_206, %mul3A_210 : vector<16xf32>
        %add3A_212 = arith.addi %add3A_207, %broadcast_in_dim3A_2 : vector<16xi32>
        %gather3A_213 = tpu.vector_load_idx %arg11[%add3A_76, %add3A_212] : memref<128x64xf32, #tpu.memory_space<vmem>>[vector<16xi32>, vector<16xi32>], vector<16xf32>,
        %gather3A_214 = tpu.vector_load_idx %arg12[%add3A_76, %add3A_212] : memref<128x128xf32, #tpu.memory_space<vmem>>[vector<16xi32>, vector<16xi32>], vector<16xf32>,
        %mul3A_215 = arith.mulf %gather3A_213, %gather3A_214 : vector<16xf32>
        %add3A_216 = arith.addf %add3A_211, %mul3A_215 : vector<16xf32>
        %add3A_217 = arith.addi %add3A_212, %broadcast_in_dim3A_2 : vector<16xi32>
        %gather3A_218 = tpu.vector_load_idx %arg11[%add3A_76, %add3A_217] : memref<128x64xf32, #tpu.memory_space<vmem>>[vector<16xi32>, vector<16xi32>], vector<16xf32>,
        %gather3A_219 = tpu.vector_load_idx %arg12[%add3A_76, %add3A_217] : memref<128x128xf32, #tpu.memory_space<vmem>>[vector<16xi32>, vector<16xi32>], vector<16xf32>,
        %mul3A_220 = arith.mulf %gather3A_218, %gather3A_219 : vector<16xf32>
        %add3A_221 = arith.addf %add3A_216, %mul3A_220 : vector<16xf32>
        %add3A_222 = arith.addi %add3A_217, %broadcast_in_dim3A_2 : vector<16xi32>
        %gather3A_223 = tpu.vector_load_idx %arg11[%add3A_76, %add3A_222] : memref<128x64xf32, #tpu.memory_space<vmem>>[vector<16xi32>, vector<16xi32>], vector<16xf32>,
        %gather3A_224 = tpu.vector_load_idx %arg12[%add3A_76, %add3A_222] : memref<128x128xf32, #tpu.memory_space<vmem>>[vector<16xi32>, vector<16xi32>], vector<16xf32>,
        %mul3A_225 = arith.mulf %gather3A_223, %gather3A_224 : vector<16xf32>
        %add3A_226 = arith.addf %add3A_221, %mul3A_225 : vector<16xf32>
        %add3A_227 = arith.addi %add3A_222, %broadcast_in_dim3A_2 : vector<16xi32>
        %gather3A_228 = tpu.vector_load_idx %arg11[%add3A_76, %add3A_227] : memref<128x64xf32, #tpu.memory_space<vmem>>[vector<16xi32>, vector<16xi32>], vector<16xf32>,
        %gather3A_229 = tpu.vector_load_idx %arg12[%add3A_76, %add3A_227] : memref<128x128xf32, #tpu.memory_space<vmem>>[vector<16xi32>, vector<16xi32>], vector<16xf32>,
        %mul3A_230 = arith.mulf %gather3A_228, %gather3A_229 : vector<16xf32>
        %add3A_231 = arith.addf %add3A_226, %mul3A_230 : vector<16xf32>
        %add3A_232 = arith.addi %add3A_227, %broadcast_in_dim3A_2 : vector<16xi32>
        %gather3A_233 = tpu.vector_load_idx %arg11[%add3A_76, %add3A_232] : memref<128x64xf32, #tpu.memory_space<vmem>>[vector<16xi32>, vector<16xi32>], vector<16xf32>,
        %gather3A_234 = tpu.vector_load_idx %arg12[%add3A_76, %add3A_232] : memref<128x128xf32, #tpu.memory_space<vmem>>[vector<16xi32>, vector<16xi32>], vector<16xf32>,
        %mul3A_235 = arith.mulf %gather3A_233, %gather3A_234 : vector<16xf32>
        %add3A_236 = arith.addf %add3A_231, %mul3A_235 : vector<16xf32>
        %add3A_237 = arith.addi %add3A_232, %broadcast_in_dim3A_2 : vector<16xi32>
        %exp3A = math.exp %add3A_236 : vector<16xf32>
        %broadcast_in_dim3A_238 = arith.constant 64 : i32
        %broadcast_in_dim3A_239 = vector.broadcast %broadcast_in_dim3A_238 : i32 to vector<16xi32>
        tpu.vector_store_idx %arg13[%add3A_76, %broadcast_in_dim3A_239], %exp3A : memref<128x80xf32, #tpu.memory_space<vmem>>[vector<16xi32>, vector<16xi32>], vector<16xf32>,
        %broadcast_in_dim3A_240 = arith.constant 32 : i32
        %broadcast_in_dim3A_241 = vector.broadcast %broadcast_in_dim3A_240 : i32 to vector<16xi32>
        %gather3A_242 = tpu.vector_load_idx %arg11[%add3A_76, %broadcast_in_dim3A_241] : memref<128x64xf32, #tpu.memory_space<vmem>>[vector<16xi32>, vector<16xi32>], vector<16xf32>,
        %gather3A_243 = tpu.vector_load_idx %arg12[%add3A_76, %broadcast_in_dim3A_241] : memref<128x128xf32, #tpu.memory_space<vmem>>[vector<16xi32>, vector<16xi32>], vector<16xf32>,
        %mul3A_244 = arith.mulf %gather3A_242, %gather3A_243 : vector<16xf32>
        %add3A_245 = arith.addf %broadcast_in_dim3A_0, %mul3A_244 : vector<16xf32>
        %add3A_246 = arith.addi %broadcast_in_dim3A_241, %broadcast_in_dim3A_2 : vector<16xi32>
        %gather3A_247 = tpu.vector_load_idx %arg11[%add3A_76, %add3A_246] : memref<128x64xf32, #tpu.memory_space<vmem>>[vector<16xi32>, vector<16xi32>], vector<16xf32>,
        %gather3A_248 = tpu.vector_load_idx %arg12[%add3A_76, %add3A_246] : memref<128x128xf32, #tpu.memory_space<vmem>>[vector<16xi32>, vector<16xi32>], vector<16xf32>,
        %mul3A_249 = arith.mulf %gather3A_247, %gather3A_248 : vector<16xf32>
        %add3A_250 = arith.addf %add3A_245, %mul3A_249 : vector<16xf32>
        %add3A_251 = arith.addi %add3A_246, %broadcast_in_dim3A_2 : vector<16xi32>
        %gather3A_252 = tpu.vector_load_idx %arg11[%add3A_76, %add3A_251] : memref<128x64xf32, #tpu.memory_space<vmem>>[vector<16xi32>, vector<16xi32>], vector<16xf32>,
        %gather3A_253 = tpu.vector_load_idx %arg12[%add3A_76, %add3A_251] : memref<128x128xf32, #tpu.memory_space<vmem>>[vector<16xi32>, vector<16xi32>], vector<16xf32>,
        %mul3A_254 = arith.mulf %gather3A_252, %gather3A_253 : vector<16xf32>
        %add3A_255 = arith.addf %add3A_250, %mul3A_254 : vector<16xf32>
        %add3A_256 = arith.addi %add3A_251, %broadcast_in_dim3A_2 : vector<16xi32>
        %gather3A_257 = tpu.vector_load_idx %arg11[%add3A_76, %add3A_256] : memref<128x64xf32, #tpu.memory_space<vmem>>[vector<16xi32>, vector<16xi32>], vector<16xf32>,
        %gather3A_258 = tpu.vector_load_idx %arg12[%add3A_76, %add3A_256] : memref<128x128xf32, #tpu.memory_space<vmem>>[vector<16xi32>, vector<16xi32>], vector<16xf32>,
        %mul3A_259 = arith.mulf %gather3A_257, %gather3A_258 : vector<16xf32>
        %add3A_260 = arith.addf %add3A_255, %mul3A_259 : vector<16xf32>
        %add3A_261 = arith.addi %add3A_256, %broadcast_in_dim3A_2 : vector<16xi32>
        %gather3A_262 = tpu.vector_load_idx %arg11[%add3A_76, %add3A_261] : memref<128x64xf32, #tpu.memory_space<vmem>>[vector<16xi32>, vector<16xi32>], vector<16xf32>,
        %gather3A_263 = tpu.vector_load_idx %arg12[%add3A_76, %add3A_261] : memref<128x128xf32, #tpu.memory_space<vmem>>[vector<16xi32>, vector<16xi32>], vector<16xf32>,
        %mul3A_264 = arith.mulf %gather3A_262, %gather3A_263 : vector<16xf32>
        %add3A_265 = arith.addf %add3A_260, %mul3A_264 : vector<16xf32>
        %add3A_266 = arith.addi %add3A_261, %broadcast_in_dim3A_2 : vector<16xi32>
        %gather3A_267 = tpu.vector_load_idx %arg11[%add3A_76, %add3A_266] : memref<128x64xf32, #tpu.memory_space<vmem>>[vector<16xi32>, vector<16xi32>], vector<16xf32>,
        %gather3A_268 = tpu.vector_load_idx %arg12[%add3A_76, %add3A_266] : memref<128x128xf32, #tpu.memory_space<vmem>>[vector<16xi32>, vector<16xi32>], vector<16xf32>,
        %mul3A_269 = arith.mulf %gather3A_267, %gather3A_268 : vector<16xf32>
        %add3A_270 = arith.addf %add3A_265, %mul3A_269 : vector<16xf32>
        %add3A_271 = arith.addi %add3A_266, %broadcast_in_dim3A_2 : vector<16xi32>
        %gather3A_272 = tpu.vector_load_idx %arg11[%add3A_76, %add3A_271] : memref<128x64xf32, #tpu.memory_space<vmem>>[vector<16xi32>, vector<16xi32>], vector<16xf32>,
        %gather3A_273 = tpu.vector_load_idx %arg12[%add3A_76, %add3A_271] : memref<128x128xf32, #tpu.memory_space<vmem>>[vector<16xi32>, vector<16xi32>], vector<16xf32>,
        %mul3A_274 = arith.mulf %gather3A_272, %gather3A_273 : vector<16xf32>
        %add3A_275 = arith.addf %add3A_270, %mul3A_274 : vector<16xf32>
        %add3A_276 = arith.addi %add3A_271, %broadcast_in_dim3A_2 : vector<16xi32>
        %gather3A_277 = tpu.vector_load_idx %arg11[%add3A_76, %add3A_276] : memref<128x64xf32, #tpu.memory_space<vmem>>[vector<16xi32>, vector<16xi32>], vector<16xf32>,
        %gather3A_278 = tpu.vector_load_idx %arg12[%add3A_76, %add3A_276] : memref<128x128xf32, #tpu.memory_space<vmem>>[vector<16xi32>, vector<16xi32>], vector<16xf32>,
        %mul3A_279 = arith.mulf %gather3A_277, %gather3A_278 : vector<16xf32>
        %add3A_280 = arith.addf %add3A_275, %mul3A_279 : vector<16xf32>
        %add3A_281 = arith.addi %add3A_276, %broadcast_in_dim3A_2 : vector<16xi32>
        %gather3A_282 = tpu.vector_load_idx %arg11[%add3A_76, %add3A_281] : memref<128x64xf32, #tpu.memory_space<vmem>>[vector<16xi32>, vector<16xi32>], vector<16xf32>,
        %gather3A_283 = tpu.vector_load_idx %arg12[%add3A_76, %add3A_281] : memref<128x128xf32, #tpu.memory_space<vmem>>[vector<16xi32>, vector<16xi32>], vector<16xf32>,
        %mul3A_284 = arith.mulf %gather3A_282, %gather3A_283 : vector<16xf32>
        %add3A_285 = arith.addf %add3A_280, %mul3A_284 : vector<16xf32>
        %add3A_286 = arith.addi %add3A_281, %broadcast_in_dim3A_2 : vector<16xi32>
        %gather3A_287 = tpu.vector_load_idx %arg11[%add3A_76, %add3A_286] : memref<128x64xf32, #tpu.memory_space<vmem>>[vector<16xi32>, vector<16xi32>], vector<16xf32>,
        %gather3A_288 = tpu.vector_load_idx %arg12[%add3A_76, %add3A_286] : memref<128x128xf32, #tpu.memory_space<vmem>>[vector<16xi32>, vector<16xi32>], vector<16xf32>,
        %mul3A_289 = arith.mulf %gather3A_287, %gather3A_288 : vector<16xf32>
        %add3A_290 = arith.addf %add3A_285, %mul3A_289 : vector<16xf32>
        %add3A_291 = arith.addi %add3A_286, %broadcast_in_dim3A_2 : vector<16xi32>
        %gather3A_292 = tpu.vector_load_idx %arg11[%add3A_76, %add3A_291] : memref<128x64xf32, #tpu.memory_space<vmem>>[vector<16xi32>, vector<16xi32>], vector<16xf32>,
        %gather3A_293 = tpu.vector_load_idx %arg12[%add3A_76, %add3A_291] : memref<128x128xf32, #tpu.memory_space<vmem>>[vector<16xi32>, vector<16xi32>], vector<16xf32>,
        %mul3A_294 = arith.mulf %gather3A_292, %gather3A_293 : vector<16xf32>
        %add3A_295 = arith.addf %add3A_290, %mul3A_294 : vector<16xf32>
        %add3A_296 = arith.addi %add3A_291, %broadcast_in_dim3A_2 : vector<16xi32>
        %gather3A_297 = tpu.vector_load_idx %arg11[%add3A_76, %add3A_296] : memref<128x64xf32, #tpu.memory_space<vmem>>[vector<16xi32>, vector<16xi32>], vector<16xf32>,
        %gather3A_298 = tpu.vector_load_idx %arg12[%add3A_76, %add3A_296] : memref<128x128xf32, #tpu.memory_space<vmem>>[vector<16xi32>, vector<16xi32>], vector<16xf32>,
        %mul3A_299 = arith.mulf %gather3A_297, %gather3A_298 : vector<16xf32>
        %add3A_300 = arith.addf %add3A_295, %mul3A_299 : vector<16xf32>
        %add3A_301 = arith.addi %add3A_296, %broadcast_in_dim3A_2 : vector<16xi32>
        %gather3A_302 = tpu.vector_load_idx %arg11[%add3A_76, %add3A_301] : memref<128x64xf32, #tpu.memory_space<vmem>>[vector<16xi32>, vector<16xi32>], vector<16xf32>,
        %gather3A_303 = tpu.vector_load_idx %arg12[%add3A_76, %add3A_301] : memref<128x128xf32, #tpu.memory_space<vmem>>[vector<16xi32>, vector<16xi32>], vector<16xf32>,
        %mul3A_304 = arith.mulf %gather3A_302, %gather3A_303 : vector<16xf32>
        %add3A_305 = arith.addf %add3A_300, %mul3A_304 : vector<16xf32>
        %add3A_306 = arith.addi %add3A_301, %broadcast_in_dim3A_2 : vector<16xi32>
        %gather3A_307 = tpu.vector_load_idx %arg11[%add3A_76, %add3A_306] : memref<128x64xf32, #tpu.memory_space<vmem>>[vector<16xi32>, vector<16xi32>], vector<16xf32>,
        %gather3A_308 = tpu.vector_load_idx %arg12[%add3A_76, %add3A_306] : memref<128x128xf32, #tpu.memory_space<vmem>>[vector<16xi32>, vector<16xi32>], vector<16xf32>,
        %mul3A_309 = arith.mulf %gather3A_307, %gather3A_308 : vector<16xf32>
        %add3A_310 = arith.addf %add3A_305, %mul3A_309 : vector<16xf32>
        %add3A_311 = arith.addi %add3A_306, %broadcast_in_dim3A_2 : vector<16xi32>
        %gather3A_312 = tpu.vector_load_idx %arg11[%add3A_76, %add3A_311] : memref<128x64xf32, #tpu.memory_space<vmem>>[vector<16xi32>, vector<16xi32>], vector<16xf32>,
        %gather3A_313 = tpu.vector_load_idx %arg12[%add3A_76, %add3A_311] : memref<128x128xf32, #tpu.memory_space<vmem>>[vector<16xi32>, vector<16xi32>], vector<16xf32>,
        %mul3A_314 = arith.mulf %gather3A_312, %gather3A_313 : vector<16xf32>
        %add3A_315 = arith.addf %add3A_310, %mul3A_314 : vector<16xf32>
        %add3A_316 = arith.addi %add3A_311, %broadcast_in_dim3A_2 : vector<16xi32>
        %gather3A_317 = tpu.vector_load_idx %arg11[%add3A_76, %add3A_316] : memref<128x64xf32, #tpu.memory_space<vmem>>[vector<16xi32>, vector<16xi32>], vector<16xf32>,
        %gather3A_318 = tpu.vector_load_idx %arg12[%add3A_76, %add3A_316] : memref<128x128xf32, #tpu.memory_space<vmem>>[vector<16xi32>, vector<16xi32>], vector<16xf32>,
        %mul3A_319 = arith.mulf %gather3A_317, %gather3A_318 : vector<16xf32>
        %add3A_320 = arith.addf %add3A_315, %mul3A_319 : vector<16xf32>
        %add3A_321 = arith.addi %add3A_316, %broadcast_in_dim3A_2 : vector<16xi32>
        %gather3A_322 = tpu.vector_load_idx %arg11[%add3A_76, %add3A_321] : memref<128x64xf32, #tpu.memory_space<vmem>>[vector<16xi32>, vector<16xi32>], vector<16xf32>,
        %gather3A_323 = tpu.vector_load_idx %arg12[%add3A_76, %add3A_321] : memref<128x128xf32, #tpu.memory_space<vmem>>[vector<16xi32>, vector<16xi32>], vector<16xf32>,
        %mul3A_324 = arith.mulf %gather3A_322, %gather3A_323 : vector<16xf32>
        %add3A_325 = arith.addf %add3A_320, %mul3A_324 : vector<16xf32>
        %add3A_326 = arith.addi %add3A_321, %broadcast_in_dim3A_2 : vector<16xi32>
        %gather3A_327 = tpu.vector_load_idx %arg11[%add3A_76, %add3A_326] : memref<128x64xf32, #tpu.memory_space<vmem>>[vector<16xi32>, vector<16xi32>], vector<16xf32>,
        %gather3A_328 = tpu.vector_load_idx %arg12[%add3A_76, %add3A_326] : memref<128x128xf32, #tpu.memory_space<vmem>>[vector<16xi32>, vector<16xi32>], vector<16xf32>,
        %mul3A_329 = arith.mulf %gather3A_327, %gather3A_328 : vector<16xf32>
        %add3A_330 = arith.addf %add3A_325, %mul3A_329 : vector<16xf32>
        %add3A_331 = arith.addi %add3A_326, %broadcast_in_dim3A_2 : vector<16xi32>
        %gather3A_332 = tpu.vector_load_idx %arg11[%add3A_76, %add3A_331] : memref<128x64xf32, #tpu.memory_space<vmem>>[vector<16xi32>, vector<16xi32>], vector<16xf32>,
        %gather3A_333 = tpu.vector_load_idx %arg12[%add3A_76, %add3A_331] : memref<128x128xf32, #tpu.memory_space<vmem>>[vector<16xi32>, vector<16xi32>], vector<16xf32>,
        %mul3A_334 = arith.mulf %gather3A_332, %gather3A_333 : vector<16xf32>
        %add3A_335 = arith.addf %add3A_330, %mul3A_334 : vector<16xf32>
        %add3A_336 = arith.addi %add3A_331, %broadcast_in_dim3A_2 : vector<16xi32>
        %gather3A_337 = tpu.vector_load_idx %arg11[%add3A_76, %add3A_336] : memref<128x64xf32, #tpu.memory_space<vmem>>[vector<16xi32>, vector<16xi32>], vector<16xf32>,
        %gather3A_338 = tpu.vector_load_idx %arg12[%add3A_76, %add3A_336] : memref<128x128xf32, #tpu.memory_space<vmem>>[vector<16xi32>, vector<16xi32>], vector<16xf32>,
        %mul3A_339 = arith.mulf %gather3A_337, %gather3A_338 : vector<16xf32>
        %add3A_340 = arith.addf %add3A_335, %mul3A_339 : vector<16xf32>
        %add3A_341 = arith.addi %add3A_336, %broadcast_in_dim3A_2 : vector<16xi32>
        %gather3A_342 = tpu.vector_load_idx %arg11[%add3A_76, %add3A_341] : memref<128x64xf32, #tpu.memory_space<vmem>>[vector<16xi32>, vector<16xi32>], vector<16xf32>,
        %gather3A_343 = tpu.vector_load_idx %arg12[%add3A_76, %add3A_341] : memref<128x128xf32, #tpu.memory_space<vmem>>[vector<16xi32>, vector<16xi32>], vector<16xf32>,
        %mul3A_344 = arith.mulf %gather3A_342, %gather3A_343 : vector<16xf32>
        %add3A_345 = arith.addf %add3A_340, %mul3A_344 : vector<16xf32>
        %add3A_346 = arith.addi %add3A_341, %broadcast_in_dim3A_2 : vector<16xi32>
        %gather3A_347 = tpu.vector_load_idx %arg11[%add3A_76, %add3A_346] : memref<128x64xf32, #tpu.memory_space<vmem>>[vector<16xi32>, vector<16xi32>], vector<16xf32>,
        %gather3A_348 = tpu.vector_load_idx %arg12[%add3A_76, %add3A_346] : memref<128x128xf32, #tpu.memory_space<vmem>>[vector<16xi32>, vector<16xi32>], vector<16xf32>,
        %mul3A_349 = arith.mulf %gather3A_347, %gather3A_348 : vector<16xf32>
        %add3A_350 = arith.addf %add3A_345, %mul3A_349 : vector<16xf32>
        %add3A_351 = arith.addi %add3A_346, %broadcast_in_dim3A_2 : vector<16xi32>
        %gather3A_352 = tpu.vector_load_idx %arg11[%add3A_76, %add3A_351] : memref<128x64xf32, #tpu.memory_space<vmem>>[vector<16xi32>, vector<16xi32>], vector<16xf32>,
        %gather3A_353 = tpu.vector_load_idx %arg12[%add3A_76, %add3A_351] : memref<128x128xf32, #tpu.memory_space<vmem>>[vector<16xi32>, vector<16xi32>], vector<16xf32>,
        %mul3A_354 = arith.mulf %gather3A_352, %gather3A_353 : vector<16xf32>
        %add3A_355 = arith.addf %add3A_350, %mul3A_354 : vector<16xf32>
        %add3A_356 = arith.addi %add3A_351, %broadcast_in_dim3A_2 : vector<16xi32>
        %gather3A_357 = tpu.vector_load_idx %arg11[%add3A_76, %add3A_356] : memref<128x64xf32, #tpu.memory_space<vmem>>[vector<16xi32>, vector<16xi32>], vector<16xf32>,
        %gather3A_358 = tpu.vector_load_idx %arg12[%add3A_76, %add3A_356] : memref<128x128xf32, #tpu.memory_space<vmem>>[vector<16xi32>, vector<16xi32>], vector<16xf32>,
        %mul3A_359 = arith.mulf %gather3A_357, %gather3A_358 : vector<16xf32>
        %add3A_360 = arith.addf %add3A_355, %mul3A_359 : vector<16xf32>
        %add3A_361 = arith.addi %add3A_356, %broadcast_in_dim3A_2 : vector<16xi32>
        %gather3A_362 = tpu.vector_load_idx %arg11[%add3A_76, %add3A_361] : memref<128x64xf32, #tpu.memory_space<vmem>>[vector<16xi32>, vector<16xi32>], vector<16xf32>,
        %gather3A_363 = tpu.vector_load_idx %arg12[%add3A_76, %add3A_361] : memref<128x128xf32, #tpu.memory_space<vmem>>[vector<16xi32>, vector<16xi32>], vector<16xf32>,
        %mul3A_364 = arith.mulf %gather3A_362, %gather3A_363 : vector<16xf32>
        %add3A_365 = arith.addf %add3A_360, %mul3A_364 : vector<16xf32>
        %add3A_366 = arith.addi %add3A_361, %broadcast_in_dim3A_2 : vector<16xi32>
        %gather3A_367 = tpu.vector_load_idx %arg11[%add3A_76, %add3A_366] : memref<128x64xf32, #tpu.memory_space<vmem>>[vector<16xi32>, vector<16xi32>], vector<16xf32>,
        %gather3A_368 = tpu.vector_load_idx %arg12[%add3A_76, %add3A_366] : memref<128x128xf32, #tpu.memory_space<vmem>>[vector<16xi32>, vector<16xi32>], vector<16xf32>,
        %mul3A_369 = arith.mulf %gather3A_367, %gather3A_368 : vector<16xf32>
        %add3A_370 = arith.addf %add3A_365, %mul3A_369 : vector<16xf32>
        %add3A_371 = arith.addi %add3A_366, %broadcast_in_dim3A_2 : vector<16xi32>
        %gather3A_372 = tpu.vector_load_idx %arg11[%add3A_76, %add3A_371] : memref<128x64xf32, #tpu.memory_space<vmem>>[vector<16xi32>, vector<16xi32>], vector<16xf32>,
        %gather3A_373 = tpu.vector_load_idx %arg12[%add3A_76, %add3A_371] : memref<128x128xf32, #tpu.memory_space<vmem>>[vector<16xi32>, vector<16xi32>], vector<16xf32>,
        %mul3A_374 = arith.mulf %gather3A_372, %gather3A_373 : vector<16xf32>
        %add3A_375 = arith.addf %add3A_370, %mul3A_374 : vector<16xf32>
        %add3A_376 = arith.addi %add3A_371, %broadcast_in_dim3A_2 : vector<16xi32>
        %gather3A_377 = tpu.vector_load_idx %arg11[%add3A_76, %add3A_376] : memref<128x64xf32, #tpu.memory_space<vmem>>[vector<16xi32>, vector<16xi32>], vector<16xf32>,
        %gather3A_378 = tpu.vector_load_idx %arg12[%add3A_76, %add3A_376] : memref<128x128xf32, #tpu.memory_space<vmem>>[vector<16xi32>, vector<16xi32>], vector<16xf32>,
        %mul3A_379 = arith.mulf %gather3A_377, %gather3A_378 : vector<16xf32>
        %add3A_380 = arith.addf %add3A_375, %mul3A_379 : vector<16xf32>
        %add3A_381 = arith.addi %add3A_376, %broadcast_in_dim3A_2 : vector<16xi32>
        %gather3A_382 = tpu.vector_load_idx %arg11[%add3A_76, %add3A_381] : memref<128x64xf32, #tpu.memory_space<vmem>>[vector<16xi32>, vector<16xi32>], vector<16xf32>,
        %gather3A_383 = tpu.vector_load_idx %arg12[%add3A_76, %add3A_381] : memref<128x128xf32, #tpu.memory_space<vmem>>[vector<16xi32>, vector<16xi32>], vector<16xf32>,
        %mul3A_384 = arith.mulf %gather3A_382, %gather3A_383 : vector<16xf32>
        %add3A_385 = arith.addf %add3A_380, %mul3A_384 : vector<16xf32>
        %add3A_386 = arith.addi %add3A_381, %broadcast_in_dim3A_2 : vector<16xi32>
        %gather3A_387 = tpu.vector_load_idx %arg11[%add3A_76, %add3A_386] : memref<128x64xf32, #tpu.memory_space<vmem>>[vector<16xi32>, vector<16xi32>], vector<16xf32>,
        %gather3A_388 = tpu.vector_load_idx %arg12[%add3A_76, %add3A_386] : memref<128x128xf32, #tpu.memory_space<vmem>>[vector<16xi32>, vector<16xi32>], vector<16xf32>,
        %mul3A_389 = arith.mulf %gather3A_387, %gather3A_388 : vector<16xf32>
        %add3A_390 = arith.addf %add3A_385, %mul3A_389 : vector<16xf32>
        %add3A_391 = arith.addi %add3A_386, %broadcast_in_dim3A_2 : vector<16xi32>
        %gather3A_392 = tpu.vector_load_idx %arg11[%add3A_76, %add3A_391] : memref<128x64xf32, #tpu.memory_space<vmem>>[vector<16xi32>, vector<16xi32>], vector<16xf32>,
        %gather3A_393 = tpu.vector_load_idx %arg12[%add3A_76, %add3A_391] : memref<128x128xf32, #tpu.memory_space<vmem>>[vector<16xi32>, vector<16xi32>], vector<16xf32>,
        %mul3A_394 = arith.mulf %gather3A_392, %gather3A_393 : vector<16xf32>
        %add3A_395 = arith.addf %add3A_390, %mul3A_394 : vector<16xf32>
        %add3A_396 = arith.addi %add3A_391, %broadcast_in_dim3A_2 : vector<16xi32>
        %gather3A_397 = tpu.vector_load_idx %arg11[%add3A_76, %add3A_396] : memref<128x64xf32, #tpu.memory_space<vmem>>[vector<16xi32>, vector<16xi32>], vector<16xf32>,
        %gather3A_398 = tpu.vector_load_idx %arg12[%add3A_76, %add3A_396] : memref<128x128xf32, #tpu.memory_space<vmem>>[vector<16xi32>, vector<16xi32>], vector<16xf32>,
        %mul3A_399 = arith.mulf %gather3A_397, %gather3A_398 : vector<16xf32>
        %add3A_400 = arith.addf %add3A_395, %mul3A_399 : vector<16xf32>
        %add3A_401 = arith.addi %add3A_396, %broadcast_in_dim3A_2 : vector<16xi32>
        %exp3A_402 = math.exp %add3A_400 : vector<16xf32>
        %broadcast_in_dim3A_403 = arith.constant 65 : i32
        %broadcast_in_dim3A_404 = vector.broadcast %broadcast_in_dim3A_403 : i32 to vector<16xi32>
        tpu.vector_store_idx %arg13[%add3A_76, %broadcast_in_dim3A_404], %exp3A_402 : memref<128x80xf32, #tpu.memory_space<vmem>>[vector<16xi32>, vector<16xi32>], vector<16xf32>,
        %mul3A_405 = arith.constant 16 : i32
        %mul3A_406 = arith.muli %scan3A_72, %mul3A_405 : i32
        %add3A_407 = arith.constant 0 : i32
        %add3A_408 = arith.addi %mul3A_406, %add3A_407 : i32
        %slice3A = vector.extract_strided_slice %exp3A {offsets = [0], sizes = [1], strides = [1]} : vector<16xf32> to vector<1xf32>
        %squeeze3A = vector.extract %slice3A[0] : f32 from vector<1xf32>
        %broadcast_in_dim3A_409 = vector.broadcast %squeeze3A : f32 to vector<16xf32>
        %get3A = arith.index_cast %add3A_408 : i32 to index
        %get3A_410 = arith.constant 64 : index
        %get3A_411 = tpu.vector_load %arg12[%get3A, %get3A_410] {strides = array<i32>} : memref<128x128xf32, #tpu.memory_space<vmem>>, vector<16xf32>,
        %mul3A_412 = arith.mulf %get3A_411, %broadcast_in_dim3A_409 : vector<16xf32>
        %swap3A = arith.index_cast %add3A_408 : i32 to index
        %swap3A_413 = arith.constant 0 : index
        %swap3A_414 = tpu.vector_load %arg13[%swap3A, %swap3A_413] {strides = array<i32>} : memref<128x80xf32, #tpu.memory_space<vmem>>, vector<16xf32>,
        tpu.vector_store %arg13[%swap3A, %swap3A_413], %mul3A_412 {strides = array<i32>} : memref<128x80xf32, #tpu.memory_space<vmem>>, vector<16xf32>,
        %slice3A_415 = vector.extract_strided_slice %exp3A {offsets = [0], sizes = [1], strides = [1]} : vector<16xf32> to vector<1xf32>
        %squeeze3A_416 = vector.extract %slice3A_415[0] : f32 from vector<1xf32>
        %broadcast_in_dim3A_417 = vector.broadcast %squeeze3A_416 : f32 to vector<16xf32>
        %get3A_418 = arith.index_cast %add3A_408 : i32 to index
        %get3A_419 = arith.constant 80 : index
        %get3A_420 = tpu.vector_load %arg12[%get3A_418, %get3A_419] {strides = array<i32>} : memref<128x128xf32, #tpu.memory_space<vmem>>, vector<16xf32>,
        %mul3A_421 = arith.mulf %get3A_420, %broadcast_in_dim3A_417 : vector<16xf32>
        %swap3A_422 = arith.index_cast %add3A_408 : i32 to index
        %swap3A_423 = arith.constant 16 : index
        %swap3A_424 = tpu.vector_load %arg13[%swap3A_422, %swap3A_423] {strides = array<i32>} : memref<128x80xf32, #tpu.memory_space<vmem>>, vector<16xf32>,
        tpu.vector_store %arg13[%swap3A_422, %swap3A_423], %mul3A_421 {strides = array<i32>} : memref<128x80xf32, #tpu.memory_space<vmem>>, vector<16xf32>,
        %slice3A_425 = vector.extract_strided_slice %exp3A_402 {offsets = [0], sizes = [1], strides = [1]} : vector<16xf32> to vector<1xf32>
        %squeeze3A_426 = vector.extract %slice3A_425[0] : f32 from vector<1xf32>
        %broadcast_in_dim3A_427 = vector.broadcast %squeeze3A_426 : f32 to vector<16xf32>
        %get3A_428 = arith.index_cast %add3A_408 : i32 to index
        %get3A_429 = arith.constant 96 : index
        %get3A_430 = tpu.vector_load %arg12[%get3A_428, %get3A_429] {strides = array<i32>} : memref<128x128xf32, #tpu.memory_space<vmem>>, vector<16xf32>,
        %mul3A_431 = arith.mulf %get3A_430, %broadcast_in_dim3A_427 : vector<16xf32>
        %swap3A_432 = arith.index_cast %add3A_408 : i32 to index
        %swap3A_433 = arith.constant 32 : index
        %swap3A_434 = tpu.vector_load %arg13[%swap3A_432, %swap3A_433] {strides = array<i32>} : memref<128x80xf32, #tpu.memory_space<vmem>>, vector<16xf32>,
        tpu.vector_store %arg13[%swap3A_432, %swap3A_433], %mul3A_431 {strides = array<i32>} : memref<128x80xf32, #tpu.memory_space<vmem>>, vector<16xf32>,
        %slice3A_435 = vector.extract_strided_slice %exp3A_402 {offsets = [0], sizes = [1], strides = [1]} : vector<16xf32> to vector<1xf32>
        %squeeze3A_436 = vector.extract %slice3A_435[0] : f32 from vector<1xf32>
        %broadcast_in_dim3A_437 = vector.broadcast %squeeze3A_436 : f32 to vector<16xf32>
        %get3A_438 = arith.index_cast %add3A_408 : i32 to index
        %get3A_439 = arith.constant 112 : index
        %get3A_440 = tpu.vector_load %arg12[%get3A_438, %get3A_439] {strides = array<i32>} : memref<128x128xf32, #tpu.memory_space<vmem>>, vector<16xf32>,
        %mul3A_441 = arith.mulf %get3A_440, %broadcast_in_dim3A_437 : vector<16xf32>
        %swap3A_442 = arith.index_cast %add3A_408 : i32 to index
        %swap3A_443 = arith.constant 48 : index
        %swap3A_444 = tpu.vector_load %arg13[%swap3A_442, %swap3A_443] {strides = array<i32>} : memref<128x80xf32, #tpu.memory_space<vmem>>, vector<16xf32>,
        tpu.vector_store %arg13[%swap3A_442, %swap3A_443], %mul3A_441 {strides = array<i32>} : memref<128x80xf32, #tpu.memory_space<vmem>>, vector<16xf32>,
        %mul3A_445 = arith.constant 16 : i32
        %mul3A_446 = arith.muli %scan3A_72, %mul3A_445 : i32
        %add3A_447 = arith.constant 1 : i32
        %add3A_448 = arith.addi %mul3A_446, %add3A_447 : i32
        %slice3A_449 = vector.extract_strided_slice %exp3A {offsets = [1], sizes = [1], strides = [1]} : vector<16xf32> to vector<1xf32>
        %squeeze3A_450 = vector.extract %slice3A_449[0] : f32 from vector<1xf32>
        %broadcast_in_dim3A_451 = vector.broadcast %squeeze3A_450 : f32 to vector<16xf32>
        %get3A_452 = arith.index_cast %add3A_448 : i32 to index
        %get3A_453 = arith.constant 64 : index
        %get3A_454 = tpu.vector_load %arg12[%get3A_452, %get3A_453] {strides = array<i32>} : memref<128x128xf32, #tpu.memory_space<vmem>>, vector<16xf32>,
        %mul3A_455 = arith.mulf %get3A_454, %broadcast_in_dim3A_451 : vector<16xf32>
        %swap3A_456 = arith.index_cast %add3A_448 : i32 to index
        %swap3A_457 = arith.constant 0 : index
        %swap3A_458 = tpu.vector_load %arg13[%swap3A_456, %swap3A_457] {strides = array<i32>} : memref<128x80xf32, #tpu.memory_space<vmem>>, vector<16xf32>,
        tpu.vector_store %arg13[%swap3A_456, %swap3A_457], %mul3A_455 {strides = array<i32>} : memref<128x80xf32, #tpu.memory_space<vmem>>, vector<16xf32>,
        %slice3A_459 = vector.extract_strided_slice %exp3A {offsets = [1], sizes = [1], strides = [1]} : vector<16xf32> to vector<1xf32>
        %squeeze3A_460 = vector.extract %slice3A_459[0] : f32 from vector<1xf32>
        %broadcast_in_dim3A_461 = vector.broadcast %squeeze3A_460 : f32 to vector<16xf32>
        %get3A_462 = arith.index_cast %add3A_448 : i32 to index
        %get3A_463 = arith.constant 80 : index
        %get3A_464 = tpu.vector_load %arg12[%get3A_462, %get3A_463] {strides = array<i32>} : memref<128x128xf32, #tpu.memory_space<vmem>>, vector<16xf32>,
        %mul3A_465 = arith.mulf %get3A_464, %broadcast_in_dim3A_461 : vector<16xf32>
        %swap3A_466 = arith.index_cast %add3A_448 : i32 to index
        %swap3A_467 = arith.constant 16 : index
        %swap3A_468 = tpu.vector_load %arg13[%swap3A_466, %swap3A_467] {strides = array<i32>} : memref<128x80xf32, #tpu.memory_space<vmem>>, vector<16xf32>,
        tpu.vector_store %arg13[%swap3A_466, %swap3A_467], %mul3A_465 {strides = array<i32>} : memref<128x80xf32, #tpu.memory_space<vmem>>, vector<16xf32>,
        %slice3A_469 = vector.extract_strided_slice %exp3A_402 {offsets = [1], sizes = [1], strides = [1]} : vector<16xf32> to vector<1xf32>
        %squeeze3A_470 = vector.extract %slice3A_469[0] : f32 from vector<1xf32>
        %broadcast_in_dim3A_471 = vector.broadcast %squeeze3A_470 : f32 to vector<16xf32>
        %get3A_472 = arith.index_cast %add3A_448 : i32 to index
        %get3A_473 = arith.constant 96 : index
        %get3A_474 = tpu.vector_load %arg12[%get3A_472, %get3A_473] {strides = array<i32>} : memref<128x128xf32, #tpu.memory_space<vmem>>, vector<16xf32>,
        %mul3A_475 = arith.mulf %get3A_474, %broadcast_in_dim3A_471 : vector<16xf32>
        %swap3A_476 = arith.index_cast %add3A_448 : i32 to index
        %swap3A_477 = arith.constant 32 : index
        %swap3A_478 = tpu.vector_load %arg13[%swap3A_476, %swap3A_477] {strides = array<i32>} : memref<128x80xf32, #tpu.memory_space<vmem>>, vector<16xf32>,
        tpu.vector_store %arg13[%swap3A_476, %swap3A_477], %mul3A_475 {strides = array<i32>} : memref<128x80xf32, #tpu.memory_space<vmem>>, vector<16xf32>,
        %slice3A_479 = vector.extract_strided_slice %exp3A_402 {offsets = [1], sizes = [1], strides = [1]} : vector<16xf32> to vector<1xf32>
        %squeeze3A_480 = vector.extract %slice3A_479[0] : f32 from vector<1xf32>
        %broadcast_in_dim3A_481 = vector.broadcast %squeeze3A_480 : f32 to vector<16xf32>
        %get3A_482 = arith.index_cast %add3A_448 : i32 to index
        %get3A_483 = arith.constant 112 : index
        %get3A_484 = tpu.vector_load %arg12[%get3A_482, %get3A_483] {strides = array<i32>} : memref<128x128xf32, #tpu.memory_space<vmem>>, vector<16xf32>,
        %mul3A_485 = arith.mulf %get3A_484, %broadcast_in_dim3A_481 : vector<16xf32>
        %swap3A_486 = arith.index_cast %add3A_448 : i32 to index
        %swap3A_487 = arith.constant 48 : index
        %swap3A_488 = tpu.vector_load %arg13[%swap3A_486, %swap3A_487] {strides = array<i32>} : memref<128x80xf32, #tpu.memory_space<vmem>>, vector<16xf32>,
        tpu.vector_store %arg13[%swap3A_486, %swap3A_487], %mul3A_485 {strides = array<i32>} : memref<128x80xf32, #tpu.memory_space<vmem>>, vector<16xf32>,
        %mul3A_489 = arith.constant 16 : i32
        %mul3A_490 = arith.muli %scan3A_72, %mul3A_489 : i32
        %add3A_491 = arith.constant 2 : i32
        %add3A_492 = arith.addi %mul3A_490, %add3A_491 : i32
        %slice3A_493 = vector.extract_strided_slice %exp3A {offsets = [2], sizes = [1], strides = [1]} : vector<16xf32> to vector<1xf32>
        %squeeze3A_494 = vector.extract %slice3A_493[0] : f32 from vector<1xf32>
        %broadcast_in_dim3A_495 = vector.broadcast %squeeze3A_494 : f32 to vector<16xf32>
        %get3A_496 = arith.index_cast %add3A_492 : i32 to index
        %get3A_497 = arith.constant 64 : index
        %get3A_498 = tpu.vector_load %arg12[%get3A_496, %get3A_497] {strides = array<i32>} : memref<128x128xf32, #tpu.memory_space<vmem>>, vector<16xf32>,
        %mul3A_499 = arith.mulf %get3A_498, %broadcast_in_dim3A_495 : vector<16xf32>
        %swap3A_500 = arith.index_cast %add3A_492 : i32 to index
        %swap3A_501 = arith.constant 0 : index
        %swap3A_502 = tpu.vector_load %arg13[%swap3A_500, %swap3A_501] {strides = array<i32>} : memref<128x80xf32, #tpu.memory_space<vmem>>, vector<16xf32>,
        tpu.vector_store %arg13[%swap3A_500, %swap3A_501], %mul3A_499 {strides = array<i32>} : memref<128x80xf32, #tpu.memory_space<vmem>>, vector<16xf32>,
        %slice3A_503 = vector.extract_strided_slice %exp3A {offsets = [2], sizes = [1], strides = [1]} : vector<16xf32> to vector<1xf32>
        %squeeze3A_504 = vector.extract %slice3A_503[0] : f32 from vector<1xf32>
        %broadcast_in_dim3A_505 = vector.broadcast %squeeze3A_504 : f32 to vector<16xf32>
        %get3A_506 = arith.index_cast %add3A_492 : i32 to index
        %get3A_507 = arith.constant 80 : index
        %get3A_508 = tpu.vector_load %arg12[%get3A_506, %get3A_507] {strides = array<i32>} : memref<128x128xf32, #tpu.memory_space<vmem>>, vector<16xf32>,
        %mul3A_509 = arith.mulf %get3A_508, %broadcast_in_dim3A_505 : vector<16xf32>
        %swap3A_510 = arith.index_cast %add3A_492 : i32 to index
        %swap3A_511 = arith.constant 16 : index
        %swap3A_512 = tpu.vector_load %arg13[%swap3A_510, %swap3A_511] {strides = array<i32>} : memref<128x80xf32, #tpu.memory_space<vmem>>, vector<16xf32>,
        tpu.vector_store %arg13[%swap3A_510, %swap3A_511], %mul3A_509 {strides = array<i32>} : memref<128x80xf32, #tpu.memory_space<vmem>>, vector<16xf32>,
        %slice3A_513 = vector.extract_strided_slice %exp3A_402 {offsets = [2], sizes = [1], strides = [1]} : vector<16xf32> to vector<1xf32>
        %squeeze3A_514 = vector.extract %slice3A_513[0] : f32 from vector<1xf32>
        %broadcast_in_dim3A_515 = vector.broadcast %squeeze3A_514 : f32 to vector<16xf32>
        %get3A_516 = arith.index_cast %add3A_492 : i32 to index
        %get3A_517 = arith.constant 96 : index
        %get3A_518 = tpu.vector_load %arg12[%get3A_516, %get3A_517] {strides = array<i32>} : memref<128x128xf32, #tpu.memory_space<vmem>>, vector<16xf32>,
        %mul3A_519 = arith.mulf %get3A_518, %broadcast_in_dim3A_515 : vector<16xf32>
        %swap3A_520 = arith.index_cast %add3A_492 : i32 to index
        %swap3A_521 = arith.constant 32 : index
        %swap3A_522 = tpu.vector_load %arg13[%swap3A_520, %swap3A_521] {strides = array<i32>} : memref<128x80xf32, #tpu.memory_space<vmem>>, vector<16xf32>,
        tpu.vector_store %arg13[%swap3A_520, %swap3A_521], %mul3A_519 {strides = array<i32>} : memref<128x80xf32, #tpu.memory_space<vmem>>, vector<16xf32>,
        %slice3A_523 = vector.extract_strided_slice %exp3A_402 {offsets = [2], sizes = [1], strides = [1]} : vector<16xf32> to vector<1xf32>
        %squeeze3A_524 = vector.extract %slice3A_523[0] : f32 from vector<1xf32>
        %broadcast_in_dim3A_525 = vector.broadcast %squeeze3A_524 : f32 to vector<16xf32>
        %get3A_526 = arith.index_cast %add3A_492 : i32 to index
        %get3A_527 = arith.constant 112 : index
        %get3A_528 = tpu.vector_load %arg12[%get3A_526, %get3A_527] {strides = array<i32>} : memref<128x128xf32, #tpu.memory_space<vmem>>, vector<16xf32>,
        %mul3A_529 = arith.mulf %get3A_528, %broadcast_in_dim3A_525 : vector<16xf32>
        %swap3A_530 = arith.index_cast %add3A_492 : i32 to index
        %swap3A_531 = arith.constant 48 : index
        %swap3A_532 = tpu.vector_load %arg13[%swap3A_530, %swap3A_531] {strides = array<i32>} : memref<128x80xf32, #tpu.memory_space<vmem>>, vector<16xf32>,
        tpu.vector_store %arg13[%swap3A_530, %swap3A_531], %mul3A_529 {strides = array<i32>} : memref<128x80xf32, #tpu.memory_space<vmem>>, vector<16xf32>,
        %mul3A_533 = arith.constant 16 : i32
        %mul3A_534 = arith.muli %scan3A_72, %mul3A_533 : i32
        %add3A_535 = arith.constant 3 : i32
        %add3A_536 = arith.addi %mul3A_534, %add3A_535 : i32
        %slice3A_537 = vector.extract_strided_slice %exp3A {offsets = [3], sizes = [1], strides = [1]} : vector<16xf32> to vector<1xf32>
        %squeeze3A_538 = vector.extract %slice3A_537[0] : f32 from vector<1xf32>
        %broadcast_in_dim3A_539 = vector.broadcast %squeeze3A_538 : f32 to vector<16xf32>
        %get3A_540 = arith.index_cast %add3A_536 : i32 to index
        %get3A_541 = arith.constant 64 : index
        %get3A_542 = tpu.vector_load %arg12[%get3A_540, %get3A_541] {strides = array<i32>} : memref<128x128xf32, #tpu.memory_space<vmem>>, vector<16xf32>,
        %mul3A_543 = arith.mulf %get3A_542, %broadcast_in_dim3A_539 : vector<16xf32>
        %swap3A_544 = arith.index_cast %add3A_536 : i32 to index
        %swap3A_545 = arith.constant 0 : index
        %swap3A_546 = tpu.vector_load %arg13[%swap3A_544, %swap3A_545] {strides = array<i32>} : memref<128x80xf32, #tpu.memory_space<vmem>>, vector<16xf32>,
        tpu.vector_store %arg13[%swap3A_544, %swap3A_545], %mul3A_543 {strides = array<i32>} : memref<128x80xf32, #tpu.memory_space<vmem>>, vector<16xf32>,
        %slice3A_547 = vector.extract_strided_slice %exp3A {offsets = [3], sizes = [1], strides = [1]} : vector<16xf32> to vector<1xf32>
        %squeeze3A_548 = vector.extract %slice3A_547[0] : f32 from vector<1xf32>
        %broadcast_in_dim3A_549 = vector.broadcast %squeeze3A_548 : f32 to vector<16xf32>
        %get3A_550 = arith.index_cast %add3A_536 : i32 to index
        %get3A_551 = arith.constant 80 : index
        %get3A_552 = tpu.vector_load %arg12[%get3A_550, %get3A_551] {strides = array<i32>} : memref<128x128xf32, #tpu.memory_space<vmem>>, vector<16xf32>,
        %mul3A_553 = arith.mulf %get3A_552, %broadcast_in_dim3A_549 : vector<16xf32>
        %swap3A_554 = arith.index_cast %add3A_536 : i32 to index
        %swap3A_555 = arith.constant 16 : index
        %swap3A_556 = tpu.vector_load %arg13[%swap3A_554, %swap3A_555] {strides = array<i32>} : memref<128x80xf32, #tpu.memory_space<vmem>>, vector<16xf32>,
        tpu.vector_store %arg13[%swap3A_554, %swap3A_555], %mul3A_553 {strides = array<i32>} : memref<128x80xf32, #tpu.memory_space<vmem>>, vector<16xf32>,
        %slice3A_557 = vector.extract_strided_slice %exp3A_402 {offsets = [3], sizes = [1], strides = [1]} : vector<16xf32> to vector<1xf32>
        %squeeze3A_558 = vector.extract %slice3A_557[0] : f32 from vector<1xf32>
        %broadcast_in_dim3A_559 = vector.broadcast %squeeze3A_558 : f32 to vector<16xf32>
        %get3A_560 = arith.index_cast %add3A_536 : i32 to index
        %get3A_561 = arith.constant 96 : index
        %get3A_562 = tpu.vector_load %arg12[%get3A_560, %get3A_561] {strides = array<i32>} : memref<128x128xf32, #tpu.memory_space<vmem>>, vector<16xf32>,
        %mul3A_563 = arith.mulf %get3A_562, %broadcast_in_dim3A_559 : vector<16xf32>
        %swap3A_564 = arith.index_cast %add3A_536 : i32 to index
        %swap3A_565 = arith.constant 32 : index
        %swap3A_566 = tpu.vector_load %arg13[%swap3A_564, %swap3A_565] {strides = array<i32>} : memref<128x80xf32, #tpu.memory_space<vmem>>, vector<16xf32>,
        tpu.vector_store %arg13[%swap3A_564, %swap3A_565], %mul3A_563 {strides = array<i32>} : memref<128x80xf32, #tpu.memory_space<vmem>>, vector<16xf32>,
        %slice3A_567 = vector.extract_strided_slice %exp3A_402 {offsets = [3], sizes = [1], strides = [1]} : vector<16xf32> to vector<1xf32>
        %squeeze3A_568 = vector.extract %slice3A_567[0] : f32 from vector<1xf32>
        %broadcast_in_dim3A_569 = vector.broadcast %squeeze3A_568 : f32 to vector<16xf32>
        %get3A_570 = arith.index_cast %add3A_536 : i32 to index
        %get3A_571 = arith.constant 112 : index
        %get3A_572 = tpu.vector_load %arg12[%get3A_570, %get3A_571] {strides = array<i32>} : memref<128x128xf32, #tpu.memory_space<vmem>>, vector<16xf32>,
        %mul3A_573 = arith.mulf %get3A_572, %broadcast_in_dim3A_569 : vector<16xf32>
        %swap3A_574 = arith.index_cast %add3A_536 : i32 to index
        %swap3A_575 = arith.constant 48 : index
        %swap3A_576 = tpu.vector_load %arg13[%swap3A_574, %swap3A_575] {strides = array<i32>} : memref<128x80xf32, #tpu.memory_space<vmem>>, vector<16xf32>,
        tpu.vector_store %arg13[%swap3A_574, %swap3A_575], %mul3A_573 {strides = array<i32>} : memref<128x80xf32, #tpu.memory_space<vmem>>, vector<16xf32>,
        %mul3A_577 = arith.constant 16 : i32
        %mul3A_578 = arith.muli %scan3A_72, %mul3A_577 : i32
        %add3A_579 = arith.constant 4 : i32
        %add3A_580 = arith.addi %mul3A_578, %add3A_579 : i32
        %slice3A_581 = vector.extract_strided_slice %exp3A {offsets = [4], sizes = [1], strides = [1]} : vector<16xf32> to vector<1xf32>
        %squeeze3A_582 = vector.extract %slice3A_581[0] : f32 from vector<1xf32>
        %broadcast_in_dim3A_583 = vector.broadcast %squeeze3A_582 : f32 to vector<16xf32>
        %get3A_584 = arith.index_cast %add3A_580 : i32 to index
        %get3A_585 = arith.constant 64 : index
        %get3A_586 = tpu.vector_load %arg12[%get3A_584, %get3A_585] {strides = array<i32>} : memref<128x128xf32, #tpu.memory_space<vmem>>, vector<16xf32>,
        %mul3A_587 = arith.mulf %get3A_586, %broadcast_in_dim3A_583 : vector<16xf32>
        %swap3A_588 = arith.index_cast %add3A_580 : i32 to index
        %swap3A_589 = arith.constant 0 : index
        %swap3A_590 = tpu.vector_load %arg13[%swap3A_588, %swap3A_589] {strides = array<i32>} : memref<128x80xf32, #tpu.memory_space<vmem>>, vector<16xf32>,
        tpu.vector_store %arg13[%swap3A_588, %swap3A_589], %mul3A_587 {strides = array<i32>} : memref<128x80xf32, #tpu.memory_space<vmem>>, vector<16xf32>,
        %slice3A_591 = vector.extract_strided_slice %exp3A {offsets = [4], sizes = [1], strides = [1]} : vector<16xf32> to vector<1xf32>
        %squeeze3A_592 = vector.extract %slice3A_591[0] : f32 from vector<1xf32>
        %broadcast_in_dim3A_593 = vector.broadcast %squeeze3A_592 : f32 to vector<16xf32>
        %get3A_594 = arith.index_cast %add3A_580 : i32 to index
        %get3A_595 = arith.constant 80 : index
        %get3A_596 = tpu.vector_load %arg12[%get3A_594, %get3A_595] {strides = array<i32>} : memref<128x128xf32, #tpu.memory_space<vmem>>, vector<16xf32>,
        %mul3A_597 = arith.mulf %get3A_596, %broadcast_in_dim3A_593 : vector<16xf32>
        %swap3A_598 = arith.index_cast %add3A_580 : i32 to index
        %swap3A_599 = arith.constant 16 : index
        %swap3A_600 = tpu.vector_load %arg13[%swap3A_598, %swap3A_599] {strides = array<i32>} : memref<128x80xf32, #tpu.memory_space<vmem>>, vector<16xf32>,
        tpu.vector_store %arg13[%swap3A_598, %swap3A_599], %mul3A_597 {strides = array<i32>} : memref<128x80xf32, #tpu.memory_space<vmem>>, vector<16xf32>,
        %slice3A_601 = vector.extract_strided_slice %exp3A_402 {offsets = [4], sizes = [1], strides = [1]} : vector<16xf32> to vector<1xf32>
        %squeeze3A_602 = vector.extract %slice3A_601[0] : f32 from vector<1xf32>
        %broadcast_in_dim3A_603 = vector.broadcast %squeeze3A_602 : f32 to vector<16xf32>
        %get3A_604 = arith.index_cast %add3A_580 : i32 to index
        %get3A_605 = arith.constant 96 : index
        %get3A_606 = tpu.vector_load %arg12[%get3A_604, %get3A_605] {strides = array<i32>} : memref<128x128xf32, #tpu.memory_space<vmem>>, vector<16xf32>,
        %mul3A_607 = arith.mulf %get3A_606, %broadcast_in_dim3A_603 : vector<16xf32>
        %swap3A_608 = arith.index_cast %add3A_580 : i32 to index
        %swap3A_609 = arith.constant 32 : index
        %swap3A_610 = tpu.vector_load %arg13[%swap3A_608, %swap3A_609] {strides = array<i32>} : memref<128x80xf32, #tpu.memory_space<vmem>>, vector<16xf32>,
        tpu.vector_store %arg13[%swap3A_608, %swap3A_609], %mul3A_607 {strides = array<i32>} : memref<128x80xf32, #tpu.memory_space<vmem>>, vector<16xf32>,
        %slice3A_611 = vector.extract_strided_slice %exp3A_402 {offsets = [4], sizes = [1], strides = [1]} : vector<16xf32> to vector<1xf32>
        %squeeze3A_612 = vector.extract %slice3A_611[0] : f32 from vector<1xf32>
        %broadcast_in_dim3A_613 = vector.broadcast %squeeze3A_612 : f32 to vector<16xf32>
        %get3A_614 = arith.index_cast %add3A_580 : i32 to index
        %get3A_615 = arith.constant 112 : index
        %get3A_616 = tpu.vector_load %arg12[%get3A_614, %get3A_615] {strides = array<i32>} : memref<128x128xf32, #tpu.memory_space<vmem>>, vector<16xf32>,
        %mul3A_617 = arith.mulf %get3A_616, %broadcast_in_dim3A_613 : vector<16xf32>
        %swap3A_618 = arith.index_cast %add3A_580 : i32 to index
        %swap3A_619 = arith.constant 48 : index
        %swap3A_620 = tpu.vector_load %arg13[%swap3A_618, %swap3A_619] {strides = array<i32>} : memref<128x80xf32, #tpu.memory_space<vmem>>, vector<16xf32>,
        tpu.vector_store %arg13[%swap3A_618, %swap3A_619], %mul3A_617 {strides = array<i32>} : memref<128x80xf32, #tpu.memory_space<vmem>>, vector<16xf32>,
        %mul3A_621 = arith.constant 16 : i32
        %mul3A_622 = arith.muli %scan3A_72, %mul3A_621 : i32
        %add3A_623 = arith.constant 5 : i32
        %add3A_624 = arith.addi %mul3A_622, %add3A_623 : i32
        %slice3A_625 = vector.extract_strided_slice %exp3A {offsets = [5], sizes = [1], strides = [1]} : vector<16xf32> to vector<1xf32>
        %squeeze3A_626 = vector.extract %slice3A_625[0] : f32 from vector<1xf32>
        %broadcast_in_dim3A_627 = vector.broadcast %squeeze3A_626 : f32 to vector<16xf32>
        %get3A_628 = arith.index_cast %add3A_624 : i32 to index
        %get3A_629 = arith.constant 64 : index
        %get3A_630 = tpu.vector_load %arg12[%get3A_628, %get3A_629] {strides = array<i32>} : memref<128x128xf32, #tpu.memory_space<vmem>>, vector<16xf32>,
        %mul3A_631 = arith.mulf %get3A_630, %broadcast_in_dim3A_627 : vector<16xf32>
        %swap3A_632 = arith.index_cast %add3A_624 : i32 to index
        %swap3A_633 = arith.constant 0 : index
        %swap3A_634 = tpu.vector_load %arg13[%swap3A_632, %swap3A_633] {strides = array<i32>} : memref<128x80xf32, #tpu.memory_space<vmem>>, vector<16xf32>,
        tpu.vector_store %arg13[%swap3A_632, %swap3A_633], %mul3A_631 {strides = array<i32>} : memref<128x80xf32, #tpu.memory_space<vmem>>, vector<16xf32>,
        %slice3A_635 = vector.extract_strided_slice %exp3A {offsets = [5], sizes = [1], strides = [1]} : vector<16xf32> to vector<1xf32>
        %squeeze3A_636 = vector.extract %slice3A_635[0] : f32 from vector<1xf32>
        %broadcast_in_dim3A_637 = vector.broadcast %squeeze3A_636 : f32 to vector<16xf32>
        %get3A_638 = arith.index_cast %add3A_624 : i32 to index
        %get3A_639 = arith.constant 80 : index
        %get3A_640 = tpu.vector_load %arg12[%get3A_638, %get3A_639] {strides = array<i32>} : memref<128x128xf32, #tpu.memory_space<vmem>>, vector<16xf32>,
        %mul3A_641 = arith.mulf %get3A_640, %broadcast_in_dim3A_637 : vector<16xf32>
        %swap3A_642 = arith.index_cast %add3A_624 : i32 to index
        %swap3A_643 = arith.constant 16 : index
        %swap3A_644 = tpu.vector_load %arg13[%swap3A_642, %swap3A_643] {strides = array<i32>} : memref<128x80xf32, #tpu.memory_space<vmem>>, vector<16xf32>,
        tpu.vector_store %arg13[%swap3A_642, %swap3A_643], %mul3A_641 {strides = array<i32>} : memref<128x80xf32, #tpu.memory_space<vmem>>, vector<16xf32>,
        %slice3A_645 = vector.extract_strided_slice %exp3A_402 {offsets = [5], sizes = [1], strides = [1]} : vector<16xf32> to vector<1xf32>
        %squeeze3A_646 = vector.extract %slice3A_645[0] : f32 from vector<1xf32>
        %broadcast_in_dim3A_647 = vector.broadcast %squeeze3A_646 : f32 to vector<16xf32>
        %get3A_648 = arith.index_cast %add3A_624 : i32 to index
        %get3A_649 = arith.constant 96 : index
        %get3A_650 = tpu.vector_load %arg12[%get3A_648, %get3A_649] {strides = array<i32>} : memref<128x128xf32, #tpu.memory_space<vmem>>, vector<16xf32>,
        %mul3A_651 = arith.mulf %get3A_650, %broadcast_in_dim3A_647 : vector<16xf32>
        %swap3A_652 = arith.index_cast %add3A_624 : i32 to index
        %swap3A_653 = arith.constant 32 : index
        %swap3A_654 = tpu.vector_load %arg13[%swap3A_652, %swap3A_653] {strides = array<i32>} : memref<128x80xf32, #tpu.memory_space<vmem>>, vector<16xf32>,
        tpu.vector_store %arg13[%swap3A_652, %swap3A_653], %mul3A_651 {strides = array<i32>} : memref<128x80xf32, #tpu.memory_space<vmem>>, vector<16xf32>,
        %slice3A_655 = vector.extract_strided_slice %exp3A_402 {offsets = [5], sizes = [1], strides = [1]} : vector<16xf32> to vector<1xf32>
        %squeeze3A_656 = vector.extract %slice3A_655[0] : f32 from vector<1xf32>
        %broadcast_in_dim3A_657 = vector.broadcast %squeeze3A_656 : f32 to vector<16xf32>
        %get3A_658 = arith.index_cast %add3A_624 : i32 to index
        %get3A_659 = arith.constant 112 : index
        %get3A_660 = tpu.vector_load %arg12[%get3A_658, %get3A_659] {strides = array<i32>} : memref<128x128xf32, #tpu.memory_space<vmem>>, vector<16xf32>,
        %mul3A_661 = arith.mulf %get3A_660, %broadcast_in_dim3A_657 : vector<16xf32>
        %swap3A_662 = arith.index_cast %add3A_624 : i32 to index
        %swap3A_663 = arith.constant 48 : index
        %swap3A_664 = tpu.vector_load %arg13[%swap3A_662, %swap3A_663] {strides = array<i32>} : memref<128x80xf32, #tpu.memory_space<vmem>>, vector<16xf32>,
        tpu.vector_store %arg13[%swap3A_662, %swap3A_663], %mul3A_661 {strides = array<i32>} : memref<128x80xf32, #tpu.memory_space<vmem>>, vector<16xf32>,
        %mul3A_665 = arith.constant 16 : i32
        %mul3A_666 = arith.muli %scan3A_72, %mul3A_665 : i32
        %add3A_667 = arith.constant 6 : i32
        %add3A_668 = arith.addi %mul3A_666, %add3A_667 : i32
        %slice3A_669 = vector.extract_strided_slice %exp3A {offsets = [6], sizes = [1], strides = [1]} : vector<16xf32> to vector<1xf32>
        %squeeze3A_670 = vector.extract %slice3A_669[0] : f32 from vector<1xf32>
        %broadcast_in_dim3A_671 = vector.broadcast %squeeze3A_670 : f32 to vector<16xf32>
        %get3A_672 = arith.index_cast %add3A_668 : i32 to index
        %get3A_673 = arith.constant 64 : index
        %get3A_674 = tpu.vector_load %arg12[%get3A_672, %get3A_673] {strides = array<i32>} : memref<128x128xf32, #tpu.memory_space<vmem>>, vector<16xf32>,
        %mul3A_675 = arith.mulf %get3A_674, %broadcast_in_dim3A_671 : vector<16xf32>
        %swap3A_676 = arith.index_cast %add3A_668 : i32 to index
        %swap3A_677 = arith.constant 0 : index
        %swap3A_678 = tpu.vector_load %arg13[%swap3A_676, %swap3A_677] {strides = array<i32>} : memref<128x80xf32, #tpu.memory_space<vmem>>, vector<16xf32>,
        tpu.vector_store %arg13[%swap3A_676, %swap3A_677], %mul3A_675 {strides = array<i32>} : memref<128x80xf32, #tpu.memory_space<vmem>>, vector<16xf32>,
        %slice3A_679 = vector.extract_strided_slice %exp3A {offsets = [6], sizes = [1], strides = [1]} : vector<16xf32> to vector<1xf32>
        %squeeze3A_680 = vector.extract %slice3A_679[0] : f32 from vector<1xf32>
        %broadcast_in_dim3A_681 = vector.broadcast %squeeze3A_680 : f32 to vector<16xf32>
        %get3A_682 = arith.index_cast %add3A_668 : i32 to index
        %get3A_683 = arith.constant 80 : index
        %get3A_684 = tpu.vector_load %arg12[%get3A_682, %get3A_683] {strides = array<i32>} : memref<128x128xf32, #tpu.memory_space<vmem>>, vector<16xf32>,
        %mul3A_685 = arith.mulf %get3A_684, %broadcast_in_dim3A_681 : vector<16xf32>
        %swap3A_686 = arith.index_cast %add3A_668 : i32 to index
        %swap3A_687 = arith.constant 16 : index
        %swap3A_688 = tpu.vector_load %arg13[%swap3A_686, %swap3A_687] {strides = array<i32>} : memref<128x80xf32, #tpu.memory_space<vmem>>, vector<16xf32>,
        tpu.vector_store %arg13[%swap3A_686, %swap3A_687], %mul3A_685 {strides = array<i32>} : memref<128x80xf32, #tpu.memory_space<vmem>>, vector<16xf32>,
        %slice3A_689 = vector.extract_strided_slice %exp3A_402 {offsets = [6], sizes = [1], strides = [1]} : vector<16xf32> to vector<1xf32>
        %squeeze3A_690 = vector.extract %slice3A_689[0] : f32 from vector<1xf32>
        %broadcast_in_dim3A_691 = vector.broadcast %squeeze3A_690 : f32 to vector<16xf32>
        %get3A_692 = arith.index_cast %add3A_668 : i32 to index
        %get3A_693 = arith.constant 96 : index
        %get3A_694 = tpu.vector_load %arg12[%get3A_692, %get3A_693] {strides = array<i32>} : memref<128x128xf32, #tpu.memory_space<vmem>>, vector<16xf32>,
        %mul3A_695 = arith.mulf %get3A_694, %broadcast_in_dim3A_691 : vector<16xf32>
        %swap3A_696 = arith.index_cast %add3A_668 : i32 to index
        %swap3A_697 = arith.constant 32 : index
        %swap3A_698 = tpu.vector_load %arg13[%swap3A_696, %swap3A_697] {strides = array<i32>} : memref<128x80xf32, #tpu.memory_space<vmem>>, vector<16xf32>,
        tpu.vector_store %arg13[%swap3A_696, %swap3A_697], %mul3A_695 {strides = array<i32>} : memref<128x80xf32, #tpu.memory_space<vmem>>, vector<16xf32>,
        %slice3A_699 = vector.extract_strided_slice %exp3A_402 {offsets = [6], sizes = [1], strides = [1]} : vector<16xf32> to vector<1xf32>
        %squeeze3A_700 = vector.extract %slice3A_699[0] : f32 from vector<1xf32>
        %broadcast_in_dim3A_701 = vector.broadcast %squeeze3A_700 : f32 to vector<16xf32>
        %get3A_702 = arith.index_cast %add3A_668 : i32 to index
        %get3A_703 = arith.constant 112 : index
        %get3A_704 = tpu.vector_load %arg12[%get3A_702, %get3A_703] {strides = array<i32>} : memref<128x128xf32, #tpu.memory_space<vmem>>, vector<16xf32>,
        %mul3A_705 = arith.mulf %get3A_704, %broadcast_in_dim3A_701 : vector<16xf32>
        %swap3A_706 = arith.index_cast %add3A_668 : i32 to index
        %swap3A_707 = arith.constant 48 : index
        %swap3A_708 = tpu.vector_load %arg13[%swap3A_706, %swap3A_707] {strides = array<i32>} : memref<128x80xf32, #tpu.memory_space<vmem>>, vector<16xf32>,
        tpu.vector_store %arg13[%swap3A_706, %swap3A_707], %mul3A_705 {strides = array<i32>} : memref<128x80xf32, #tpu.memory_space<vmem>>, vector<16xf32>,
        %mul3A_709 = arith.constant 16 : i32
        %mul3A_710 = arith.muli %scan3A_72, %mul3A_709 : i32
        %add3A_711 = arith.constant 7 : i32
        %add3A_712 = arith.addi %mul3A_710, %add3A_711 : i32
        %slice3A_713 = vector.extract_strided_slice %exp3A {offsets = [7], sizes = [1], strides = [1]} : vector<16xf32> to vector<1xf32>
        %squeeze3A_714 = vector.extract %slice3A_713[0] : f32 from vector<1xf32>
        %broadcast_in_dim3A_715 = vector.broadcast %squeeze3A_714 : f32 to vector<16xf32>
        %get3A_716 = arith.index_cast %add3A_712 : i32 to index
        %get3A_717 = arith.constant 64 : index
        %get3A_718 = tpu.vector_load %arg12[%get3A_716, %get3A_717] {strides = array<i32>} : memref<128x128xf32, #tpu.memory_space<vmem>>, vector<16xf32>,
        %mul3A_719 = arith.mulf %get3A_718, %broadcast_in_dim3A_715 : vector<16xf32>
        %swap3A_720 = arith.index_cast %add3A_712 : i32 to index
        %swap3A_721 = arith.constant 0 : index
        %swap3A_722 = tpu.vector_load %arg13[%swap3A_720, %swap3A_721] {strides = array<i32>} : memref<128x80xf32, #tpu.memory_space<vmem>>, vector<16xf32>,
        tpu.vector_store %arg13[%swap3A_720, %swap3A_721], %mul3A_719 {strides = array<i32>} : memref<128x80xf32, #tpu.memory_space<vmem>>, vector<16xf32>,
        %slice3A_723 = vector.extract_strided_slice %exp3A {offsets = [7], sizes = [1], strides = [1]} : vector<16xf32> to vector<1xf32>
        %squeeze3A_724 = vector.extract %slice3A_723[0] : f32 from vector<1xf32>
        %broadcast_in_dim3A_725 = vector.broadcast %squeeze3A_724 : f32 to vector<16xf32>
        %get3A_726 = arith.index_cast %add3A_712 : i32 to index
        %get3A_727 = arith.constant 80 : index
        %get3A_728 = tpu.vector_load %arg12[%get3A_726, %get3A_727] {strides = array<i32>} : memref<128x128xf32, #tpu.memory_space<vmem>>, vector<16xf32>,
        %mul3A_729 = arith.mulf %get3A_728, %broadcast_in_dim3A_725 : vector<16xf32>
        %swap3A_730 = arith.index_cast %add3A_712 : i32 to index
        %swap3A_731 = arith.constant 16 : index
        %swap3A_732 = tpu.vector_load %arg13[%swap3A_730, %swap3A_731] {strides = array<i32>} : memref<128x80xf32, #tpu.memory_space<vmem>>, vector<16xf32>,
        tpu.vector_store %arg13[%swap3A_730, %swap3A_731], %mul3A_729 {strides = array<i32>} : memref<128x80xf32, #tpu.memory_space<vmem>>, vector<16xf32>,
        %slice3A_733 = vector.extract_strided_slice %exp3A_402 {offsets = [7], sizes = [1], strides = [1]} : vector<16xf32> to vector<1xf32>
        %squeeze3A_734 = vector.extract %slice3A_733[0] : f32 from vector<1xf32>
        %broadcast_in_dim3A_735 = vector.broadcast %squeeze3A_734 : f32 to vector<16xf32>
        %get3A_736 = arith.index_cast %add3A_712 : i32 to index
        %get3A_737 = arith.constant 96 : index
        %get3A_738 = tpu.vector_load %arg12[%get3A_736, %get3A_737] {strides = array<i32>} : memref<128x128xf32, #tpu.memory_space<vmem>>, vector<16xf32>,
        %mul3A_739 = arith.mulf %get3A_738, %broadcast_in_dim3A_735 : vector<16xf32>
        %swap3A_740 = arith.index_cast %add3A_712 : i32 to index
        %swap3A_741 = arith.constant 32 : index
        %swap3A_742 = tpu.vector_load %arg13[%swap3A_740, %swap3A_741] {strides = array<i32>} : memref<128x80xf32, #tpu.memory_space<vmem>>, vector<16xf32>,
        tpu.vector_store %arg13[%swap3A_740, %swap3A_741], %mul3A_739 {strides = array<i32>} : memref<128x80xf32, #tpu.memory_space<vmem>>, vector<16xf32>,
        %slice3A_743 = vector.extract_strided_slice %exp3A_402 {offsets = [7], sizes = [1], strides = [1]} : vector<16xf32> to vector<1xf32>
        %squeeze3A_744 = vector.extract %slice3A_743[0] : f32 from vector<1xf32>
        %broadcast_in_dim3A_745 = vector.broadcast %squeeze3A_744 : f32 to vector<16xf32>
        %get3A_746 = arith.index_cast %add3A_712 : i32 to index
        %get3A_747 = arith.constant 112 : index
        %get3A_748 = tpu.vector_load %arg12[%get3A_746, %get3A_747] {strides = array<i32>} : memref<128x128xf32, #tpu.memory_space<vmem>>, vector<16xf32>,
        %mul3A_749 = arith.mulf %get3A_748, %broadcast_in_dim3A_745 : vector<16xf32>
        %swap3A_750 = arith.index_cast %add3A_712 : i32 to index
        %swap3A_751 = arith.constant 48 : index
        %swap3A_752 = tpu.vector_load %arg13[%swap3A_750, %swap3A_751] {strides = array<i32>} : memref<128x80xf32, #tpu.memory_space<vmem>>, vector<16xf32>,
        tpu.vector_store %arg13[%swap3A_750, %swap3A_751], %mul3A_749 {strides = array<i32>} : memref<128x80xf32, #tpu.memory_space<vmem>>, vector<16xf32>,
        %mul3A_753 = arith.constant 16 : i32
        %mul3A_754 = arith.muli %scan3A_72, %mul3A_753 : i32
        %add3A_755 = arith.constant 8 : i32
        %add3A_756 = arith.addi %mul3A_754, %add3A_755 : i32
        %slice3A_757 = vector.extract_strided_slice %exp3A {offsets = [8], sizes = [1], strides = [1]} : vector<16xf32> to vector<1xf32>
        %squeeze3A_758 = vector.extract %slice3A_757[0] : f32 from vector<1xf32>
        %broadcast_in_dim3A_759 = vector.broadcast %squeeze3A_758 : f32 to vector<16xf32>
        %get3A_760 = arith.index_cast %add3A_756 : i32 to index
        %get3A_761 = arith.constant 64 : index
        %get3A_762 = tpu.vector_load %arg12[%get3A_760, %get3A_761] {strides = array<i32>} : memref<128x128xf32, #tpu.memory_space<vmem>>, vector<16xf32>,
        %mul3A_763 = arith.mulf %get3A_762, %broadcast_in_dim3A_759 : vector<16xf32>
        %swap3A_764 = arith.index_cast %add3A_756 : i32 to index
        %swap3A_765 = arith.constant 0 : index
        %swap3A_766 = tpu.vector_load %arg13[%swap3A_764, %swap3A_765] {strides = array<i32>} : memref<128x80xf32, #tpu.memory_space<vmem>>, vector<16xf32>,
        tpu.vector_store %arg13[%swap3A_764, %swap3A_765], %mul3A_763 {strides = array<i32>} : memref<128x80xf32, #tpu.memory_space<vmem>>, vector<16xf32>,
        %slice3A_767 = vector.extract_strided_slice %exp3A {offsets = [8], sizes = [1], strides = [1]} : vector<16xf32> to vector<1xf32>
        %squeeze3A_768 = vector.extract %slice3A_767[0] : f32 from vector<1xf32>
        %broadcast_in_dim3A_769 = vector.broadcast %squeeze3A_768 : f32 to vector<16xf32>
        %get3A_770 = arith.index_cast %add3A_756 : i32 to index
        %get3A_771 = arith.constant 80 : index
        %get3A_772 = tpu.vector_load %arg12[%get3A_770, %get3A_771] {strides = array<i32>} : memref<128x128xf32, #tpu.memory_space<vmem>>, vector<16xf32>,
        %mul3A_773 = arith.mulf %get3A_772, %broadcast_in_dim3A_769 : vector<16xf32>
        %swap3A_774 = arith.index_cast %add3A_756 : i32 to index
        %swap3A_775 = arith.constant 16 : index
        %swap3A_776 = tpu.vector_load %arg13[%swap3A_774, %swap3A_775] {strides = array<i32>} : memref<128x80xf32, #tpu.memory_space<vmem>>, vector<16xf32>,
        tpu.vector_store %arg13[%swap3A_774, %swap3A_775], %mul3A_773 {strides = array<i32>} : memref<128x80xf32, #tpu.memory_space<vmem>>, vector<16xf32>,
        %slice3A_777 = vector.extract_strided_slice %exp3A_402 {offsets = [8], sizes = [1], strides = [1]} : vector<16xf32> to vector<1xf32>
        %squeeze3A_778 = vector.extract %slice3A_777[0] : f32 from vector<1xf32>
        %broadcast_in_dim3A_779 = vector.broadcast %squeeze3A_778 : f32 to vector<16xf32>
        %get3A_780 = arith.index_cast %add3A_756 : i32 to index
        %get3A_781 = arith.constant 96 : index
        %get3A_782 = tpu.vector_load %arg12[%get3A_780, %get3A_781] {strides = array<i32>} : memref<128x128xf32, #tpu.memory_space<vmem>>, vector<16xf32>,
        %mul3A_783 = arith.mulf %get3A_782, %broadcast_in_dim3A_779 : vector<16xf32>
        %swap3A_784 = arith.index_cast %add3A_756 : i32 to index
        %swap3A_785 = arith.constant 32 : index
        %swap3A_786 = tpu.vector_load %arg13[%swap3A_784, %swap3A_785] {strides = array<i32>} : memref<128x80xf32, #tpu.memory_space<vmem>>, vector<16xf32>,
        tpu.vector_store %arg13[%swap3A_784, %swap3A_785], %mul3A_783 {strides = array<i32>} : memref<128x80xf32, #tpu.memory_space<vmem>>, vector<16xf32>,
        %slice3A_787 = vector.extract_strided_slice %exp3A_402 {offsets = [8], sizes = [1], strides = [1]} : vector<16xf32> to vector<1xf32>
        %squeeze3A_788 = vector.extract %slice3A_787[0] : f32 from vector<1xf32>
        %broadcast_in_dim3A_789 = vector.broadcast %squeeze3A_788 : f32 to vector<16xf32>
        %get3A_790 = arith.index_cast %add3A_756 : i32 to index
        %get3A_791 = arith.constant 112 : index
        %get3A_792 = tpu.vector_load %arg12[%get3A_790, %get3A_791] {strides = array<i32>} : memref<128x128xf32, #tpu.memory_space<vmem>>, vector<16xf32>,
        %mul3A_793 = arith.mulf %get3A_792, %broadcast_in_dim3A_789 : vector<16xf32>
        %swap3A_794 = arith.index_cast %add3A_756 : i32 to index
        %swap3A_795 = arith.constant 48 : index
        %swap3A_796 = tpu.vector_load %arg13[%swap3A_794, %swap3A_795] {strides = array<i32>} : memref<128x80xf32, #tpu.memory_space<vmem>>, vector<16xf32>,
        tpu.vector_store %arg13[%swap3A_794, %swap3A_795], %mul3A_793 {strides = array<i32>} : memref<128x80xf32, #tpu.memory_space<vmem>>, vector<16xf32>,
        %mul3A_797 = arith.constant 16 : i32
        %mul3A_798 = arith.muli %scan3A_72, %mul3A_797 : i32
        %add3A_799 = arith.constant 9 : i32
        %add3A_800 = arith.addi %mul3A_798, %add3A_799 : i32
        %slice3A_801 = vector.extract_strided_slice %exp3A {offsets = [9], sizes = [1], strides = [1]} : vector<16xf32> to vector<1xf32>
        %squeeze3A_802 = vector.extract %slice3A_801[0] : f32 from vector<1xf32>
        %broadcast_in_dim3A_803 = vector.broadcast %squeeze3A_802 : f32 to vector<16xf32>
        %get3A_804 = arith.index_cast %add3A_800 : i32 to index
        %get3A_805 = arith.constant 64 : index
        %get3A_806 = tpu.vector_load %arg12[%get3A_804, %get3A_805] {strides = array<i32>} : memref<128x128xf32, #tpu.memory_space<vmem>>, vector<16xf32>,
        %mul3A_807 = arith.mulf %get3A_806, %broadcast_in_dim3A_803 : vector<16xf32>
        %swap3A_808 = arith.index_cast %add3A_800 : i32 to index
        %swap3A_809 = arith.constant 0 : index
        %swap3A_810 = tpu.vector_load %arg13[%swap3A_808, %swap3A_809] {strides = array<i32>} : memref<128x80xf32, #tpu.memory_space<vmem>>, vector<16xf32>,
        tpu.vector_store %arg13[%swap3A_808, %swap3A_809], %mul3A_807 {strides = array<i32>} : memref<128x80xf32, #tpu.memory_space<vmem>>, vector<16xf32>,
        %slice3A_811 = vector.extract_strided_slice %exp3A {offsets = [9], sizes = [1], strides = [1]} : vector<16xf32> to vector<1xf32>
        %squeeze3A_812 = vector.extract %slice3A_811[0] : f32 from vector<1xf32>
        %broadcast_in_dim3A_813 = vector.broadcast %squeeze3A_812 : f32 to vector<16xf32>
        %get3A_814 = arith.index_cast %add3A_800 : i32 to index
        %get3A_815 = arith.constant 80 : index
        %get3A_816 = tpu.vector_load %arg12[%get3A_814, %get3A_815] {strides = array<i32>} : memref<128x128xf32, #tpu.memory_space<vmem>>, vector<16xf32>,
        %mul3A_817 = arith.mulf %get3A_816, %broadcast_in_dim3A_813 : vector<16xf32>
        %swap3A_818 = arith.index_cast %add3A_800 : i32 to index
        %swap3A_819 = arith.constant 16 : index
        %swap3A_820 = tpu.vector_load %arg13[%swap3A_818, %swap3A_819] {strides = array<i32>} : memref<128x80xf32, #tpu.memory_space<vmem>>, vector<16xf32>,
        tpu.vector_store %arg13[%swap3A_818, %swap3A_819], %mul3A_817 {strides = array<i32>} : memref<128x80xf32, #tpu.memory_space<vmem>>, vector<16xf32>,
        %slice3A_821 = vector.extract_strided_slice %exp3A_402 {offsets = [9], sizes = [1], strides = [1]} : vector<16xf32> to vector<1xf32>
        %squeeze3A_822 = vector.extract %slice3A_821[0] : f32 from vector<1xf32>
        %broadcast_in_dim3A_823 = vector.broadcast %squeeze3A_822 : f32 to vector<16xf32>
        %get3A_824 = arith.index_cast %add3A_800 : i32 to index
        %get3A_825 = arith.constant 96 : index
        %get3A_826 = tpu.vector_load %arg12[%get3A_824, %get3A_825] {strides = array<i32>} : memref<128x128xf32, #tpu.memory_space<vmem>>, vector<16xf32>,
        %mul3A_827 = arith.mulf %get3A_826, %broadcast_in_dim3A_823 : vector<16xf32>
        %swap3A_828 = arith.index_cast %add3A_800 : i32 to index
        %swap3A_829 = arith.constant 32 : index
        %swap3A_830 = tpu.vector_load %arg13[%swap3A_828, %swap3A_829] {strides = array<i32>} : memref<128x80xf32, #tpu.memory_space<vmem>>, vector<16xf32>,
        tpu.vector_store %arg13[%swap3A_828, %swap3A_829], %mul3A_827 {strides = array<i32>} : memref<128x80xf32, #tpu.memory_space<vmem>>, vector<16xf32>,
        %slice3A_831 = vector.extract_strided_slice %exp3A_402 {offsets = [9], sizes = [1], strides = [1]} : vector<16xf32> to vector<1xf32>
        %squeeze3A_832 = vector.extract %slice3A_831[0] : f32 from vector<1xf32>
        %broadcast_in_dim3A_833 = vector.broadcast %squeeze3A_832 : f32 to vector<16xf32>
        %get3A_834 = arith.index_cast %add3A_800 : i32 to index
        %get3A_835 = arith.constant 112 : index
        %get3A_836 = tpu.vector_load %arg12[%get3A_834, %get3A_835] {strides = array<i32>} : memref<128x128xf32, #tpu.memory_space<vmem>>, vector<16xf32>,
        %mul3A_837 = arith.mulf %get3A_836, %broadcast_in_dim3A_833 : vector<16xf32>
        %swap3A_838 = arith.index_cast %add3A_800 : i32 to index
        %swap3A_839 = arith.constant 48 : index
        %swap3A_840 = tpu.vector_load %arg13[%swap3A_838, %swap3A_839] {strides = array<i32>} : memref<128x80xf32, #tpu.memory_space<vmem>>, vector<16xf32>,
        tpu.vector_store %arg13[%swap3A_838, %swap3A_839], %mul3A_837 {strides = array<i32>} : memref<128x80xf32, #tpu.memory_space<vmem>>, vector<16xf32>,
        %mul3A_841 = arith.constant 16 : i32
        %mul3A_842 = arith.muli %scan3A_72, %mul3A_841 : i32
        %add3A_843 = arith.constant 10 : i32
        %add3A_844 = arith.addi %mul3A_842, %add3A_843 : i32
        %slice3A_845 = vector.extract_strided_slice %exp3A {offsets = [10], sizes = [1], strides = [1]} : vector<16xf32> to vector<1xf32>
        %squeeze3A_846 = vector.extract %slice3A_845[0] : f32 from vector<1xf32>
        %broadcast_in_dim3A_847 = vector.broadcast %squeeze3A_846 : f32 to vector<16xf32>
        %get3A_848 = arith.index_cast %add3A_844 : i32 to index
        %get3A_849 = arith.constant 64 : index
        %get3A_850 = tpu.vector_load %arg12[%get3A_848, %get3A_849] {strides = array<i32>} : memref<128x128xf32, #tpu.memory_space<vmem>>, vector<16xf32>,
        %mul3A_851 = arith.mulf %get3A_850, %broadcast_in_dim3A_847 : vector<16xf32>
        %swap3A_852 = arith.index_cast %add3A_844 : i32 to index
        %swap3A_853 = arith.constant 0 : index
        %swap3A_854 = tpu.vector_load %arg13[%swap3A_852, %swap3A_853] {strides = array<i32>} : memref<128x80xf32, #tpu.memory_space<vmem>>, vector<16xf32>,
        tpu.vector_store %arg13[%swap3A_852, %swap3A_853], %mul3A_851 {strides = array<i32>} : memref<128x80xf32, #tpu.memory_space<vmem>>, vector<16xf32>,
        %slice3A_855 = vector.extract_strided_slice %exp3A {offsets = [10], sizes = [1], strides = [1]} : vector<16xf32> to vector<1xf32>
        %squeeze3A_856 = vector.extract %slice3A_855[0] : f32 from vector<1xf32>
        %broadcast_in_dim3A_857 = vector.broadcast %squeeze3A_856 : f32 to vector<16xf32>
        %get3A_858 = arith.index_cast %add3A_844 : i32 to index
        %get3A_859 = arith.constant 80 : index
        %get3A_860 = tpu.vector_load %arg12[%get3A_858, %get3A_859] {strides = array<i32>} : memref<128x128xf32, #tpu.memory_space<vmem>>, vector<16xf32>,
        %mul3A_861 = arith.mulf %get3A_860, %broadcast_in_dim3A_857 : vector<16xf32>
        %swap3A_862 = arith.index_cast %add3A_844 : i32 to index
        %swap3A_863 = arith.constant 16 : index
        %swap3A_864 = tpu.vector_load %arg13[%swap3A_862, %swap3A_863] {strides = array<i32>} : memref<128x80xf32, #tpu.memory_space<vmem>>, vector<16xf32>,
        tpu.vector_store %arg13[%swap3A_862, %swap3A_863], %mul3A_861 {strides = array<i32>} : memref<128x80xf32, #tpu.memory_space<vmem>>, vector<16xf32>,
        %slice3A_865 = vector.extract_strided_slice %exp3A_402 {offsets = [10], sizes = [1], strides = [1]} : vector<16xf32> to vector<1xf32>
        %squeeze3A_866 = vector.extract %slice3A_865[0] : f32 from vector<1xf32>
        %broadcast_in_dim3A_867 = vector.broadcast %squeeze3A_866 : f32 to vector<16xf32>
        %get3A_868 = arith.index_cast %add3A_844 : i32 to index
        %get3A_869 = arith.constant 96 : index
        %get3A_870 = tpu.vector_load %arg12[%get3A_868, %get3A_869] {strides = array<i32>} : memref<128x128xf32, #tpu.memory_space<vmem>>, vector<16xf32>,
        %mul3A_871 = arith.mulf %get3A_870, %broadcast_in_dim3A_867 : vector<16xf32>
        %swap3A_872 = arith.index_cast %add3A_844 : i32 to index
        %swap3A_873 = arith.constant 32 : index
        %swap3A_874 = tpu.vector_load %arg13[%swap3A_872, %swap3A_873] {strides = array<i32>} : memref<128x80xf32, #tpu.memory_space<vmem>>, vector<16xf32>,
        tpu.vector_store %arg13[%swap3A_872, %swap3A_873], %mul3A_871 {strides = array<i32>} : memref<128x80xf32, #tpu.memory_space<vmem>>, vector<16xf32>,
        %slice3A_875 = vector.extract_strided_slice %exp3A_402 {offsets = [10], sizes = [1], strides = [1]} : vector<16xf32> to vector<1xf32>
        %squeeze3A_876 = vector.extract %slice3A_875[0] : f32 from vector<1xf32>
        %broadcast_in_dim3A_877 = vector.broadcast %squeeze3A_876 : f32 to vector<16xf32>
        %get3A_878 = arith.index_cast %add3A_844 : i32 to index
        %get3A_879 = arith.constant 112 : index
        %get3A_880 = tpu.vector_load %arg12[%get3A_878, %get3A_879] {strides = array<i32>} : memref<128x128xf32, #tpu.memory_space<vmem>>, vector<16xf32>,
        %mul3A_881 = arith.mulf %get3A_880, %broadcast_in_dim3A_877 : vector<16xf32>
        %swap3A_882 = arith.index_cast %add3A_844 : i32 to index
        %swap3A_883 = arith.constant 48 : index
        %swap3A_884 = tpu.vector_load %arg13[%swap3A_882, %swap3A_883] {strides = array<i32>} : memref<128x80xf32, #tpu.memory_space<vmem>>, vector<16xf32>,
        tpu.vector_store %arg13[%swap3A_882, %swap3A_883], %mul3A_881 {strides = array<i32>} : memref<128x80xf32, #tpu.memory_space<vmem>>, vector<16xf32>,
        %mul3A_885 = arith.constant 16 : i32
        %mul3A_886 = arith.muli %scan3A_72, %mul3A_885 : i32
        %add3A_887 = arith.constant 11 : i32
        %add3A_888 = arith.addi %mul3A_886, %add3A_887 : i32
        %slice3A_889 = vector.extract_strided_slice %exp3A {offsets = [11], sizes = [1], strides = [1]} : vector<16xf32> to vector<1xf32>
        %squeeze3A_890 = vector.extract %slice3A_889[0] : f32 from vector<1xf32>
        %broadcast_in_dim3A_891 = vector.broadcast %squeeze3A_890 : f32 to vector<16xf32>
        %get3A_892 = arith.index_cast %add3A_888 : i32 to index
        %get3A_893 = arith.constant 64 : index
        %get3A_894 = tpu.vector_load %arg12[%get3A_892, %get3A_893] {strides = array<i32>} : memref<128x128xf32, #tpu.memory_space<vmem>>, vector<16xf32>,
        %mul3A_895 = arith.mulf %get3A_894, %broadcast_in_dim3A_891 : vector<16xf32>
        %swap3A_896 = arith.index_cast %add3A_888 : i32 to index
        %swap3A_897 = arith.constant 0 : index
        %swap3A_898 = tpu.vector_load %arg13[%swap3A_896, %swap3A_897] {strides = array<i32>} : memref<128x80xf32, #tpu.memory_space<vmem>>, vector<16xf32>,
        tpu.vector_store %arg13[%swap3A_896, %swap3A_897], %mul3A_895 {strides = array<i32>} : memref<128x80xf32, #tpu.memory_space<vmem>>, vector<16xf32>,
        %slice3A_899 = vector.extract_strided_slice %exp3A {offsets = [11], sizes = [1], strides = [1]} : vector<16xf32> to vector<1xf32>
        %squeeze3A_900 = vector.extract %slice3A_899[0] : f32 from vector<1xf32>
        %broadcast_in_dim3A_901 = vector.broadcast %squeeze3A_900 : f32 to vector<16xf32>
        %get3A_902 = arith.index_cast %add3A_888 : i32 to index
        %get3A_903 = arith.constant 80 : index
        %get3A_904 = tpu.vector_load %arg12[%get3A_902, %get3A_903] {strides = array<i32>} : memref<128x128xf32, #tpu.memory_space<vmem>>, vector<16xf32>,
        %mul3A_905 = arith.mulf %get3A_904, %broadcast_in_dim3A_901 : vector<16xf32>
        %swap3A_906 = arith.index_cast %add3A_888 : i32 to index
        %swap3A_907 = arith.constant 16 : index
        %swap3A_908 = tpu.vector_load %arg13[%swap3A_906, %swap3A_907] {strides = array<i32>} : memref<128x80xf32, #tpu.memory_space<vmem>>, vector<16xf32>,
        tpu.vector_store %arg13[%swap3A_906, %swap3A_907], %mul3A_905 {strides = array<i32>} : memref<128x80xf32, #tpu.memory_space<vmem>>, vector<16xf32>,
        %slice3A_909 = vector.extract_strided_slice %exp3A_402 {offsets = [11], sizes = [1], strides = [1]} : vector<16xf32> to vector<1xf32>
        %squeeze3A_910 = vector.extract %slice3A_909[0] : f32 from vector<1xf32>
        %broadcast_in_dim3A_911 = vector.broadcast %squeeze3A_910 : f32 to vector<16xf32>
        %get3A_912 = arith.index_cast %add3A_888 : i32 to index
        %get3A_913 = arith.constant 96 : index
        %get3A_914 = tpu.vector_load %arg12[%get3A_912, %get3A_913] {strides = array<i32>} : memref<128x128xf32, #tpu.memory_space<vmem>>, vector<16xf32>,
        %mul3A_915 = arith.mulf %get3A_914, %broadcast_in_dim3A_911 : vector<16xf32>
        %swap3A_916 = arith.index_cast %add3A_888 : i32 to index
        %swap3A_917 = arith.constant 32 : index
        %swap3A_918 = tpu.vector_load %arg13[%swap3A_916, %swap3A_917] {strides = array<i32>} : memref<128x80xf32, #tpu.memory_space<vmem>>, vector<16xf32>,
        tpu.vector_store %arg13[%swap3A_916, %swap3A_917], %mul3A_915 {strides = array<i32>} : memref<128x80xf32, #tpu.memory_space<vmem>>, vector<16xf32>,
        %slice3A_919 = vector.extract_strided_slice %exp3A_402 {offsets = [11], sizes = [1], strides = [1]} : vector<16xf32> to vector<1xf32>
        %squeeze3A_920 = vector.extract %slice3A_919[0] : f32 from vector<1xf32>
        %broadcast_in_dim3A_921 = vector.broadcast %squeeze3A_920 : f32 to vector<16xf32>
        %get3A_922 = arith.index_cast %add3A_888 : i32 to index
        %get3A_923 = arith.constant 112 : index
        %get3A_924 = tpu.vector_load %arg12[%get3A_922, %get3A_923] {strides = array<i32>} : memref<128x128xf32, #tpu.memory_space<vmem>>, vector<16xf32>,
        %mul3A_925 = arith.mulf %get3A_924, %broadcast_in_dim3A_921 : vector<16xf32>
        %swap3A_926 = arith.index_cast %add3A_888 : i32 to index
        %swap3A_927 = arith.constant 48 : index
        %swap3A_928 = tpu.vector_load %arg13[%swap3A_926, %swap3A_927] {strides = array<i32>} : memref<128x80xf32, #tpu.memory_space<vmem>>, vector<16xf32>,
        tpu.vector_store %arg13[%swap3A_926, %swap3A_927], %mul3A_925 {strides = array<i32>} : memref<128x80xf32, #tpu.memory_space<vmem>>, vector<16xf32>,
        %mul3A_929 = arith.constant 16 : i32
        %mul3A_930 = arith.muli %scan3A_72, %mul3A_929 : i32
        %add3A_931 = arith.constant 12 : i32
        %add3A_932 = arith.addi %mul3A_930, %add3A_931 : i32
        %slice3A_933 = vector.extract_strided_slice %exp3A {offsets = [12], sizes = [1], strides = [1]} : vector<16xf32> to vector<1xf32>
        %squeeze3A_934 = vector.extract %slice3A_933[0] : f32 from vector<1xf32>
        %broadcast_in_dim3A_935 = vector.broadcast %squeeze3A_934 : f32 to vector<16xf32>
        %get3A_936 = arith.index_cast %add3A_932 : i32 to index
        %get3A_937 = arith.constant 64 : index
        %get3A_938 = tpu.vector_load %arg12[%get3A_936, %get3A_937] {strides = array<i32>} : memref<128x128xf32, #tpu.memory_space<vmem>>, vector<16xf32>,
        %mul3A_939 = arith.mulf %get3A_938, %broadcast_in_dim3A_935 : vector<16xf32>
        %swap3A_940 = arith.index_cast %add3A_932 : i32 to index
        %swap3A_941 = arith.constant 0 : index
        %swap3A_942 = tpu.vector_load %arg13[%swap3A_940, %swap3A_941] {strides = array<i32>} : memref<128x80xf32, #tpu.memory_space<vmem>>, vector<16xf32>,
        tpu.vector_store %arg13[%swap3A_940, %swap3A_941], %mul3A_939 {strides = array<i32>} : memref<128x80xf32, #tpu.memory_space<vmem>>, vector<16xf32>,
        %slice3A_943 = vector.extract_strided_slice %exp3A {offsets = [12], sizes = [1], strides = [1]} : vector<16xf32> to vector<1xf32>
        %squeeze3A_944 = vector.extract %slice3A_943[0] : f32 from vector<1xf32>
        %broadcast_in_dim3A_945 = vector.broadcast %squeeze3A_944 : f32 to vector<16xf32>
        %get3A_946 = arith.index_cast %add3A_932 : i32 to index
        %get3A_947 = arith.constant 80 : index
        %get3A_948 = tpu.vector_load %arg12[%get3A_946, %get3A_947] {strides = array<i32>} : memref<128x128xf32, #tpu.memory_space<vmem>>, vector<16xf32>,
        %mul3A_949 = arith.mulf %get3A_948, %broadcast_in_dim3A_945 : vector<16xf32>
        %swap3A_950 = arith.index_cast %add3A_932 : i32 to index
        %swap3A_951 = arith.constant 16 : index
        %swap3A_952 = tpu.vector_load %arg13[%swap3A_950, %swap3A_951] {strides = array<i32>} : memref<128x80xf32, #tpu.memory_space<vmem>>, vector<16xf32>,
        tpu.vector_store %arg13[%swap3A_950, %swap3A_951], %mul3A_949 {strides = array<i32>} : memref<128x80xf32, #tpu.memory_space<vmem>>, vector<16xf32>,
        %slice3A_953 = vector.extract_strided_slice %exp3A_402 {offsets = [12], sizes = [1], strides = [1]} : vector<16xf32> to vector<1xf32>
        %squeeze3A_954 = vector.extract %slice3A_953[0] : f32 from vector<1xf32>
        %broadcast_in_dim3A_955 = vector.broadcast %squeeze3A_954 : f32 to vector<16xf32>
        %get3A_956 = arith.index_cast %add3A_932 : i32 to index
        %get3A_957 = arith.constant 96 : index
        %get3A_958 = tpu.vector_load %arg12[%get3A_956, %get3A_957] {strides = array<i32>} : memref<128x128xf32, #tpu.memory_space<vmem>>, vector<16xf32>,
        %mul3A_959 = arith.mulf %get3A_958, %broadcast_in_dim3A_955 : vector<16xf32>
        %swap3A_960 = arith.index_cast %add3A_932 : i32 to index
        %swap3A_961 = arith.constant 32 : index
        %swap3A_962 = tpu.vector_load %arg13[%swap3A_960, %swap3A_961] {strides = array<i32>} : memref<128x80xf32, #tpu.memory_space<vmem>>, vector<16xf32>,
        tpu.vector_store %arg13[%swap3A_960, %swap3A_961], %mul3A_959 {strides = array<i32>} : memref<128x80xf32, #tpu.memory_space<vmem>>, vector<16xf32>,
        %slice3A_963 = vector.extract_strided_slice %exp3A_402 {offsets = [12], sizes = [1], strides = [1]} : vector<16xf32> to vector<1xf32>
        %squeeze3A_964 = vector.extract %slice3A_963[0] : f32 from vector<1xf32>
        %broadcast_in_dim3A_965 = vector.broadcast %squeeze3A_964 : f32 to vector<16xf32>
        %get3A_966 = arith.index_cast %add3A_932 : i32 to index
        %get3A_967 = arith.constant 112 : index
        %get3A_968 = tpu.vector_load %arg12[%get3A_966, %get3A_967] {strides = array<i32>} : memref<128x128xf32, #tpu.memory_space<vmem>>, vector<16xf32>,
        %mul3A_969 = arith.mulf %get3A_968, %broadcast_in_dim3A_965 : vector<16xf32>
        %swap3A_970 = arith.index_cast %add3A_932 : i32 to index
        %swap3A_971 = arith.constant 48 : index
        %swap3A_972 = tpu.vector_load %arg13[%swap3A_970, %swap3A_971] {strides = array<i32>} : memref<128x80xf32, #tpu.memory_space<vmem>>, vector<16xf32>,
        tpu.vector_store %arg13[%swap3A_970, %swap3A_971], %mul3A_969 {strides = array<i32>} : memref<128x80xf32, #tpu.memory_space<vmem>>, vector<16xf32>,
        %mul3A_973 = arith.constant 16 : i32
        %mul3A_974 = arith.muli %scan3A_72, %mul3A_973 : i32
        %add3A_975 = arith.constant 13 : i32
        %add3A_976 = arith.addi %mul3A_974, %add3A_975 : i32
        %slice3A_977 = vector.extract_strided_slice %exp3A {offsets = [13], sizes = [1], strides = [1]} : vector<16xf32> to vector<1xf32>
        %squeeze3A_978 = vector.extract %slice3A_977[0] : f32 from vector<1xf32>
        %broadcast_in_dim3A_979 = vector.broadcast %squeeze3A_978 : f32 to vector<16xf32>
        %get3A_980 = arith.index_cast %add3A_976 : i32 to index
        %get3A_981 = arith.constant 64 : index
        %get3A_982 = tpu.vector_load %arg12[%get3A_980, %get3A_981] {strides = array<i32>} : memref<128x128xf32, #tpu.memory_space<vmem>>, vector<16xf32>,
        %mul3A_983 = arith.mulf %get3A_982, %broadcast_in_dim3A_979 : vector<16xf32>
        %swap3A_984 = arith.index_cast %add3A_976 : i32 to index
        %swap3A_985 = arith.constant 0 : index
        %swap3A_986 = tpu.vector_load %arg13[%swap3A_984, %swap3A_985] {strides = array<i32>} : memref<128x80xf32, #tpu.memory_space<vmem>>, vector<16xf32>,
        tpu.vector_store %arg13[%swap3A_984, %swap3A_985], %mul3A_983 {strides = array<i32>} : memref<128x80xf32, #tpu.memory_space<vmem>>, vector<16xf32>,
        %slice3A_987 = vector.extract_strided_slice %exp3A {offsets = [13], sizes = [1], strides = [1]} : vector<16xf32> to vector<1xf32>
        %squeeze3A_988 = vector.extract %slice3A_987[0] : f32 from vector<1xf32>
        %broadcast_in_dim3A_989 = vector.broadcast %squeeze3A_988 : f32 to vector<16xf32>
        %get3A_990 = arith.index_cast %add3A_976 : i32 to index
        %get3A_991 = arith.constant 80 : index
        %get3A_992 = tpu.vector_load %arg12[%get3A_990, %get3A_991] {strides = array<i32>} : memref<128x128xf32, #tpu.memory_space<vmem>>, vector<16xf32>,
        %mul3A_993 = arith.mulf %get3A_992, %broadcast_in_dim3A_989 : vector<16xf32>
        %swap3A_994 = arith.index_cast %add3A_976 : i32 to index
        %swap3A_995 = arith.constant 16 : index
        %swap3A_996 = tpu.vector_load %arg13[%swap3A_994, %swap3A_995] {strides = array<i32>} : memref<128x80xf32, #tpu.memory_space<vmem>>, vector<16xf32>,
        tpu.vector_store %arg13[%swap3A_994, %swap3A_995], %mul3A_993 {strides = array<i32>} : memref<128x80xf32, #tpu.memory_space<vmem>>, vector<16xf32>,
        %slice3A_997 = vector.extract_strided_slice %exp3A_402 {offsets = [13], sizes = [1], strides = [1]} : vector<16xf32> to vector<1xf32>
        %squeeze3A_998 = vector.extract %slice3A_997[0] : f32 from vector<1xf32>
        %broadcast_in_dim3A_999 = vector.broadcast %squeeze3A_998 : f32 to vector<16xf32>
        %get3A_1000 = arith.index_cast %add3A_976 : i32 to index
        %get3A_1001 = arith.constant 96 : index
        %get3A_1002 = tpu.vector_load %arg12[%get3A_1000, %get3A_1001] {strides = array<i32>} : memref<128x128xf32, #tpu.memory_space<vmem>>, vector<16xf32>,
        %mul3A_1003 = arith.mulf %get3A_1002, %broadcast_in_dim3A_999 : vector<16xf32>
        %swap3A_1004 = arith.index_cast %add3A_976 : i32 to index
        %swap3A_1005 = arith.constant 32 : index
        %swap3A_1006 = tpu.vector_load %arg13[%swap3A_1004, %swap3A_1005] {strides = array<i32>} : memref<128x80xf32, #tpu.memory_space<vmem>>, vector<16xf32>,
        tpu.vector_store %arg13[%swap3A_1004, %swap3A_1005], %mul3A_1003 {strides = array<i32>} : memref<128x80xf32, #tpu.memory_space<vmem>>, vector<16xf32>,
        %slice3A_1007 = vector.extract_strided_slice %exp3A_402 {offsets = [13], sizes = [1], strides = [1]} : vector<16xf32> to vector<1xf32>
        %squeeze3A_1008 = vector.extract %slice3A_1007[0] : f32 from vector<1xf32>
        %broadcast_in_dim3A_1009 = vector.broadcast %squeeze3A_1008 : f32 to vector<16xf32>
        %get3A_1010 = arith.index_cast %add3A_976 : i32 to index
        %get3A_1011 = arith.constant 112 : index
        %get3A_1012 = tpu.vector_load %arg12[%get3A_1010, %get3A_1011] {strides = array<i32>} : memref<128x128xf32, #tpu.memory_space<vmem>>, vector<16xf32>,
        %mul3A_1013 = arith.mulf %get3A_1012, %broadcast_in_dim3A_1009 : vector<16xf32>
        %swap3A_1014 = arith.index_cast %add3A_976 : i32 to index
        %swap3A_1015 = arith.constant 48 : index
        %swap3A_1016 = tpu.vector_load %arg13[%swap3A_1014, %swap3A_1015] {strides = array<i32>} : memref<128x80xf32, #tpu.memory_space<vmem>>, vector<16xf32>,
        tpu.vector_store %arg13[%swap3A_1014, %swap3A_1015], %mul3A_1013 {strides = array<i32>} : memref<128x80xf32, #tpu.memory_space<vmem>>, vector<16xf32>,
        %mul3A_1017 = arith.constant 16 : i32
        %mul3A_1018 = arith.muli %scan3A_72, %mul3A_1017 : i32
        %add3A_1019 = arith.constant 14 : i32
        %add3A_1020 = arith.addi %mul3A_1018, %add3A_1019 : i32
        %slice3A_1021 = vector.extract_strided_slice %exp3A {offsets = [14], sizes = [1], strides = [1]} : vector<16xf32> to vector<1xf32>
        %squeeze3A_1022 = vector.extract %slice3A_1021[0] : f32 from vector<1xf32>
        %broadcast_in_dim3A_1023 = vector.broadcast %squeeze3A_1022 : f32 to vector<16xf32>
        %get3A_1024 = arith.index_cast %add3A_1020 : i32 to index
        %get3A_1025 = arith.constant 64 : index
        %get3A_1026 = tpu.vector_load %arg12[%get3A_1024, %get3A_1025] {strides = array<i32>} : memref<128x128xf32, #tpu.memory_space<vmem>>, vector<16xf32>,
        %mul3A_1027 = arith.mulf %get3A_1026, %broadcast_in_dim3A_1023 : vector<16xf32>
        %swap3A_1028 = arith.index_cast %add3A_1020 : i32 to index
        %swap3A_1029 = arith.constant 0 : index
        %swap3A_1030 = tpu.vector_load %arg13[%swap3A_1028, %swap3A_1029] {strides = array<i32>} : memref<128x80xf32, #tpu.memory_space<vmem>>, vector<16xf32>,
        tpu.vector_store %arg13[%swap3A_1028, %swap3A_1029], %mul3A_1027 {strides = array<i32>} : memref<128x80xf32, #tpu.memory_space<vmem>>, vector<16xf32>,
        %slice3A_1031 = vector.extract_strided_slice %exp3A {offsets = [14], sizes = [1], strides = [1]} : vector<16xf32> to vector<1xf32>
        %squeeze3A_1032 = vector.extract %slice3A_1031[0] : f32 from vector<1xf32>
        %broadcast_in_dim3A_1033 = vector.broadcast %squeeze3A_1032 : f32 to vector<16xf32>
        %get3A_1034 = arith.index_cast %add3A_1020 : i32 to index
        %get3A_1035 = arith.constant 80 : index
        %get3A_1036 = tpu.vector_load %arg12[%get3A_1034, %get3A_1035] {strides = array<i32>} : memref<128x128xf32, #tpu.memory_space<vmem>>, vector<16xf32>,
        %mul3A_1037 = arith.mulf %get3A_1036, %broadcast_in_dim3A_1033 : vector<16xf32>
        %swap3A_1038 = arith.index_cast %add3A_1020 : i32 to index
        %swap3A_1039 = arith.constant 16 : index
        %swap3A_1040 = tpu.vector_load %arg13[%swap3A_1038, %swap3A_1039] {strides = array<i32>} : memref<128x80xf32, #tpu.memory_space<vmem>>, vector<16xf32>,
        tpu.vector_store %arg13[%swap3A_1038, %swap3A_1039], %mul3A_1037 {strides = array<i32>} : memref<128x80xf32, #tpu.memory_space<vmem>>, vector<16xf32>,
        %slice3A_1041 = vector.extract_strided_slice %exp3A_402 {offsets = [14], sizes = [1], strides = [1]} : vector<16xf32> to vector<1xf32>
        %squeeze3A_1042 = vector.extract %slice3A_1041[0] : f32 from vector<1xf32>
        %broadcast_in_dim3A_1043 = vector.broadcast %squeeze3A_1042 : f32 to vector<16xf32>
        %get3A_1044 = arith.index_cast %add3A_1020 : i32 to index
        %get3A_1045 = arith.constant 96 : index
        %get3A_1046 = tpu.vector_load %arg12[%get3A_1044, %get3A_1045] {strides = array<i32>} : memref<128x128xf32, #tpu.memory_space<vmem>>, vector<16xf32>,
        %mul3A_1047 = arith.mulf %get3A_1046, %broadcast_in_dim3A_1043 : vector<16xf32>
        %swap3A_1048 = arith.index_cast %add3A_1020 : i32 to index
        %swap3A_1049 = arith.constant 32 : index
        %swap3A_1050 = tpu.vector_load %arg13[%swap3A_1048, %swap3A_1049] {strides = array<i32>} : memref<128x80xf32, #tpu.memory_space<vmem>>, vector<16xf32>,
        tpu.vector_store %arg13[%swap3A_1048, %swap3A_1049], %mul3A_1047 {strides = array<i32>} : memref<128x80xf32, #tpu.memory_space<vmem>>, vector<16xf32>,
        %slice3A_1051 = vector.extract_strided_slice %exp3A_402 {offsets = [14], sizes = [1], strides = [1]} : vector<16xf32> to vector<1xf32>
        %squeeze3A_1052 = vector.extract %slice3A_1051[0] : f32 from vector<1xf32>
        %broadcast_in_dim3A_1053 = vector.broadcast %squeeze3A_1052 : f32 to vector<16xf32>
        %get3A_1054 = arith.index_cast %add3A_1020 : i32 to index
        %get3A_1055 = arith.constant 112 : index
        %get3A_1056 = tpu.vector_load %arg12[%get3A_1054, %get3A_1055] {strides = array<i32>} : memref<128x128xf32, #tpu.memory_space<vmem>>, vector<16xf32>,
        %mul3A_1057 = arith.mulf %get3A_1056, %broadcast_in_dim3A_1053 : vector<16xf32>
        %swap3A_1058 = arith.index_cast %add3A_1020 : i32 to index
        %swap3A_1059 = arith.constant 48 : index
        %swap3A_1060 = tpu.vector_load %arg13[%swap3A_1058, %swap3A_1059] {strides = array<i32>} : memref<128x80xf32, #tpu.memory_space<vmem>>, vector<16xf32>,
        tpu.vector_store %arg13[%swap3A_1058, %swap3A_1059], %mul3A_1057 {strides = array<i32>} : memref<128x80xf32, #tpu.memory_space<vmem>>, vector<16xf32>,
        %mul3A_1061 = arith.constant 16 : i32
        %mul3A_1062 = arith.muli %scan3A_72, %mul3A_1061 : i32
        %add3A_1063 = arith.constant 15 : i32
        %add3A_1064 = arith.addi %mul3A_1062, %add3A_1063 : i32
        %slice3A_1065 = vector.extract_strided_slice %exp3A {offsets = [15], sizes = [1], strides = [1]} : vector<16xf32> to vector<1xf32>
        %squeeze3A_1066 = vector.extract %slice3A_1065[0] : f32 from vector<1xf32>
        %broadcast_in_dim3A_1067 = vector.broadcast %squeeze3A_1066 : f32 to vector<16xf32>
        %get3A_1068 = arith.index_cast %add3A_1064 : i32 to index
        %get3A_1069 = arith.constant 64 : index
        %get3A_1070 = tpu.vector_load %arg12[%get3A_1068, %get3A_1069] {strides = array<i32>} : memref<128x128xf32, #tpu.memory_space<vmem>>, vector<16xf32>,
        %mul3A_1071 = arith.mulf %get3A_1070, %broadcast_in_dim3A_1067 : vector<16xf32>
        %swap3A_1072 = arith.index_cast %add3A_1064 : i32 to index
        %swap3A_1073 = arith.constant 0 : index
        %swap3A_1074 = tpu.vector_load %arg13[%swap3A_1072, %swap3A_1073] {strides = array<i32>} : memref<128x80xf32, #tpu.memory_space<vmem>>, vector<16xf32>,
        tpu.vector_store %arg13[%swap3A_1072, %swap3A_1073], %mul3A_1071 {strides = array<i32>} : memref<128x80xf32, #tpu.memory_space<vmem>>, vector<16xf32>,
        %slice3A_1075 = vector.extract_strided_slice %exp3A {offsets = [15], sizes = [1], strides = [1]} : vector<16xf32> to vector<1xf32>
        %squeeze3A_1076 = vector.extract %slice3A_1075[0] : f32 from vector<1xf32>
        %broadcast_in_dim3A_1077 = vector.broadcast %squeeze3A_1076 : f32 to vector<16xf32>
        %get3A_1078 = arith.index_cast %add3A_1064 : i32 to index
        %get3A_1079 = arith.constant 80 : index
        %get3A_1080 = tpu.vector_load %arg12[%get3A_1078, %get3A_1079] {strides = array<i32>} : memref<128x128xf32, #tpu.memory_space<vmem>>, vector<16xf32>,
        %mul3A_1081 = arith.mulf %get3A_1080, %broadcast_in_dim3A_1077 : vector<16xf32>
        %swap3A_1082 = arith.index_cast %add3A_1064 : i32 to index
        %swap3A_1083 = arith.constant 16 : index
        %swap3A_1084 = tpu.vector_load %arg13[%swap3A_1082, %swap3A_1083] {strides = array<i32>} : memref<128x80xf32, #tpu.memory_space<vmem>>, vector<16xf32>,
        tpu.vector_store %arg13[%swap3A_1082, %swap3A_1083], %mul3A_1081 {strides = array<i32>} : memref<128x80xf32, #tpu.memory_space<vmem>>, vector<16xf32>,
        %slice3A_1085 = vector.extract_strided_slice %exp3A_402 {offsets = [15], sizes = [1], strides = [1]} : vector<16xf32> to vector<1xf32>
        %squeeze3A_1086 = vector.extract %slice3A_1085[0] : f32 from vector<1xf32>
        %broadcast_in_dim3A_1087 = vector.broadcast %squeeze3A_1086 : f32 to vector<16xf32>
        %get3A_1088 = arith.index_cast %add3A_1064 : i32 to index
        %get3A_1089 = arith.constant 96 : index
        %get3A_1090 = tpu.vector_load %arg12[%get3A_1088, %get3A_1089] {strides = array<i32>} : memref<128x128xf32, #tpu.memory_space<vmem>>, vector<16xf32>,
        %mul3A_1091 = arith.mulf %get3A_1090, %broadcast_in_dim3A_1087 : vector<16xf32>
        %swap3A_1092 = arith.index_cast %add3A_1064 : i32 to index
        %swap3A_1093 = arith.constant 32 : index
        %swap3A_1094 = tpu.vector_load %arg13[%swap3A_1092, %swap3A_1093] {strides = array<i32>} : memref<128x80xf32, #tpu.memory_space<vmem>>, vector<16xf32>,
        tpu.vector_store %arg13[%swap3A_1092, %swap3A_1093], %mul3A_1091 {strides = array<i32>} : memref<128x80xf32, #tpu.memory_space<vmem>>, vector<16xf32>,
        %slice3A_1095 = vector.extract_strided_slice %exp3A_402 {offsets = [15], sizes = [1], strides = [1]} : vector<16xf32> to vector<1xf32>
        %squeeze3A_1096 = vector.extract %slice3A_1095[0] : f32 from vector<1xf32>
        %broadcast_in_dim3A_1097 = vector.broadcast %squeeze3A_1096 : f32 to vector<16xf32>
        %get3A_1098 = arith.index_cast %add3A_1064 : i32 to index
        %get3A_1099 = arith.constant 112 : index
        %get3A_1100 = tpu.vector_load %arg12[%get3A_1098, %get3A_1099] {strides = array<i32>} : memref<128x128xf32, #tpu.memory_space<vmem>>, vector<16xf32>,
        %mul3A_1101 = arith.mulf %get3A_1100, %broadcast_in_dim3A_1097 : vector<16xf32>
        %swap3A_1102 = arith.index_cast %add3A_1064 : i32 to index
        %swap3A_1103 = arith.constant 48 : index
        %swap3A_1104 = tpu.vector_load %arg13[%swap3A_1102, %swap3A_1103] {strides = array<i32>} : memref<128x80xf32, #tpu.memory_space<vmem>>, vector<16xf32>,
        tpu.vector_store %arg13[%swap3A_1102, %swap3A_1103], %mul3A_1101 {strides = array<i32>} : memref<128x80xf32, #tpu.memory_space<vmem>>, vector<16xf32>,
      }
      %scan3A_71 = arith.constant 8 : i32
      "tpu.region"() ({
        %run_scoped3A = tpu.sem_alloc : memref<!tpu.dma_semaphore, #tpu.memory_space<semaphore_mem>>
        %dma_start3A = arith.constant 0 : i32
        %dma_start3A_72 = arith.constant 0 : i32
        %dma_start3A_73 = tpu.memref_slice %arg14[%dma_start3A, %dma_start3A_72] : memref<10240x80xf32, #tpu.memory_space<vmem_shared>> -> memref<10240x80xf32, #tpu.memory_space<vmem_shared>>
        tpu.enqueue_indirect_dma source(%arg13 : memref<128x80xf32, #tpu.memory_space<vmem>>) target(%dma_start3A_73 : memref<10240x80xf32, #tpu.memory_space<vmem_shared>>) offsets(%arg9 : memref<128xi32, #tpu.memory_space<vmem>>) semaphore(%run_scoped3A : memref<!tpu.dma_semaphore, #tpu.memory_space<semaphore_mem>>) {add = true}
        %dma_wait3A = arith.constant 0 : i32
        %dma_wait3A_74 = arith.constant 0 : i32
        %dma_wait3A_75 = tpu.memref_slice %arg14[%dma_wait3A, %dma_wait3A_74] : memref<10240x80xf32, #tpu.memory_space<vmem_shared>> -> memref<10240x80xf32, #tpu.memory_space<vmem_shared>>
        tpu.wait_indirect_dma semaphore(%run_scoped3A : memref<!tpu.dma_semaphore, #tpu.memory_space<semaphore_mem>>) src(%arg13 : memref<128x80xf32, #tpu.memory_space<vmem>>) dst(%dma_wait3A_75 : memref<10240x80xf32, #tpu.memory_space<vmem_shared>>)
        tpu.yield
      }) : () -> ()
    }
    %scan3A_33 = arith.constant 160 : i32
    %barrier3A_34 = arith.constant 0 : index
    tpu.barrier barrier_id(%barrier3A_34)
    %mul3A_35 = arith.constant 640 : i32
    %mul3A_36 = arith.muli %arg1, %mul3A_35 : i32
    %add3A_37 = arith.constant 0 : i32
    %add3A_38 = arith.addi %mul3A_36, %add3A_37 : i32
    "tpu.region"() ({
      %run_scoped3A = tpu.sem_alloc : memref<!tpu.dma_semaphore, #tpu.memory_space<semaphore_mem>>
      %dma_start3A = arith.constant 0 : i32
      %dma_start3A_55 = tpu.memref_slice %arg14[%add3A_38, %dma_start3A] : memref<10240x80xf32, #tpu.memory_space<vmem_shared>> -> memref<128x80xf32, #tpu.memory_space<vmem_shared>>
      %dma_start3A_56 = arith.constant 0 : i32
      %dma_start3A_57 = tpu.memref_slice %arg14[%add3A_38, %dma_start3A_56] : memref<10240x80xf32, #tpu.memory_space<vmem_shared>> -> memref<128x80xf32, #tpu.memory_space<vmem_shared>>
      tpu.enqueue_dma source(%dma_start3A_57 : memref<128x80xf32, #tpu.memory_space<vmem_shared>>) target(%arg13 : memref<128x80xf32, #tpu.memory_space<vmem>>) target_semaphore(%run_scoped3A : memref<!tpu.dma_semaphore, #tpu.memory_space<semaphore_mem>>)
      %dma_wait3A = arith.constant 0 : i32
      %dma_wait3A_58 = tpu.memref_slice %arg14[%add3A_38, %dma_wait3A] : memref<10240x80xf32, #tpu.memory_space<vmem_shared>> -> memref<128x80xf32, #tpu.memory_space<vmem_shared>>
      %dma_wait3A_59 = arith.constant 0 : i32
      %dma_wait3A_60 = tpu.memref_slice %arg14[%add3A_38, %dma_wait3A_59] : memref<10240x80xf32, #tpu.memory_space<vmem_shared>> -> memref<128x80xf32, #tpu.memory_space<vmem_shared>>
      tpu.wait_dma2 semaphore(%run_scoped3A : memref<!tpu.dma_semaphore, #tpu.memory_space<semaphore_mem>>) src(%dma_wait3A_60 : memref<128x80xf32, #tpu.memory_space<vmem_shared>>) dst(%arg13 : memref<128x80xf32, #tpu.memory_space<vmem>>)
      tpu.yield
    }) : () -> ()
    "tpu.region"() ({
      %run_scoped3A = tpu.sem_alloc : memref<!tpu.dma_semaphore, #tpu.memory_space<semaphore_mem>>
      %dma_start3A = arith.constant 0 : i32
      %dma_start3A_55 = tpu.memref_slice %arg8[%arg0, %add3A_38, %dma_start3A] : memref<2x10240x80xf32, #tpu.memory_space<hbm>> -> memref<1x128x80xf32, #tpu.memory_space<hbm>>
      %dma_start3A_56 = tpu.memref_squeeze %dma_start3A_55 : memref<1x128x80xf32, #tpu.memory_space<hbm>> -> memref<128x80xf32, #tpu.memory_space<hbm>>
      %dma_start3A_57 = arith.constant 0 : i32
      %dma_start3A_58 = tpu.memref_slice %arg8[%arg0, %add3A_38, %dma_start3A_57] : memref<2x10240x80xf32, #tpu.memory_space<hbm>> -> memref<1x128x80xf32, #tpu.memory_space<hbm>>
      %dma_start3A_59 = tpu.memref_squeeze %dma_start3A_58 : memref<1x128x80xf32, #tpu.memory_space<hbm>> -> memref<128x80xf32, #tpu.memory_space<hbm>>
      tpu.enqueue_dma source(%arg13 : memref<128x80xf32, #tpu.memory_space<vmem>>) target(%dma_start3A_59 : memref<128x80xf32, #tpu.memory_space<hbm>>) target_semaphore(%run_scoped3A : memref<!tpu.dma_semaphore, #tpu.memory_space<semaphore_mem>>)
      %dma_wait3A = arith.constant 0 : i32
      %dma_wait3A_60 = tpu.memref_slice %arg8[%arg0, %add3A_38, %dma_wait3A] : memref<2x10240x80xf32, #tpu.memory_space<hbm>> -> memref<1x128x80xf32, #tpu.memory_space<hbm>>
      %dma_wait3A_61 = tpu.memref_squeeze %dma_wait3A_60 : memref<1x128x80xf32, #tpu.memory_space<hbm>> -> memref<128x80xf32, #tpu.memory_space<hbm>>
      %dma_wait3A_62 = arith.constant 0 : i32
      %dma_wait3A_63 = tpu.memref_slice %arg8[%arg0, %add3A_38, %dma_wait3A_62] : memref<2x10240x80xf32, #tpu.memory_space<hbm>> -> memref<1x128x80xf32, #tpu.memory_space<hbm>>
      %dma_wait3A_64 = tpu.memref_squeeze %dma_wait3A_63 : memref<1x128x80xf32, #tpu.memory_space<hbm>> -> memref<128x80xf32, #tpu.memory_space<hbm>>
      tpu.wait_dma2 semaphore(%run_scoped3A : memref<!tpu.dma_semaphore, #tpu.memory_space<semaphore_mem>>) src(%arg13 : memref<128x80xf32, #tpu.memory_space<vmem>>) dst(%dma_wait3A_64 : memref<128x80xf32, #tpu.memory_space<hbm>>)
      tpu.yield
    }) : () -> ()
    %mul3A_39 = arith.constant 640 : i32
    %mul3A_40 = arith.muli %arg1, %mul3A_39 : i32
    %add3A_41 = arith.constant 128 : i32
    %add3A_42 = arith.addi %mul3A_40, %add3A_41 : i32
    "tpu.region"() ({
      %run_scoped3A = tpu.sem_alloc : memref<!tpu.dma_semaphore, #tpu.memory_space<semaphore_mem>>
      %dma_start3A = arith.constant 0 : i32
      %dma_start3A_55 = tpu.memref_slice %arg14[%add3A_42, %dma_start3A] : memref<10240x80xf32, #tpu.memory_space<vmem_shared>> -> memref<128x80xf32, #tpu.memory_space<vmem_shared>>
      %dma_start3A_56 = arith.constant 0 : i32
      %dma_start3A_57 = tpu.memref_slice %arg14[%add3A_42, %dma_start3A_56] : memref<10240x80xf32, #tpu.memory_space<vmem_shared>> -> memref<128x80xf32, #tpu.memory_space<vmem_shared>>
      tpu.enqueue_dma source(%dma_start3A_57 : memref<128x80xf32, #tpu.memory_space<vmem_shared>>) target(%arg13 : memref<128x80xf32, #tpu.memory_space<vmem>>) target_semaphore(%run_scoped3A : memref<!tpu.dma_semaphore, #tpu.memory_space<semaphore_mem>>)
      %dma_wait3A = arith.constant 0 : i32
      %dma_wait3A_58 = tpu.memref_slice %arg14[%add3A_42, %dma_wait3A] : memref<10240x80xf32, #tpu.memory_space<vmem_shared>> -> memref<128x80xf32, #tpu.memory_space<vmem_shared>>
      %dma_wait3A_59 = arith.constant 0 : i32
      %dma_wait3A_60 = tpu.memref_slice %arg14[%add3A_42, %dma_wait3A_59] : memref<10240x80xf32, #tpu.memory_space<vmem_shared>> -> memref<128x80xf32, #tpu.memory_space<vmem_shared>>
      tpu.wait_dma2 semaphore(%run_scoped3A : memref<!tpu.dma_semaphore, #tpu.memory_space<semaphore_mem>>) src(%dma_wait3A_60 : memref<128x80xf32, #tpu.memory_space<vmem_shared>>) dst(%arg13 : memref<128x80xf32, #tpu.memory_space<vmem>>)
      tpu.yield
    }) : () -> ()
    "tpu.region"() ({
      %run_scoped3A = tpu.sem_alloc : memref<!tpu.dma_semaphore, #tpu.memory_space<semaphore_mem>>
      %dma_start3A = arith.constant 0 : i32
      %dma_start3A_55 = tpu.memref_slice %arg8[%arg0, %add3A_42, %dma_start3A] : memref<2x10240x80xf32, #tpu.memory_space<hbm>> -> memref<1x128x80xf32, #tpu.memory_space<hbm>>
      %dma_start3A_56 = tpu.memref_squeeze %dma_start3A_55 : memref<1x128x80xf32, #tpu.memory_space<hbm>> -> memref<128x80xf32, #tpu.memory_space<hbm>>
      %dma_start3A_57 = arith.constant 0 : i32
      %dma_start3A_58 = tpu.memref_slice %arg8[%arg0, %add3A_42, %dma_start3A_57] : memref<2x10240x80xf32, #tpu.memory_space<hbm>> -> memref<1x128x80xf32, #tpu.memory_space<hbm>>
      %dma_start3A_59 = tpu.memref_squeeze %dma_start3A_58 : memref<1x128x80xf32, #tpu.memory_space<hbm>> -> memref<128x80xf32, #tpu.memory_space<hbm>>
      tpu.enqueue_dma source(%arg13 : memref<128x80xf32, #tpu.memory_space<vmem>>) target(%dma_start3A_59 : memref<128x80xf32, #tpu.memory_space<hbm>>) target_semaphore(%run_scoped3A : memref<!tpu.dma_semaphore, #tpu.memory_space<semaphore_mem>>)
      %dma_wait3A = arith.constant 0 : i32
      %dma_wait3A_60 = tpu.memref_slice %arg8[%arg0, %add3A_42, %dma_wait3A] : memref<2x10240x80xf32, #tpu.memory_space<hbm>> -> memref<1x128x80xf32, #tpu.memory_space<hbm>>
      %dma_wait3A_61 = tpu.memref_squeeze %dma_wait3A_60 : memref<1x128x80xf32, #tpu.memory_space<hbm>> -> memref<128x80xf32, #tpu.memory_space<hbm>>
      %dma_wait3A_62 = arith.constant 0 : i32
      %dma_wait3A_63 = tpu.memref_slice %arg8[%arg0, %add3A_42, %dma_wait3A_62] : memref<2x10240x80xf32, #tpu.memory_space<hbm>> -> memref<1x128x80xf32, #tpu.memory_space<hbm>>
      %dma_wait3A_64 = tpu.memref_squeeze %dma_wait3A_63 : memref<1x128x80xf32, #tpu.memory_space<hbm>> -> memref<128x80xf32, #tpu.memory_space<hbm>>
      tpu.wait_dma2 semaphore(%run_scoped3A : memref<!tpu.dma_semaphore, #tpu.memory_space<semaphore_mem>>) src(%arg13 : memref<128x80xf32, #tpu.memory_space<vmem>>) dst(%dma_wait3A_64 : memref<128x80xf32, #tpu.memory_space<hbm>>)
      tpu.yield
    }) : () -> ()
    %mul3A_43 = arith.constant 640 : i32
    %mul3A_44 = arith.muli %arg1, %mul3A_43 : i32
    %add3A_45 = arith.constant 256 : i32
    %add3A_46 = arith.addi %mul3A_44, %add3A_45 : i32
    "tpu.region"() ({
      %run_scoped3A = tpu.sem_alloc : memref<!tpu.dma_semaphore, #tpu.memory_space<semaphore_mem>>
      %dma_start3A = arith.constant 0 : i32
      %dma_start3A_55 = tpu.memref_slice %arg14[%add3A_46, %dma_start3A] : memref<10240x80xf32, #tpu.memory_space<vmem_shared>> -> memref<128x80xf32, #tpu.memory_space<vmem_shared>>
      %dma_start3A_56 = arith.constant 0 : i32
      %dma_start3A_57 = tpu.memref_slice %arg14[%add3A_46, %dma_start3A_56] : memref<10240x80xf32, #tpu.memory_space<vmem_shared>> -> memref<128x80xf32, #tpu.memory_space<vmem_shared>>
      tpu.enqueue_dma source(%dma_start3A_57 : memref<128x80xf32, #tpu.memory_space<vmem_shared>>) target(%arg13 : memref<128x80xf32, #tpu.memory_space<vmem>>) target_semaphore(%run_scoped3A : memref<!tpu.dma_semaphore, #tpu.memory_space<semaphore_mem>>)
      %dma_wait3A = arith.constant 0 : i32
      %dma_wait3A_58 = tpu.memref_slice %arg14[%add3A_46, %dma_wait3A] : memref<10240x80xf32, #tpu.memory_space<vmem_shared>> -> memref<128x80xf32, #tpu.memory_space<vmem_shared>>
      %dma_wait3A_59 = arith.constant 0 : i32
      %dma_wait3A_60 = tpu.memref_slice %arg14[%add3A_46, %dma_wait3A_59] : memref<10240x80xf32, #tpu.memory_space<vmem_shared>> -> memref<128x80xf32, #tpu.memory_space<vmem_shared>>
      tpu.wait_dma2 semaphore(%run_scoped3A : memref<!tpu.dma_semaphore, #tpu.memory_space<semaphore_mem>>) src(%dma_wait3A_60 : memref<128x80xf32, #tpu.memory_space<vmem_shared>>) dst(%arg13 : memref<128x80xf32, #tpu.memory_space<vmem>>)
      tpu.yield
    }) : () -> ()
    "tpu.region"() ({
      %run_scoped3A = tpu.sem_alloc : memref<!tpu.dma_semaphore, #tpu.memory_space<semaphore_mem>>
      %dma_start3A = arith.constant 0 : i32
      %dma_start3A_55 = tpu.memref_slice %arg8[%arg0, %add3A_46, %dma_start3A] : memref<2x10240x80xf32, #tpu.memory_space<hbm>> -> memref<1x128x80xf32, #tpu.memory_space<hbm>>
      %dma_start3A_56 = tpu.memref_squeeze %dma_start3A_55 : memref<1x128x80xf32, #tpu.memory_space<hbm>> -> memref<128x80xf32, #tpu.memory_space<hbm>>
      %dma_start3A_57 = arith.constant 0 : i32
      %dma_start3A_58 = tpu.memref_slice %arg8[%arg0, %add3A_46, %dma_start3A_57] : memref<2x10240x80xf32, #tpu.memory_space<hbm>> -> memref<1x128x80xf32, #tpu.memory_space<hbm>>
      %dma_start3A_59 = tpu.memref_squeeze %dma_start3A_58 : memref<1x128x80xf32, #tpu.memory_space<hbm>> -> memref<128x80xf32, #tpu.memory_space<hbm>>
      tpu.enqueue_dma source(%arg13 : memref<128x80xf32, #tpu.memory_space<vmem>>) target(%dma_start3A_59 : memref<128x80xf32, #tpu.memory_space<hbm>>) target_semaphore(%run_scoped3A : memref<!tpu.dma_semaphore, #tpu.memory_space<semaphore_mem>>)
      %dma_wait3A = arith.constant 0 : i32
      %dma_wait3A_60 = tpu.memref_slice %arg8[%arg0, %add3A_46, %dma_wait3A] : memref<2x10240x80xf32, #tpu.memory_space<hbm>> -> memref<1x128x80xf32, #tpu.memory_space<hbm>>
      %dma_wait3A_61 = tpu.memref_squeeze %dma_wait3A_60 : memref<1x128x80xf32, #tpu.memory_space<hbm>> -> memref<128x80xf32, #tpu.memory_space<hbm>>
      %dma_wait3A_62 = arith.constant 0 : i32
      %dma_wait3A_63 = tpu.memref_slice %arg8[%arg0, %add3A_46, %dma_wait3A_62] : memref<2x10240x80xf32, #tpu.memory_space<hbm>> -> memref<1x128x80xf32, #tpu.memory_space<hbm>>
      %dma_wait3A_64 = tpu.memref_squeeze %dma_wait3A_63 : memref<1x128x80xf32, #tpu.memory_space<hbm>> -> memref<128x80xf32, #tpu.memory_space<hbm>>
      tpu.wait_dma2 semaphore(%run_scoped3A : memref<!tpu.dma_semaphore, #tpu.memory_space<semaphore_mem>>) src(%arg13 : memref<128x80xf32, #tpu.memory_space<vmem>>) dst(%dma_wait3A_64 : memref<128x80xf32, #tpu.memory_space<hbm>>)
      tpu.yield
    }) : () -> ()
    %mul3A_47 = arith.constant 640 : i32
    %mul3A_48 = arith.muli %arg1, %mul3A_47 : i32
    %add3A_49 = arith.constant 384 : i32
    %add3A_50 = arith.addi %mul3A_48, %add3A_49 : i32
    "tpu.region"() ({
      %run_scoped3A = tpu.sem_alloc : memref<!tpu.dma_semaphore, #tpu.memory_space<semaphore_mem>>
      %dma_start3A = arith.constant 0 : i32
      %dma_start3A_55 = tpu.memref_slice %arg14[%add3A_50, %dma_start3A] : memref<10240x80xf32, #tpu.memory_space<vmem_shared>> -> memref<128x80xf32, #tpu.memory_space<vmem_shared>>
      %dma_start3A_56 = arith.constant 0 : i32
      %dma_start3A_57 = tpu.memref_slice %arg14[%add3A_50, %dma_start3A_56] : memref<10240x80xf32, #tpu.memory_space<vmem_shared>> -> memref<128x80xf32, #tpu.memory_space<vmem_shared>>
      tpu.enqueue_dma source(%dma_start3A_57 : memref<128x80xf32, #tpu.memory_space<vmem_shared>>) target(%arg13 : memref<128x80xf32, #tpu.memory_space<vmem>>) target_semaphore(%run_scoped3A : memref<!tpu.dma_semaphore, #tpu.memory_space<semaphore_mem>>)
      %dma_wait3A = arith.constant 0 : i32
      %dma_wait3A_58 = tpu.memref_slice %arg14[%add3A_50, %dma_wait3A] : memref<10240x80xf32, #tpu.memory_space<vmem_shared>> -> memref<128x80xf32, #tpu.memory_space<vmem_shared>>
      %dma_wait3A_59 = arith.constant 0 : i32
      %dma_wait3A_60 = tpu.memref_slice %arg14[%add3A_50, %dma_wait3A_59] : memref<10240x80xf32, #tpu.memory_space<vmem_shared>> -> memref<128x80xf32, #tpu.memory_space<vmem_shared>>
      tpu.wait_dma2 semaphore(%run_scoped3A : memref<!tpu.dma_semaphore, #tpu.memory_space<semaphore_mem>>) src(%dma_wait3A_60 : memref<128x80xf32, #tpu.memory_space<vmem_shared>>) dst(%arg13 : memref<128x80xf32, #tpu.memory_space<vmem>>)
      tpu.yield
    }) : () -> ()
    "tpu.region"() ({
      %run_scoped3A = tpu.sem_alloc : memref<!tpu.dma_semaphore, #tpu.memory_space<semaphore_mem>>
      %dma_start3A = arith.constant 0 : i32
      %dma_start3A_55 = tpu.memref_slice %arg8[%arg0, %add3A_50, %dma_start3A] : memref<2x10240x80xf32, #tpu.memory_space<hbm>> -> memref<1x128x80xf32, #tpu.memory_space<hbm>>
      %dma_start3A_56 = tpu.memref_squeeze %dma_start3A_55 : memref<1x128x80xf32, #tpu.memory_space<hbm>> -> memref<128x80xf32, #tpu.memory_space<hbm>>
      %dma_start3A_57 = arith.constant 0 : i32
      %dma_start3A_58 = tpu.memref_slice %arg8[%arg0, %add3A_50, %dma_start3A_57] : memref<2x10240x80xf32, #tpu.memory_space<hbm>> -> memref<1x128x80xf32, #tpu.memory_space<hbm>>
      %dma_start3A_59 = tpu.memref_squeeze %dma_start3A_58 : memref<1x128x80xf32, #tpu.memory_space<hbm>> -> memref<128x80xf32, #tpu.memory_space<hbm>>
      tpu.enqueue_dma source(%arg13 : memref<128x80xf32, #tpu.memory_space<vmem>>) target(%dma_start3A_59 : memref<128x80xf32, #tpu.memory_space<hbm>>) target_semaphore(%run_scoped3A : memref<!tpu.dma_semaphore, #tpu.memory_space<semaphore_mem>>)
      %dma_wait3A = arith.constant 0 : i32
      %dma_wait3A_60 = tpu.memref_slice %arg8[%arg0, %add3A_50, %dma_wait3A] : memref<2x10240x80xf32, #tpu.memory_space<hbm>> -> memref<1x128x80xf32, #tpu.memory_space<hbm>>
      %dma_wait3A_61 = tpu.memref_squeeze %dma_wait3A_60 : memref<1x128x80xf32, #tpu.memory_space<hbm>> -> memref<128x80xf32, #tpu.memory_space<hbm>>
      %dma_wait3A_62 = arith.constant 0 : i32
      %dma_wait3A_63 = tpu.memref_slice %arg8[%arg0, %add3A_50, %dma_wait3A_62] : memref<2x10240x80xf32, #tpu.memory_space<hbm>> -> memref<1x128x80xf32, #tpu.memory_space<hbm>>
      %dma_wait3A_64 = tpu.memref_squeeze %dma_wait3A_63 : memref<1x128x80xf32, #tpu.memory_space<hbm>> -> memref<128x80xf32, #tpu.memory_space<hbm>>
      tpu.wait_dma2 semaphore(%run_scoped3A : memref<!tpu.dma_semaphore, #tpu.memory_space<semaphore_mem>>) src(%arg13 : memref<128x80xf32, #tpu.memory_space<vmem>>) dst(%dma_wait3A_64 : memref<128x80xf32, #tpu.memory_space<hbm>>)
      tpu.yield
    }) : () -> ()
    %mul3A_51 = arith.constant 640 : i32
    %mul3A_52 = arith.muli %arg1, %mul3A_51 : i32
    %add3A_53 = arith.constant 512 : i32
    %add3A_54 = arith.addi %mul3A_52, %add3A_53 : i32
    "tpu.region"() ({
      %run_scoped3A = tpu.sem_alloc : memref<!tpu.dma_semaphore, #tpu.memory_space<semaphore_mem>>
      %dma_start3A = arith.constant 0 : i32
      %dma_start3A_55 = tpu.memref_slice %arg14[%add3A_54, %dma_start3A] : memref<10240x80xf32, #tpu.memory_space<vmem_shared>> -> memref<128x80xf32, #tpu.memory_space<vmem_shared>>
      %dma_start3A_56 = arith.constant 0 : i32
      %dma_start3A_57 = tpu.memref_slice %arg14[%add3A_54, %dma_start3A_56] : memref<10240x80xf32, #tpu.memory_space<vmem_shared>> -> memref<128x80xf32, #tpu.memory_space<vmem_shared>>
      tpu.enqueue_dma source(%dma_start3A_57 : memref<128x80xf32, #tpu.memory_space<vmem_shared>>) target(%arg13 : memref<128x80xf32, #tpu.memory_space<vmem>>) target_semaphore(%run_scoped3A : memref<!tpu.dma_semaphore, #tpu.memory_space<semaphore_mem>>)
      %dma_wait3A = arith.constant 0 : i32
      %dma_wait3A_58 = tpu.memref_slice %arg14[%add3A_54, %dma_wait3A] : memref<10240x80xf32, #tpu.memory_space<vmem_shared>> -> memref<128x80xf32, #tpu.memory_space<vmem_shared>>
      %dma_wait3A_59 = arith.constant 0 : i32
      %dma_wait3A_60 = tpu.memref_slice %arg14[%add3A_54, %dma_wait3A_59] : memref<10240x80xf32, #tpu.memory_space<vmem_shared>> -> memref<128x80xf32, #tpu.memory_space<vmem_shared>>
      tpu.wait_dma2 semaphore(%run_scoped3A : memref<!tpu.dma_semaphore, #tpu.memory_space<semaphore_mem>>) src(%dma_wait3A_60 : memref<128x80xf32, #tpu.memory_space<vmem_shared>>) dst(%arg13 : memref<128x80xf32, #tpu.memory_space<vmem>>)
      tpu.yield
    }) : () -> ()
    "tpu.region"() ({
      %run_scoped3A = tpu.sem_alloc : memref<!tpu.dma_semaphore, #tpu.memory_space<semaphore_mem>>
      %dma_start3A = arith.constant 0 : i32
      %dma_start3A_55 = tpu.memref_slice %arg8[%arg0, %add3A_54, %dma_start3A] : memref<2x10240x80xf32, #tpu.memory_space<hbm>> -> memref<1x128x80xf32, #tpu.memory_space<hbm>>
      %dma_start3A_56 = tpu.memref_squeeze %dma_start3A_55 : memref<1x128x80xf32, #tpu.memory_space<hbm>> -> memref<128x80xf32, #tpu.memory_space<hbm>>
      %dma_start3A_57 = arith.constant 0 : i32
      %dma_start3A_58 = tpu.memref_slice %arg8[%arg0, %add3A_54, %dma_start3A_57] : memref<2x10240x80xf32, #tpu.memory_space<hbm>> -> memref<1x128x80xf32, #tpu.memory_space<hbm>>
      %dma_start3A_59 = tpu.memref_squeeze %dma_start3A_58 : memref<1x128x80xf32, #tpu.memory_space<hbm>> -> memref<128x80xf32, #tpu.memory_space<hbm>>
      tpu.enqueue_dma source(%arg13 : memref<128x80xf32, #tpu.memory_space<vmem>>) target(%dma_start3A_59 : memref<128x80xf32, #tpu.memory_space<hbm>>) target_semaphore(%run_scoped3A : memref<!tpu.dma_semaphore, #tpu.memory_space<semaphore_mem>>)
      %dma_wait3A = arith.constant 0 : i32
      %dma_wait3A_60 = tpu.memref_slice %arg8[%arg0, %add3A_54, %dma_wait3A] : memref<2x10240x80xf32, #tpu.memory_space<hbm>> -> memref<1x128x80xf32, #tpu.memory_space<hbm>>
      %dma_wait3A_61 = tpu.memref_squeeze %dma_wait3A_60 : memref<1x128x80xf32, #tpu.memory_space<hbm>> -> memref<128x80xf32, #tpu.memory_space<hbm>>
      %dma_wait3A_62 = arith.constant 0 : i32
      %dma_wait3A_63 = tpu.memref_slice %arg8[%arg0, %add3A_54, %dma_wait3A_62] : memref<2x10240x80xf32, #tpu.memory_space<hbm>> -> memref<1x128x80xf32, #tpu.memory_space<hbm>>
      %dma_wait3A_64 = tpu.memref_squeeze %dma_wait3A_63 : memref<1x128x80xf32, #tpu.memory_space<hbm>> -> memref<128x80xf32, #tpu.memory_space<hbm>>
      tpu.wait_dma2 semaphore(%run_scoped3A : memref<!tpu.dma_semaphore, #tpu.memory_space<semaphore_mem>>) src(%arg13 : memref<128x80xf32, #tpu.memory_space<vmem>>) dst(%dma_wait3A_64 : memref<128x80xf32, #tpu.memory_space<hbm>>)
      tpu.yield
    }) : () -> ()
    return
  }
}

module attributes {stable_mosaic.version = 14 : i64} {
  func.func @_qkv_body(%arg0: i32, %arg1: memref<256x128xf32, #tpu.memory_space<vmem>>, %arg2: memref<384x128xf32, #tpu.memory_space<vmem>>, %arg3: memref<1x384xf32, #tpu.memory_space<vmem>>, %arg4: memref<256x64xf32, #tpu.memory_space<vmem>>, %arg5: memref<256x64xf32, #tpu.memory_space<vmem>>, %arg6: memref<256x128xf32, #tpu.memory_space<vmem>>, %arg7: memref<256x128xf32, #tpu.memory_space<vmem>>) attributes {dimension_semantics = [#tpu.dimension_semantics<arbitrary>], iteration_bounds = array<i64: 40>, scalar_prefetch = 0 : i64, scratch_operands = 0 : i64, tpu.core_type = #tpu.core_type<tc>, window_params = [{transform_indices = @transform_0, window_bounds = array<i64: 256, 128>}, {pipeline_mode = #tpu.pipeline_mode<synchronous>, transform_indices = @transform_1, window_bounds = array<i64: 384, 128>}, {pipeline_mode = #tpu.pipeline_mode<synchronous>, transform_indices = @transform_2, window_bounds = array<i64: 1, 384>}, {transform_indices = @transform_3, window_bounds = array<i64: 256, 64>}, {transform_indices = @transform_4, window_bounds = array<i64: 256, 64>}, {transform_indices = @transform_5, window_bounds = array<i64: 256, 128>}, {transform_indices = @transform_6, window_bounds = array<i64: 256, 128>}]} {
    %get3A = arith.constant 0 : index
    %get3A_0 = arith.constant 0 : index
    %get3A_1 = vector.load %arg1[%get3A, %get3A_0] : memref<256x128xf32, #tpu.memory_space<vmem>>, vector<256x128xf32>
    %get3A_2 = arith.constant 0 : index
    %get3A_3 = arith.constant 0 : index
    %get3A_4 = vector.load %arg2[%get3A_2, %get3A_3] : memref<384x128xf32, #tpu.memory_space<vmem>>, vector<384x128xf32>
    %dot_general3A = arith.constant dense<0.000000e+00> : vector<256x384xf32>
    %dot_general3A_5 = tpu.matmul %get3A_1, %get3A_4, %dot_general3A {dimension_numbers = #tpu.dot_dimension_numbers<[1], [1], [0], [0], [0, 0, 1, 0], [], []>, transpose_lhs_hint = false} : vector<256x128xf32>, vector<384x128xf32>, vector<256x384xf32> -> vector<256x384xf32>
    %get3A_6 = arith.constant 0 : index
    %get3A_7 = arith.constant 0 : index
    %get3A_8 = vector.load %arg3[%get3A_6, %get3A_7] : memref<1x384xf32, #tpu.memory_space<vmem>>, vector<1x384xf32>
    %add3A = vector.broadcast %get3A_8 : vector<1x384xf32> to vector<256x384xf32>
    %add3A_9 = arith.addf %dot_general3A_5, %add3A : vector<256x384xf32>
    %slice3A = vector.extract_strided_slice %add3A_9 {offsets = [0, 0], sizes = [256, 64], strides = [1, 1]} : vector<256x384xf32> to vector<256x64xf32>
    %mul3A = arith.constant 0.176776692 : f32
    %mul3A_10 = vector.broadcast %mul3A : f32 to vector<256x64xf32>
    %mul3A_11 = arith.mulf %slice3A, %mul3A_10 : vector<256x64xf32>
    %swap3A = arith.constant 0 : index
    %swap3A_12 = arith.constant 0 : index
    %swap3A_13 = vector.load %arg4[%swap3A, %swap3A_12] : memref<256x64xf32, #tpu.memory_space<vmem>>, vector<256x64xf32>
    tpu.vector_store %arg4[%swap3A, %swap3A_12], %mul3A_11 {strides = array<i32>} : memref<256x64xf32, #tpu.memory_space<vmem>>, vector<256x64xf32>,
    %slice3A_14 = vector.extract_strided_slice %add3A_9 {offsets = [0, 64], sizes = [256, 64], strides = [1, 1]} : vector<256x384xf32> to vector<256x64xf32>
    %mul3A_15 = arith.constant 0.176776692 : f32
    %mul3A_16 = vector.broadcast %mul3A_15 : f32 to vector<256x64xf32>
    %mul3A_17 = arith.mulf %slice3A_14, %mul3A_16 : vector<256x64xf32>
    %swap3A_18 = arith.constant 0 : index
    %swap3A_19 = arith.constant 0 : index
    %swap3A_20 = vector.load %arg5[%swap3A_18, %swap3A_19] : memref<256x64xf32, #tpu.memory_space<vmem>>, vector<256x64xf32>
    tpu.vector_store %arg5[%swap3A_18, %swap3A_19], %mul3A_17 {strides = array<i32>} : memref<256x64xf32, #tpu.memory_space<vmem>>, vector<256x64xf32>,
    %slice3A_21 = vector.extract_strided_slice %add3A_9 {offsets = [0, 128], sizes = [256, 64], strides = [1, 1]} : vector<256x384xf32> to vector<256x64xf32>
    %slice3A_22 = vector.extract_strided_slice %add3A_9 {offsets = [0, 256], sizes = [256, 64], strides = [1, 1]} : vector<256x384xf32> to vector<256x64xf32>
    %concatenate3A = tpu.concatenate %slice3A_21, %slice3A_22 in 1 : vector<256x64xf32>, vector<256x64xf32> -> vector<256x128xf32>
    %swap3A_23 = arith.constant 0 : index
    %swap3A_24 = arith.constant 0 : index
    %swap3A_25 = vector.load %arg6[%swap3A_23, %swap3A_24] : memref<256x128xf32, #tpu.memory_space<vmem>>, vector<256x128xf32>
    tpu.vector_store %arg6[%swap3A_23, %swap3A_24], %concatenate3A {strides = array<i32>} : memref<256x128xf32, #tpu.memory_space<vmem>>, vector<256x128xf32>,
    %slice3A_26 = vector.extract_strided_slice %add3A_9 {offsets = [0, 192], sizes = [256, 64], strides = [1, 1]} : vector<256x384xf32> to vector<256x64xf32>
    %slice3A_27 = vector.extract_strided_slice %add3A_9 {offsets = [0, 320], sizes = [256, 64], strides = [1, 1]} : vector<256x384xf32> to vector<256x64xf32>
    %concatenate3A_28 = tpu.concatenate %slice3A_26, %slice3A_27 in 1 : vector<256x64xf32>, vector<256x64xf32> -> vector<256x128xf32>
    %swap3A_29 = arith.constant 0 : index
    %swap3A_30 = arith.constant 0 : index
    %swap3A_31 = vector.load %arg7[%swap3A_29, %swap3A_30] : memref<256x128xf32, #tpu.memory_space<vmem>>, vector<256x128xf32>
    tpu.vector_store %arg7[%swap3A_29, %swap3A_30], %concatenate3A_28 {strides = array<i32>} : memref<256x128xf32, #tpu.memory_space<vmem>>, vector<256x128xf32>,
    return
  }
  func.func @transform_0(%arg0: i32) -> (i32, i32) {
    %c0_i32 = arith.constant 0 : i32
    %c0_i32_0 = arith.constant 0 : i32
    return %arg0, %c0_i32 : i32, i32
  }
  func.func @transform_1(%arg0: i32) -> (i32, i32) {
    %c0_i32 = arith.constant 0 : i32
    %c0_i32_0 = arith.constant 0 : i32
    %c0_i32_1 = arith.constant 0 : i32
    return %c0_i32, %c0_i32_0 : i32, i32
  }
  func.func @transform_2(%arg0: i32) -> (i32, i32) {
    %c0_i32 = arith.constant 0 : i32
    %c0_i32_0 = arith.constant 0 : i32
    %c0_i32_1 = arith.constant 0 : i32
    return %c0_i32, %c0_i32_0 : i32, i32
  }
  func.func @transform_3(%arg0: i32) -> (i32, i32) {
    %c0_i32 = arith.constant 0 : i32
    %c0_i32_0 = arith.constant 0 : i32
    return %arg0, %c0_i32 : i32, i32
  }
  func.func @transform_4(%arg0: i32) -> (i32, i32) {
    %c0_i32 = arith.constant 0 : i32
    %c0_i32_0 = arith.constant 0 : i32
    return %arg0, %c0_i32 : i32, i32
  }
  func.func @transform_5(%arg0: i32) -> (i32, i32) {
    %c0_i32 = arith.constant 0 : i32
    %c0_i32_0 = arith.constant 0 : i32
    return %arg0, %c0_i32 : i32, i32
  }
  func.func @transform_6(%arg0: i32) -> (i32, i32) {
    %c0_i32 = arith.constant 0 : i32
    %c0_i32_0 = arith.constant 0 : i32
    return %arg0, %c0_i32 : i32, i32
  }
}

module attributes {stable_mosaic.version = 14 : i64} {
  func.func @_finalize_body(%arg0: i32, %arg1: memref<2x256x80xf32, #tpu.memory_space<vmem>>, %arg2: memref<256x128xf32, #tpu.memory_space<vmem>>) attributes {dimension_semantics = [#tpu.dimension_semantics<arbitrary>], iteration_bounds = array<i64: 40>, scalar_prefetch = 0 : i64, scratch_operands = 0 : i64, tpu.core_type = #tpu.core_type<tc>, window_params = [{transform_indices = @transform_0, window_bounds = array<i64: 2, 256, 80>}, {transform_indices = @transform_1, window_bounds = array<i64: 256, 128>}]} {
    %get3A = arith.constant 0 : index
    %get3A_0 = arith.constant 0 : index
    %get3A_1 = arith.constant 0 : index
    %get3A_2 = vector.load %arg1[%get3A, %get3A_0, %get3A_1] : memref<2x256x80xf32, #tpu.memory_space<vmem>>, vector<1x256x80xf32>
    %get3A_3 = vector.shape_cast %get3A_2 : vector<1x256x80xf32> to vector<256x80xf32>
    %get3A_4 = arith.constant 1 : index
    %get3A_5 = arith.constant 0 : index
    %get3A_6 = arith.constant 0 : index
    %get3A_7 = vector.load %arg1[%get3A_4, %get3A_5, %get3A_6] : memref<2x256x80xf32, #tpu.memory_space<vmem>>, vector<1x256x80xf32>
    %get3A_8 = vector.shape_cast %get3A_7 : vector<1x256x80xf32> to vector<256x80xf32>
    %iota3A = tpu.iota {dimensions = array<i32: 0>} : vector<80x128xi32>
    %iota3A_9 = tpu.iota {dimensions = array<i32: 1>} : vector<80x128xi32>
    %lt3A = arith.constant 64 : i32
    %lt3A_10 = vector.broadcast %lt3A : i32 to vector<80x128xi32>
    %lt3A_11 = arith.cmpi slt, %iota3A, %lt3A_10 : vector<80x128xi32>
    %eq3A = arith.cmpi eq, %iota3A_9, %iota3A : vector<80x128xi32>
    %and3A = arith.andi %lt3A_11, %eq3A : vector<80x128xi1>
    %jit3A = arith.constant 1.000000e+00 : f32
    %jit3A_12 = arith.constant 0.000000e+00 : f32
    %broadcast_in_dim3A = vector.broadcast %jit3A : f32 to vector<80x128xf32>
    %broadcast_in_dim3A_13 = vector.broadcast %jit3A_12 : f32 to vector<80x128xf32>
    %select_n3A = arith.select %and3A, %broadcast_in_dim3A, %broadcast_in_dim3A_13 : vector<80x128xi1>, vector<80x128xf32>
    %lt3A_14 = arith.constant 64 : i32
    %lt3A_15 = vector.broadcast %lt3A_14 : i32 to vector<80x128xi32>
    %lt3A_16 = arith.cmpi slt, %iota3A, %lt3A_15 : vector<80x128xi32>
    %add3A = arith.constant 64 : i32
    %add3A_17 = vector.broadcast %add3A : i32 to vector<80x128xi32>
    %add3A_18 = arith.addi %add3A_17, %iota3A : vector<80x128xi32>
    %eq3A_19 = arith.cmpi eq, %iota3A_9, %add3A_18 : vector<80x128xi32>
    %and3A_20 = arith.andi %lt3A_16, %eq3A_19 : vector<80x128xi1>
    %jit3A_21 = arith.constant 1.000000e+00 : f32
    %jit3A_22 = arith.constant 0.000000e+00 : f32
    %broadcast_in_dim3A_23 = vector.broadcast %jit3A_21 : f32 to vector<80x128xf32>
    %broadcast_in_dim3A_24 = vector.broadcast %jit3A_22 : f32 to vector<80x128xf32>
    %select_n3A_25 = arith.select %and3A_20, %broadcast_in_dim3A_23, %broadcast_in_dim3A_24 : vector<80x128xi1>, vector<80x128xf32>
    %ge3A = arith.constant 64 : i32
    %ge3A_26 = vector.broadcast %ge3A : i32 to vector<80x128xi32>
    %ge3A_27 = arith.cmpi sge, %iota3A, %ge3A_26 : vector<80x128xi32>
    %lt3A_28 = arith.constant 66 : i32
    %lt3A_29 = vector.broadcast %lt3A_28 : i32 to vector<80x128xi32>
    %lt3A_30 = arith.cmpi slt, %iota3A, %lt3A_29 : vector<80x128xi32>
    %and3A_31 = arith.andi %ge3A_27, %lt3A_30 : vector<80x128xi1>
    %jit3A_32 = arith.constant 32 : i32
    %div3A = vector.broadcast %jit3A_32 : i32 to vector<80x128xi32>
    %div3A_33 = arith.divsi %iota3A_9, %div3A : vector<80x128xi32>
    %sign3A = arith.constant 0 : i32
    %sign3A_34 = vector.broadcast %sign3A : i32 to vector<80x128xi32>
    %sign3A_35 = arith.cmpi sgt, %iota3A_9, %sign3A_34 : vector<80x128xi32>
    %sign3A_36 = arith.extui %sign3A_35 : vector<80x128xi1> to vector<80x128xi32>
    %sign3A_37 = arith.constant 0 : i32
    %sign3A_38 = vector.broadcast %sign3A_37 : i32 to vector<80x128xi32>
    %sign3A_39 = arith.cmpi slt, %iota3A_9, %sign3A_38 : vector<80x128xi32>
    %sign3A_40 = arith.extui %sign3A_39 : vector<80x128xi1> to vector<80x128xi32>
    %sign3A_41 = arith.subi %sign3A_36, %sign3A_40 : vector<80x128xi32>
    %sign3A_42 = arith.constant 0 : i32
    %sign3A_43 = arith.cmpi sgt, %jit3A_32, %sign3A_42 : i32
    %sign3A_44 = arith.extui %sign3A_43 : i1 to i32
    %sign3A_45 = arith.constant 0 : i32
    %sign3A_46 = arith.cmpi slt, %jit3A_32, %sign3A_45 : i32
    %sign3A_47 = arith.extui %sign3A_46 : i1 to i32
    %sign3A_48 = arith.subi %sign3A_44, %sign3A_47 : i32
    %ne3A = vector.broadcast %sign3A_48 : i32 to vector<80x128xi32>
    %ne3A_49 = arith.cmpi ne, %sign3A_41, %ne3A : vector<80x128xi32>
    %rem3A = vector.broadcast %jit3A_32 : i32 to vector<80x128xi32>
    %rem3A_50 = arith.remsi %iota3A_9, %rem3A : vector<80x128xi32>
    %ne3A_51 = arith.constant 0 : i32
    %ne3A_52 = vector.broadcast %ne3A_51 : i32 to vector<80x128xi32>
    %ne3A_53 = arith.cmpi ne, %rem3A_50, %ne3A_52 : vector<80x128xi32>
    %and3A_54 = arith.andi %ne3A_49, %ne3A_53 : vector<80x128xi1>
    %sub3A = arith.constant 1 : i32
    %sub3A_55 = vector.broadcast %sub3A : i32 to vector<80x128xi32>
    %sub3A_56 = arith.subi %div3A_33, %sub3A_55 : vector<80x128xi32>
    %select_n3A_57 = arith.select %and3A_54, %sub3A_56, %div3A_33 : vector<80x128xi1>, vector<80x128xi32>
    %sub3A_58 = arith.constant 64 : i32
    %sub3A_59 = vector.broadcast %sub3A_58 : i32 to vector<80x128xi32>
    %sub3A_60 = arith.subi %iota3A, %sub3A_59 : vector<80x128xi32>
    %eq3A_61 = arith.cmpi eq, %select_n3A_57, %sub3A_60 : vector<80x128xi32>
    %and3A_62 = arith.andi %and3A_31, %eq3A_61 : vector<80x128xi1>
    %jit3A_63 = arith.constant 1.000000e+00 : f32
    %jit3A_64 = arith.constant 0.000000e+00 : f32
    %broadcast_in_dim3A_65 = vector.broadcast %jit3A_63 : f32 to vector<80x128xf32>
    %broadcast_in_dim3A_66 = vector.broadcast %jit3A_64 : f32 to vector<80x128xf32>
    %select_n3A_67 = arith.select %and3A_62, %broadcast_in_dim3A_65, %broadcast_in_dim3A_66 : vector<80x128xi1>, vector<80x128xf32>
    %ge3A_68 = arith.constant 64 : i32
    %ge3A_69 = vector.broadcast %ge3A_68 : i32 to vector<80x128xi32>
    %ge3A_70 = arith.cmpi sge, %iota3A, %ge3A_69 : vector<80x128xi32>
    %lt3A_71 = arith.constant 66 : i32
    %lt3A_72 = vector.broadcast %lt3A_71 : i32 to vector<80x128xi32>
    %lt3A_73 = arith.cmpi slt, %iota3A, %lt3A_72 : vector<80x128xi32>
    %and3A_74 = arith.andi %ge3A_70, %lt3A_73 : vector<80x128xi1>
    %jit3A_75 = arith.constant 32 : i32
    %div3A_76 = vector.broadcast %jit3A_75 : i32 to vector<80x128xi32>
    %div3A_77 = arith.divsi %iota3A_9, %div3A_76 : vector<80x128xi32>
    %sign3A_78 = arith.constant 0 : i32
    %sign3A_79 = vector.broadcast %sign3A_78 : i32 to vector<80x128xi32>
    %sign3A_80 = arith.cmpi sgt, %iota3A_9, %sign3A_79 : vector<80x128xi32>
    %sign3A_81 = arith.extui %sign3A_80 : vector<80x128xi1> to vector<80x128xi32>
    %sign3A_82 = arith.constant 0 : i32
    %sign3A_83 = vector.broadcast %sign3A_82 : i32 to vector<80x128xi32>
    %sign3A_84 = arith.cmpi slt, %iota3A_9, %sign3A_83 : vector<80x128xi32>
    %sign3A_85 = arith.extui %sign3A_84 : vector<80x128xi1> to vector<80x128xi32>
    %sign3A_86 = arith.subi %sign3A_81, %sign3A_85 : vector<80x128xi32>
    %sign3A_87 = arith.constant 0 : i32
    %sign3A_88 = arith.cmpi sgt, %jit3A_75, %sign3A_87 : i32
    %sign3A_89 = arith.extui %sign3A_88 : i1 to i32
    %sign3A_90 = arith.constant 0 : i32
    %sign3A_91 = arith.cmpi slt, %jit3A_75, %sign3A_90 : i32
    %sign3A_92 = arith.extui %sign3A_91 : i1 to i32
    %sign3A_93 = arith.subi %sign3A_89, %sign3A_92 : i32
    %ne3A_94 = vector.broadcast %sign3A_93 : i32 to vector<80x128xi32>
    %ne3A_95 = arith.cmpi ne, %sign3A_86, %ne3A_94 : vector<80x128xi32>
    %rem3A_96 = vector.broadcast %jit3A_75 : i32 to vector<80x128xi32>
    %rem3A_97 = arith.remsi %iota3A_9, %rem3A_96 : vector<80x128xi32>
    %ne3A_98 = arith.constant 0 : i32
    %ne3A_99 = vector.broadcast %ne3A_98 : i32 to vector<80x128xi32>
    %ne3A_100 = arith.cmpi ne, %rem3A_97, %ne3A_99 : vector<80x128xi32>
    %and3A_101 = arith.andi %ne3A_95, %ne3A_100 : vector<80x128xi1>
    %sub3A_102 = arith.constant 1 : i32
    %sub3A_103 = vector.broadcast %sub3A_102 : i32 to vector<80x128xi32>
    %sub3A_104 = arith.subi %div3A_77, %sub3A_103 : vector<80x128xi32>
    %select_n3A_105 = arith.select %and3A_101, %sub3A_104, %div3A_77 : vector<80x128xi1>, vector<80x128xi32>
    %sub3A_106 = arith.constant 62 : i32
    %sub3A_107 = vector.broadcast %sub3A_106 : i32 to vector<80x128xi32>
    %sub3A_108 = arith.subi %iota3A, %sub3A_107 : vector<80x128xi32>
    %eq3A_109 = arith.cmpi eq, %select_n3A_105, %sub3A_108 : vector<80x128xi32>
    %and3A_110 = arith.andi %and3A_74, %eq3A_109 : vector<80x128xi1>
    %jit3A_111 = arith.constant 1.000000e+00 : f32
    %jit3A_112 = arith.constant 0.000000e+00 : f32
    %broadcast_in_dim3A_113 = vector.broadcast %jit3A_111 : f32 to vector<80x128xf32>
    %broadcast_in_dim3A_114 = vector.broadcast %jit3A_112 : f32 to vector<80x128xf32>
    %select_n3A_115 = arith.select %and3A_110, %broadcast_in_dim3A_113, %broadcast_in_dim3A_114 : vector<80x128xi1>, vector<80x128xf32>
    %dot_general3A = arith.constant dense<0.000000e+00> : vector<256x128xf32>
    %dot_general3A_116 = tpu.matmul %get3A_3, %select_n3A, %dot_general3A {dimension_numbers = #tpu.dot_dimension_numbers<[1], [0], [0], [1], [0, 0, 1, 1], [], []>, transpose_lhs_hint = false} : vector<256x80xf32>, vector<80x128xf32>, vector<256x128xf32> -> vector<256x128xf32>
    %dot_general3A_117 = arith.constant dense<0.000000e+00> : vector<256x128xf32>
    %dot_general3A_118 = tpu.matmul %get3A_8, %select_n3A_25, %dot_general3A_117 {dimension_numbers = #tpu.dot_dimension_numbers<[1], [0], [0], [1], [0, 0, 1, 1], [], []>, transpose_lhs_hint = false} : vector<256x80xf32>, vector<80x128xf32>, vector<256x128xf32> -> vector<256x128xf32>
    %add3A_119 = arith.addf %dot_general3A_116, %dot_general3A_118 : vector<256x128xf32>
    %dot_general3A_120 = arith.constant dense<0.000000e+00> : vector<256x128xf32>
    %dot_general3A_121 = tpu.matmul %get3A_3, %select_n3A_67, %dot_general3A_120 {dimension_numbers = #tpu.dot_dimension_numbers<[1], [0], [0], [1], [0, 0, 1, 1], [], []>, transpose_lhs_hint = false} : vector<256x80xf32>, vector<80x128xf32>, vector<256x128xf32> -> vector<256x128xf32>
    %dot_general3A_122 = arith.constant dense<0.000000e+00> : vector<256x128xf32>
    %dot_general3A_123 = tpu.matmul %get3A_8, %select_n3A_115, %dot_general3A_122 {dimension_numbers = #tpu.dot_dimension_numbers<[1], [0], [0], [1], [0, 0, 1, 1], [], []>, transpose_lhs_hint = false} : vector<256x80xf32>, vector<80x128xf32>, vector<256x128xf32> -> vector<256x128xf32>
    %add3A_124 = arith.addf %dot_general3A_121, %dot_general3A_123 : vector<256x128xf32>
    %add3A_125 = arith.constant 1.000000e-16 : f32
    %add3A_126 = vector.broadcast %add3A_125 : f32 to vector<256x128xf32>
    %add3A_127 = arith.addf %add3A_124, %add3A_126 : vector<256x128xf32>
    %div3A_128 = arith.divf %add3A_119, %add3A_127 : vector<256x128xf32>
    %swap3A = arith.constant 0 : index
    %swap3A_129 = arith.constant 0 : index
    %swap3A_130 = vector.load %arg2[%swap3A, %swap3A_129] : memref<256x128xf32, #tpu.memory_space<vmem>>, vector<256x128xf32>
    tpu.vector_store %arg2[%swap3A, %swap3A_129], %div3A_128 {strides = array<i32>} : memref<256x128xf32, #tpu.memory_space<vmem>>, vector<256x128xf32>,
    return
  }
  func.func @transform_0(%arg0: i32) -> (i32, i32, i32) {
    %c0_i32 = arith.constant 0 : i32
    %c0_i32_0 = arith.constant 0 : i32
    %c0_i32_1 = arith.constant 0 : i32
    return %c0_i32, %arg0, %c0_i32_0 : i32, i32, i32
  }
  func.func @transform_1(%arg0: i32) -> (i32, i32) {
    %c0_i32 = arith.constant 0 : i32
    %c0_i32_0 = arith.constant 0 : i32
    return %arg0, %c0_i32 : i32, i32
  }
}

</mosaic_0001>

<sc_bundles>
// kernel: kernel.5.cloned.1.call-start
scs
__scs_entry_jumppad:
0x0: {  	(pc) =	sbr.rel $0x88, $3  }
0x1: {  	(tag) =	ssettag $0x0;
	lr =	simm.s32 $0x1  }
0x2: {  	[smem:$0x3F9D] =	sst lr;
	_ =	strace $0xD0000000  }
0x3: {  	_ = 	snop  }
0x4: {  	_ = 	snop  }
0x5: {  	_ = 	snop  }
0x6: {  	_ = 	snop  }
0x7: {  	_ = 	snop  }
__scs_overlays_trampoline_lowered:
0x8: {  	[smem:$0x3FAC] =	sst s0  }
0x9: {  	[smem:$0x3FAD] =	sst s1  }
0xa: {  	[smem:$0x3FAE] =	sst s2  }
0xb: {  	[smem:$0x3FAF] =	sst s3  }
0xc: {  	[smem:$0x3FB0] =	sst s4  }
0xd: {  	[smem:$0x3FB1] =	sst s5  }
0xe: {  	[smem:$0x3FB2] =	sst s6  }
0xf: {  	[smem:$0x3FB3] =	sst s7  }
0x10: {  	[smem:$0x3FB4] =	sst s8  }
0x11: {  	[smem:$0x3FB5] =	sst s9;
	s0 =	simm.s32 @!p0 $0x0  }
0x12: {  	s1 =	sld [smem:$0x3F9B];
	s0 =	simm.s32 @p0 $0x1  }
0x13: {  	[smem:$0x3FB6] =	sst s0;
	s0 =	simm.s32 @!p1 $0x0  }
0x14: {  	s2 =	sld [smem:$0x3F9A];
	s0 =	simm.s32 @p1 $0x1  }
0x15: {  	[smem:$0x3FB7] =	sst s0;
	s0 =	simm.s32 @!p2 $0x0  }
0x16: {  	s3 =	sld [smem:$0x3FDB];
	s0 =	simm.s32 @p2 $0x1  }
0x17: {  	s4 =	simm.s32 $0x1BF5;
	[smem:$0x3FB9] =	sst s0  }
0x18: {  	s0 =	sld [smem:$0x3F9C];
	_ =	swait.ge [sflag:s4], $0x0  }
0x19: {  	s7 =	sld [smem:$0x3F9D]  }
0x1a: {  	s8 =	sadd.s32 $0xFFFFE003, lr  }
0x1b: {  	s9 =	sadd.s32 $0xFFFFFEF7, lr;
	s5 =	simm.s32 $0xFFFFFFFF;
	p2 =	slt.u32 s8, $0xFFFFF086  }
0x1c: {  	p1 =	slt.u32 s9, $0xF7A;
	s5 =	simm.s32 @!p2 $0x0  }
0x1d: {  	s5 =	simm.s32 @p1 $0x1;
	p0 =	seq.s32 s7, s2  }
0x1e: {  	s7 =	smul.u32 @!p0 $0xF7A, s2;
	p2 =	seq.s32 @!p0 s5, $0x0  }
0x1f: {  	s9 =	smul.u32 $0xF7A, s1;
	s8 =	simm.s32 @!p0 $0x1BF5;
	p2 =	por !p2, p0  }
0x20: {  	[sflag:s8] =	ssyncset.s32 @!p0 $0xFFFFF086;
	s6 =	sadd.s32 @!p0 s3, s7;
	s7 =	simm.s32 @!p0 $0x108  }
0x21: {  	s3 =	sadd.s32 s3, s9;
	s6 =	sadd.s32 @!p0 $0x88, s6;
	s7 =	simm.s32 @p2 $0x1082  }
0x22: {  	[simem:s7], [sflag:s8] =	dma.local @!p0 [hbm:s6], $0xF7A  }
0x23: {  	s9 =	sor.u32 $0xD0000000, s2;
	s6 =	simm.s32 $0x108;
	_ =	swait.ge @!p0 [sflag:s8], $0x0  }
0x24: {  	s3 =	sadd.s32 $0x88, s3;
	s6 =	simm.s32 @!p1 $0x1082;
	[sflag:s4] =	ssyncset.s32 $0xFFFFF086  }
0x25: {  	[simem:s6], [sflag:s4] =	dma.local [hbm:s3], $0xF7A  }
0x26: {  	[smem:$0x3F9D] =	sst s1;
	(tag) =	ssettag s2;
	_ =	strace s9  }
0x27: {  	s1 =	sld [smem:$0x3FAD]  }
0x28: {  	s2 =	sld [smem:$0x3FAE]  }
0x29: {  	s4 =	sld [smem:$0x3FB0]  }
0x2a: {  	p0 =	seq.s32 s5, $0x0;
	s5 =	sld [smem:$0x3FB1]  }
0x2b: {  	s6 =	sld [smem:$0x3FB2]  }
0x2c: {  	s7 =	sld [smem:$0x3FB3]  }
0x2d: {  	s3 =	simm.s32 $0x108;
	s8 =	sld [smem:$0x3FB4]  }
0x2e: {  	s3 =	simm.s32 @!p0 $0x1082;
	s9 =	sld [smem:$0x3FB5]  }
0x2f: {  	lr =	sadd.s32 s0, s3;
	s0 =	sld [smem:$0x3FAC]  }
0x30: {  	s3 =	sld [smem:$0x3FAF]  }
0x31: {  	[smem:$0x3FB8] =	sst s10  }
0x32: {  	s10 =	sld [smem:$0x3FB6];
	_ =	sdelay $0x3  }
0x33: {  	p0 =	seq.s32 s10, $0x1;
	s10 =	sld [smem:$0x3FB8];
	_ =	sdelay $0x3  }
0x34: {  	[smem:$0x3FB8] =	sst s10  }
0x35: {  	s10 =	sld [smem:$0x3FB7];
	_ =	sdelay $0x3  }
0x36: {  	p1 =	seq.s32 s10, $0x1;
	s10 =	sld [smem:$0x3FB8];
	_ =	sdelay $0x3  }
0x37: {  	[smem:$0x3FB8] =	sst s10  }
0x38: {  	s10 =	sld [smem:$0x3FB9]  }
0x39: {  	_ = 	snop;
	(pc) =	sbr.ind lr, $3  }
0x3a: {  	_ = 	snop  }
0x3b: {  	_ = 	snop  }
0x3c: {  	p2 =	seq.s32 s10, $0x1;
	s10 =	sld [smem:$0x3FB8]  }
0x3d: {  	_ =	shalt  }
0x3e: {  	_ =	shalt  }
0x3f: {  	_ =	shalt  }
0x40: {  	_ =	shalt  }
0x41: {  	_ =	shalt  }
0x42: {  	_ =	shalt  }
0x43: {  	_ =	shalt  }
0x44: {  	_ =	shalt  }
0x45: {  	_ =	shalt  }
0x46: {  	_ =	shalt  }
0x47: {  	_ =	shalt  }
0x48: {  	_ =	shalt  }
0x49: {  	_ =	shalt  }
0x4a: {  	_ =	shalt  }
0x4b: {  	_ =	shalt  }
0x4c: {  	_ =	shalt  }
0x4d: {  	_ =	shalt  }
0x4e: {  	_ =	shalt  }
0x4f: {  	_ =	shalt  }
0x50: {  	_ =	shalt  }
0x51: {  	_ =	shalt  }
0x52: {  	_ =	shalt  }
0x53: {  	_ =	shalt  }
0x54: {  	_ =	shalt  }
0x55: {  	_ =	shalt  }
0x56: {  	_ =	shalt  }
0x57: {  	_ =	shalt  }
0x58: {  	_ =	shalt  }
0x59: {  	_ =	shalt  }
0x5a: {  	_ =	shalt  }
0x5b: {  	_ =	shalt  }
0x5c: {  	_ =	shalt  }
0x5d: {  	_ =	shalt  }
0x5e: {  	_ =	shalt  }
0x5f: {  	_ =	shalt  }
0x60: {  	_ =	shalt  }
0x61: {  	_ =	shalt  }
0x62: {  	_ =	shalt  }
0x63: {  	_ =	shalt  }
0x64: {  	_ =	shalt  }
0x65: {  	_ =	shalt  }
0x66: {  	_ =	shalt  }
0x67: {  	_ =	shalt  }
0x68: {  	_ =	shalt  }
0x69: {  	_ =	shalt  }
0x6a: {  	_ =	shalt  }
0x6b: {  	_ =	shalt  }
0x6c: {  	_ =	shalt  }
0x6d: {  	_ =	shalt  }
0x6e: {  	_ =	shalt  }
0x6f: {  	_ =	shalt  }
0x70: {  	_ =	shalt  }
0x71: {  	_ =	shalt  }
0x72: {  	_ =	shalt  }
0x73: {  	_ =	shalt  }
0x74: {  	_ =	shalt  }
0x75: {  	_ =	shalt  }
0x76: {  	_ =	shalt  }
0x77: {  	_ =	shalt  }
0x78: {  	_ =	shalt  }
0x79: {  	_ =	shalt  }
0x7a: {  	_ =	shalt  }
0x7b: {  	_ =	shalt  }
0x7c: {  	_ =	shalt  }
0x7d: {  	_ =	shalt  }
0x7e: {  	_ =	shalt  }
0x7f: {  	_ =	shalt  }
0x80: {  	_ =	shalt  }
0x81: {  	_ =	shalt  }
0x82: {  	_ =	shalt  }
0x83: {  	_ =	shalt  }
0x84: {  	_ =	shalt  }
0x85: {  	_ =	shalt  }
0x86: {  	_ =	shalt  }
0x87: {  	_ =	shalt  }
.Lfunc_end0:
.L_simem_size_0:
called_computation_lowered:
.L_overlay_start_0:
0x88: {  	s2 =	sld [smem:$0x3FD9]  }
0x89: {  	s3 =	sld [smem:$0x3FFE];
	_ =	sdelay $0x1  }
0x8a: {  	s1 =	srdreg.scid  }
0x8b: {  	s0 =	sand.u32 $0x1, s1  }
0x8c: {  	s17 =	sshll.u32 s0, $0xA;
	s2 =	sadd.s32 s3, s2  }
0x8d: {  	s2 =	sadd.s32 s2, s17  }
0x8e: {  	[smem:$0x3FC4] =	sst s2  }
0x8f: {  	_ = 	snop  }
0x90: {  	s2 =	sld [smem:$0x3FD0];
	(tm) =	ssettm $0x1  }
0x91: {  	s18 =	sld [smem:$0x3FFB];
	_ =	sdelay $0x3  }
0x92: {  	_ =	strace s18  }
0x93: {  	s3 =	sld [smem:$0x3FFC];
	_ =	sdelay $0x3  }
0x94: {  	_ =	strace s3  }
0x95: {  	s3 =	sld [smem:$0x3FFD];
	_ =	sdelay $0x3  }
0x96: {  	_ =	strace s3  }
0x97: {  	_ =	strace $0x8FFFFFFF  }
0x98: {  	s19 =	sld [smem:$0x3FDB];
	_ =	sdelay $0x1  }
0x99: {  	s4 =	simm.s32 $_scs_section_size  }
0x9a: {  	s5 =	simm.s32 $_size__tile_overlayer_lowered;
	s6 =	simm.s32 $_tile_overlayer_lowered  }
0x9b: {  	s22 =	simm.s32 $0x1BFF;
	s21 =	sshll.u32 s6, $0x1;
	s3 =	sadd.s32 s4, s19  }
0x9c: {  	s7 =	simm.s32 $0x0;
	s20 =	sshll.u32 s5, $0x1;
	s5 =	sadd.s32 s21, s3  }
0x9d: {  	[timem:s7], [sflag:s22] =	dma.local [hbm:s5], s20  }
0x9e: {  	_ =	swait.ge [sflag:s22], s20  }
0x9f: {  	s4 =	ssub.s32 $0x0, s20;
	[sflag:s22] =	ssyncset.done $0x0  }
0xa0: {  	[sflag:s22] =	ssyncadd.s32 s4;
	_ =	sdelay $0x1  }
0xa1: {  	s23 =	simm.s32 $0x1B8B  }
0xa2: {  	_ =	swait.ge [sflag:s23], $0x1  }
0xa3: {  	[sflag:s23] =	ssyncset.done $0x0  }
0xa4: {  	s25 =	simm.s32 $0x1B8E;
	s24 =	sld [smem:$0x3FFE];
	[sflag:s23] =	ssyncadd.s32 $0xFFFFFFFF  }
0xa5: {  	s26 =	simm.s32 $execute0_lowered;
	[smem:$0x3FD2] =	sst s25  }
0xa6: {  	s5 =	sshll.u32 s26, $0x1;
	_ =	strace $0x80000046;
	[dreg:$0x1] =	wrdreg $0xFFFFFFFF  }
0xa7: {  	s28 =	simm.s32 $_size_execute0_lowered;
	s3 =	sadd.s32 s3, s5;
	[dreg:$0x0] =	wrdreg $0x0  }
0xa8: {  	s5 =	sshll.u32 s28, $0x1;
	[dreg:$0x2] =	wrdreg s3  }
0xa9: {  	[dreg:$0x3] =	wrdreg s5  }
0xaa: {  	[dreg:$0x4] =	wrdreg $0xC0  }
0xab: {  	_ =	task [dreg:s7], $0x5FFFF  }
0xac: {  	[dreg:$0x1] =	wrdreg $0xFFFFFFFF  }
0xad: {  	[dreg:$0x0] =	wrdreg $0x60  }
0xae: {  	[dreg:$0x2] =	wrdreg s2  }
0xaf: {  	[dreg:$0x3] =	wrdreg s24  }
0xb0: {  	[dreg:$0x4] =	wrdreg $0x89000  }
0xb1: {  	[dreg:$0x5] =	wrdreg $0x9  }
0xb2: {  	_ =	task.clear_ibuf [dreg:s7], $0x6FFFF;
	_ =	strace $0x90000046  }
0xb3: {  	s29 =	simm.s32 $0x9;
	_ =	strace $0x80000048  }
0xb4: {  	_ =	swait.ge [sflag:s29], $0x1  }
0xb5: {  	[sflag:s29] =	ssyncadd.s32 $0xFFFFFFFF  }
0xb6: {  	_ =	strace $0x90000048  }
0xb7: {  	_ =	sfence  }
0xb8: {  	s30 =	sld [smem:$0x0];
	_ =	sdelay $0x2  }
0xb9: {  	s31 =	sshll.u32 s1, $0xD;
	s1 =	sshrl.u32 s1, $0x2  }
0xba: {  	s3 =	sand.u32 $0x4000, s31;
	s1 =	sadd.s32 s1, s30  }
0xbb: {  	s0 =	sor.u32 s3, s0;
	s1 =	sshll.u32 s1, $0x11  }
0xbc: {  	s0 =	sor.u32 s1, s0  }
0xbd: {  	s0 =	sadd.s32 $0x8F2B, s0  }
0xbe: {  	[sflag:s0] =	ssyncadd.remote.s32 $0x1  }
0xbf: {  	_ =	sfence.sel $0xFFFF  }
0xc0: {  	[dreg:$0x0] =	wrdreg $0xFFFFFFFF;
	(pc) =	sbr.abs _section_cstart, $3  }
0xc1: {  	[dreg:$0x1] =	wrdreg $0xFFFFFFFF  }
0xc2: {  	_ =	task.clear_ibuf [dreg:s7], $0x2FFFF;
	_ =	strace $0x9FFFFFFF  }
0xc3: {  	(tm) =	ssettm $0x7FFFFFFF  }
tec
execute0_lowered:
.L_overlay_start_1:
0x0: {  	(tag) =	ssettag $0x1  }
0x1: {  	s1 =	rddreg [dreg:$0x0]  }
0x2: {  	s0 =	rddreg [dreg:$0x1]  }
0x3: {  	s2 =	rddreg [dreg:$0x2]  }
0x4: {  	s3 =	simm.s32 $0x0;
	s6 =	srdreg.scid;
	s23 =	stileid.u32  }
0x5: {  	s24 =	simm.s32 $0x2100;
	s25 =	simm.s32 $0x1;
	s26 =	simm.s32 $0x2  }
0x6: {  	s28 =	simm.s32 $0x0;
	[smem:$0x7FF] =	sst s3;
	s4 =	sadd.s32 $0x50800, s0  }
0x7: {  	s5 =	sadd.s32 $0x28800, s0;
	s20 =	sadd.s32 $0x800, s0;
	s14 =	sand.u32 $0x1, s6  }
0x8: {  	s6 =	sadd.s32 $0x6E800, s0;
	s13 =	smul.u32 $0xC800, s23;
	s7 =	sadd.s32 $0x64800, s0  }
0x9: {  	s0 =	sadd.s32 $0x78800, s0;
	_ =	strace $0x80000047;
	s8 =	ssub.s32 $0x2, s14  }
0xa: {  	s17 =	smul.u32 $0xC8000, s14;
	p0 =	seq.s32 s14, $0x1;
	s9 =	sshrl.u32 s8, $0x1  }
0xb: {  	s15 =	sadd.s32 $0x2800, s13;
	s16 =	sadd.s32 $0x5000, s13;
	s18 =	sadd.s32 $0x7800, s13  }
0xc: {  	s21 =	sadd.s32 $0xA000, s13;
	s1 =	smov.u32 @p0 s4;
	s5 =	smov.u32 @p0 s20  }
0xd: {  	s20 =	simm.s32 $0x6100;
	s19 =	ssub.s32 s8, s9;
	s8 =	sadd.s32 s13, s2  }
0xe: {  	s9 =	sadd.s32 s15, s2;
	s10 =	sadd.s32 s16, s2;
	s11 =	sadd.s32 s18, s2  }
0xf: {  	s12 =	sadd.s32 s21, s2;
	s22 =	sadd.s32 s13, s17;
	s13 =	smul.u32 $0x5000, s23  }
0x10: {  	s15 =	sadd.s32 s17, s15;
	s16 =	sadd.s32 s17, s16;
	s18 =	sadd.s32 s17, s18  }
0x11: {  	s21 =	sadd.s32 s17, s21;
	s23 =	simm.s32 $0x100;
	s22 =	sshrl.u32 s22, $0x3  }
0x12: {  	s15 =	sshrl.u32 s15, $0x3;
	s16 =	sshrl.u32 s16, $0x3;
	s18 =	sshrl.u32 s18, $0x3  }
0x13: {  	s31 =	sshrl.u32 s21, $0x3;
	s19 =	smax.u32 s19, $0x1;
	s21 =	simm.s32 $0x3  }
0x14: {  	s14 =	sadd.s32 s0, s22;
	s15 =	sadd.s32 s0, s15;
	s16 =	sadd.s32 s0, s16  }
0x15: {  	v0 =	vimm.f32 $0.0e+00;
	v1 =	vlaneseq.u32;
	s17 =	sadd.s32 s0, s18;
	s18 =	sadd.s32 s0, s31;
	s22 =	simm.s32 $0x80  }
.LBB2_1:
0x16: {  	s4 =	simm.s32 $0x140;
	s0 =	simm.s32 $0x0  }
.LBB2_2:
0x17: {  	p0 =	sne.s32 s4, $0x9EC0;
	[tilespmem:s0+$0x6140] =	vst v0;
	s29 =	smov.u32 s4;
	s4 =	sadd.s32 $0x140, s4  }
.Ltmp0:
0x18: {  	[tilespmem:s0+$0x6130] =	vst v0;
	(pc) =	sbr.rel @p0 .LBB2_2-.Ltmp0, $4  }
0x19: {  	[tilespmem:s0+$0x6120] =	vst v0  }
0x1a: {  	[tilespmem:s0+$0x6100] =	vst v0  }
0x1b: {  	[tilespmem:s0+$0x6110] =	vst v0  }
0x1c: {  	s0 =	sshra.s32 s29, $0x2  }
0x1d: {  	[tilespmem:s0+$0x6140] =	vst v0  }
0x1e: {  	[tilespmem:s0+$0x6130] =	vst v0  }
0x1f: {  	[tilespmem:s0+$0x6120] =	vst v0  }
0x20: {  	[tilespmem:s0+$0x6100] =	vst v0  }
0x21: {  	[tilespmem:s0+$0x6110] =	vst v0  }
0x22: {  	[spmem:s8] =	stream.linear.scatter [tilespmem:s20], [sflag:$0x3], $0x2800, $0x38;
	[tilespmem:$0x15100] =	vst v63  }
0x23: {  	_ =	swait.ge [sflag:s21], $0x2800  }
0x24: {  	[sflag:s21] =	ssyncset.done $0x0  }
0x25: {  	[sflag:s21] =	ssyncadd.s32 $0xFFFFD800  }
0x26: {  	[spmem:s9] =	stream.linear.scatter [tilespmem:s20], [sflag:$0x3], $0x2800, $0x38;
	[tilespmem:$0x15100] =	vst v63  }
0x27: {  	_ =	swait.ge [sflag:s21], $0x2800  }
0x28: {  	[sflag:s21] =	ssyncset.done $0x0  }
0x29: {  	[sflag:s21] =	ssyncadd.s32 $0xFFFFD800  }
0x2a: {  	[spmem:s10] =	stream.linear.scatter [tilespmem:s20], [sflag:$0x3], $0x2800, $0x38;
	[tilespmem:$0x15100] =	vst v63  }
0x2b: {  	_ =	swait.ge [sflag:s21], $0x2800  }
0x2c: {  	[sflag:s21] =	ssyncset.done $0x0  }
0x2d: {  	[sflag:s21] =	ssyncadd.s32 $0xFFFFD800  }
0x2e: {  	[spmem:s11] =	stream.linear.scatter [tilespmem:s20], [sflag:$0x3], $0x2800, $0x38;
	[tilespmem:$0x15100] =	vst v63  }
0x2f: {  	_ =	swait.ge [sflag:s21], $0x2800  }
0x30: {  	[sflag:s21] =	ssyncset.done $0x0  }
0x31: {  	[sflag:s21] =	ssyncadd.s32 $0xFFFFD800  }
0x32: {  	[spmem:s12] =	stream.linear.scatter [tilespmem:s20], [sflag:$0x3], $0x2800, $0x38;
	[tilespmem:$0x15100] =	vst v63  }
0x33: {  	_ =	swait.ge [sflag:s21], $0x2800  }
0x34: {  	[sflag:s21] =	ssyncset.done $0x0  }
0x35: {  	[sflag:s21] =	ssyncadd.s32 $0xFFFFD800  }
0x36: {  	s29 =	simm.s32 $0x0;
	s30 =	simm.s32 $0x0;
	[bflag:$0x0] =	sbarrier.arrive $0xFFFF  }
.LBB2_4:
0x37: {  	s0 =	sshll.u32 s30, $0x7  }
0x38: {  	s0 =	sadd.s32 s13, s0  }
0x39: {  	s0 =	sshrl.u32 s0, $0x3  }
0x3a: {  	s4 =	sadd.s32 s6, s0  }
0x3b: {  	[tilespmem:s29], [sflag:$0x3] =	stream.linear.gather [hbm4b:s4+s29], $0x80, $0x38;
	[tilespmem:$0x15100] =	vst v63  }
0x3c: {  	_ =	swait.ge [sflag:s21], $0x80  }
0x3d: {  	[sflag:s21] =	ssyncset.done $0x0  }
0x3e: {  	s0 =	sadd.s32 s7, s0;
	[sflag:s21] =	ssyncadd.s32 $0xFFFFFF80  }
0x3f: {  	[tilespmem:s22], [sflag:$0x3] =	stream.linear.gather [hbm4b:s0+s29], $0x80, $0x38;
	[tilespmem:$0x15100] =	vst v63  }
0x40: {  	_ =	swait.ge [sflag:s21], $0x80  }
0x41: {  	[sflag:s21] =	ssyncset.done $0x0  }
0x42: {  	[sflag:s21] =	ssyncadd.s32 $0xFFFFFF80  }
0x43: {  	[tilespmem:s23], [sflag:$0x1] =	stream.indirect.gather [hbm4b:s1+s22], $0x40, s29, s22, $0xb8;
	[tilespmem:$0x15100] =	vst v63  }
0x44: {  	_ = 	snop  }
0x45: {  	[tilespmem:s24], [sflag:$0x2] =	stream.indirect.gather [hbm4b:s5+s22], $0x80, s22, s22, $0xb8;
	[tilespmem:$0x15100] =	vst v63  }
0x46: {  	_ =	swait.ge [sflag:s25], $0x2000  }
0x47: {  	[sflag:s25] =	ssyncset.done $0x0  }
0x48: {  	[sflag:s25] =	ssyncadd.s32 $0xFFFFE000  }
0x49: {  	_ =	swait.ge [sflag:s26], $0x4000  }
0x4a: {  	s31 =	simm.s32 $0x2540;
	[sflag:s26] =	ssyncset.done $0x0  }
0x4b: {  	s4 =	simm.s32 $0x0;
	s0 =	simm.s32 $0x6380;
	[sflag:s26] =	ssyncadd.s32 $0xFFFFC000  }
.LBB2_5:
0x4c: {  	v2 =	vor.u32 s4, v1  }
0x4d: {  	v4 =	vshll.u32 v2, $0x6  }
0x4e: {  	v3 =	vshll.u32 v2, $0x7  }
0x4f: {  	v5 =	vor.u32 $0x1, v4  }
0x50: {  	v6 =	vor.u32 $0x1, v3  }
0x51: {  	v7 =	vor.u32 $0x2, v4  }
0x52: {  	v9 =	vor.u32 $0x2, v3;
	v8 =	vld.idx.msk [tilespmem:v4+s23+$0x0], $0xffff  }
0x53: {  	v11 =	vor.u32 $0x3, v4;
	v10 =	vld.idx.msk [tilespmem:v3+s24+$0x0], $0xffff  }
0x54: {  	v12 =	vor.u32 $0x3, v3;
	v5 =	vld.idx.msk [tilespmem:v5+s23+$0x0], $0xffff  }
0x55: {  	v13 =	vor.u32 $0x4, v4;
	v6 =	vld.idx.msk [tilespmem:v6+s24+$0x0], $0xffff  }
0x56: {  	v14 =	vor.u32 $0x4, v3;
	v7 =	vld.idx.msk [tilespmem:v7+s23+$0x0], $0xffff  }
0x57: {  	v15 =	vor.u32 $0x5, v4;
	v9 =	vld.idx.msk [tilespmem:v9+s24+$0x0], $0xffff  }
0x58: {  	v23 =	vor.u32 $0x5, v3;
	v22 =	vld.idx.msk [tilespmem:v11+s23+$0x0], $0xffff;
	v8 =	vmul.f32 v10, v8  }
0x59: {  	v16 =	vor.u32 $0x6, v4;
	v12 =	vld.idx.msk [tilespmem:v12+s24+$0x0], $0xffff  }
0x5a: {  	v25 =	vor.u32 $0x6, v3;
	v24 =	vld.idx.msk [tilespmem:v13+s23+$0x0], $0xffff;
	v5 =	vmul.f32 v6, v5;
	v8 =	vadd.f32 $0.0e+00, v8  }
0x5b: {  	v17 =	vor.u32 $0x7, v4;
	v14 =	vld.idx.msk [tilespmem:v14+s24+$0x0], $0xffff  }
0x5c: {  	v27 =	vor.u32 $0x7, v3;
	v26 =	vld.idx.msk [tilespmem:v15+s23+$0x0], $0xffff;
	v7 =	vmul.f32 v9, v7;
	v5 =	vadd.f32 v5, v8  }
0x5d: {  	v28 =	vor.u32 $0x8, v4;
	v11 =	vld.idx.msk [tilespmem:v23+s24+$0x0], $0xffff  }
0x5e: {  	v31 =	vor.u32 $0x8, v3;
	v30 =	vld.idx.msk [tilespmem:v16+s23+$0x0], $0xffff;
	v29 =	vmul.f32 v12, v22;
	v5 =	vadd.f32 v7, v5  }
0x5f: {  	v32 =	vor.u32 $0x9, v4;
	v13 =	vld.idx.msk [tilespmem:v25+s24+$0x0], $0xffff  }
0x60: {  	v34 =	vor.u32 $0x9, v3;
	v33 =	vld.idx.msk [tilespmem:v17+s23+$0x0], $0xffff;
	v6 =	vmul.f32 v14, v24;
	v5 =	vadd.f32 v29, v5  }
0x61: {  	v35 =	vor.u32 $0xA, v4;
	v9 =	vld.idx.msk [tilespmem:v27+s24+$0x0], $0xffff  }
0x62: {  	v38 =	vor.u32 $0xA, v3;
	v37 =	vld.idx.msk [tilespmem:v28+s23+$0x0], $0xffff;
	v36 =	vmul.f32 v11, v26;
	v5 =	vadd.f32 v6, v5  }
0x63: {  	v39 =	vor.u32 $0xB, v4;
	v12 =	vld.idx.msk [tilespmem:v31+s24+$0x0], $0xffff  }
0x64: {  	v42 =	vor.u32 $0xB, v3;
	v41 =	vld.idx.msk [tilespmem:v32+s23+$0x0], $0xffff;
	v40 =	vmul.f32 v13, v30;
	v5 =	vadd.f32 v36, v5  }
0x65: {  	v43 =	vor.u32 $0xC, v4;
	v14 =	vld.idx.msk [tilespmem:v34+s24+$0x0], $0xffff  }
0x66: {  	v46 =	vor.u32 $0xC, v3;
	v45 =	vld.idx.msk [tilespmem:v35+s23+$0x0], $0xffff;
	v44 =	vmul.f32 v9, v33;
	v5 =	vadd.f32 v40, v5  }
0x67: {  	v47 =	vor.u32 $0xD, v4;
	v11 =	vld.idx.msk [tilespmem:v38+s24+$0x0], $0xffff  }
0x68: {  	v50 =	vor.u32 $0xD, v3;
	v49 =	vld.idx.msk [tilespmem:v39+s23+$0x0], $0xffff;
	v48 =	vmul.f32 v12, v37;
	v5 =	vadd.f32 v44, v5  }
0x69: {  	v51 =	vor.u32 $0xE, v4;
	v13 =	vld.idx.msk [tilespmem:v42+s24+$0x0], $0xffff  }
0x6a: {  	v54 =	vor.u32 $0xE, v3;
	v53 =	vld.idx.msk [tilespmem:v43+s23+$0x0], $0xffff;
	v52 =	vmul.f32 v14, v41;
	v5 =	vadd.f32 v48, v5  }
0x6b: {  	v55 =	vor.u32 $0xF, v4;
	v9 =	vld.idx.msk [tilespmem:v46+s24+$0x0], $0xffff  }
0x6c: {  	v58 =	vor.u32 $0xF, v3;
	v57 =	vld.idx.msk [tilespmem:v47+s23+$0x0], $0xffff;
	v56 =	vmul.f32 v11, v45;
	v5 =	vadd.f32 v52, v5  }
0x6d: {  	v59 =	vor.u32 $0x10, v4;
	v12 =	vld.idx.msk [tilespmem:v50+s24+$0x0], $0xffff  }
0x6e: {  	v62 =	vor.u32 $0x10, v3;
	v61 =	vld.idx.msk [tilespmem:v51+s23+$0x0], $0xffff;
	v60 =	vmul.f32 v13, v49;
	v5 =	vadd.f32 v56, v5  }
0x6f: {  	v22 =	vor.u32 $0x11, v3;
	v14 =	vld.idx.msk [tilespmem:v54+s24+$0x0], $0xffff  }
0x70: {  	v63 =	vor.u32 $0x11, v4;
	v21 =	vld.idx.msk [tilespmem:v55+s23+$0x0], $0xffff;
	v20 =	vmul.f32 v9, v53;
	v5 =	vadd.f32 v60, v5  }
0x71: {  	v23 =	vor.u32 $0x12, v4;
	v11 =	vld.idx.msk [tilespmem:v58+s24+$0x0], $0xffff  }
0x72: {  	v25 =	vld.idx.msk [tilespmem:v59+s23+$0x0], $0xffff;
	v26 =	vor.u32 $0x12, v3;
	v24 =	vmul.f32 v12, v57;
	v5 =	vadd.f32 v20, v5  }
0x73: {  	v27 =	vor.u32 $0x13, v4;
	v13 =	vld.idx.msk [tilespmem:v62+s24+$0x0], $0xffff  }
0x74: {  	v30 =	vor.u32 $0x13, v3;
	v10 =	vld.idx.msk [tilespmem:v22+s24+$0x0], $0xffff;
	v28 =	vmul.f32 v14, v61;
	v5 =	vadd.f32 v24, v5  }
0x75: {  	v31 =	vor.u32 $0x14, v4;
	v29 =	vld.idx.msk [tilespmem:v63+s23+$0x0], $0xffff  }
0x76: {  	v34 =	vor.u32 $0x14, v3;
	v33 =	vld.idx.msk [tilespmem:v23+s23+$0x0], $0xffff;
	v32 =	vmul.f32 v11, v21;
	v5 =	vadd.f32 v28, v5  }
0x77: {  	v35 =	vor.u32 $0x15, v4;
	v12 =	vld.idx.msk [tilespmem:v26+s24+$0x0], $0xffff  }
0x78: {  	v38 =	vor.u32 $0x15, v3;
	v37 =	vld.idx.msk [tilespmem:v27+s23+$0x0], $0xffff;
	v36 =	vmul.f32 v13, v25;
	v5 =	vadd.f32 v32, v5  }
0x79: {  	v39 =	vor.u32 $0x16, v4;
	v14 =	vld.idx.msk [tilespmem:v30+s24+$0x0], $0xffff  }
0x7a: {  	v42 =	vor.u32 $0x16, v3;
	v41 =	vld.idx.msk [tilespmem:v31+s23+$0x0], $0xffff;
	v40 =	vmul.f32 v10, v29;
	v5 =	vadd.f32 v36, v5  }
0x7b: {  	v43 =	vor.u32 $0x17, v4;
	v11 =	vld.idx.msk [tilespmem:v34+s24+$0x0], $0xffff  }
0x7c: {  	v45 =	vld.idx.msk [tilespmem:v35+s23+$0x0], $0xffff;
	v46 =	vor.u32 $0x17, v3;
	v44 =	vmul.f32 v12, v33;
	v5 =	vadd.f32 v40, v5  }
0x7d: {  	v47 =	vor.u32 $0x18, v4;
	v13 =	vld.idx.msk [tilespmem:v38+s24+$0x0], $0xffff  }
0x7e: {  	v49 =	vld.idx.msk [tilespmem:v39+s23+$0x0], $0xffff;
	v50 =	vor.u32 $0x18, v3;
	v48 =	vmul.f32 v14, v37;
	v5 =	vadd.f32 v44, v5  }
0x7f: {  	v51 =	vor.u32 $0x19, v4;
	v10 =	vld.idx.msk [tilespmem:v42+s24+$0x0], $0xffff  }
0x80: {  	v54 =	vor.u32 $0x19, v3;
	v53 =	vld.idx.msk [tilespmem:v43+s23+$0x0], $0xffff;
	v52 =	vmul.f32 v11, v41;
	v5 =	vadd.f32 v48, v5  }
0x81: {  	v55 =	vor.u32 $0x1A, v4;
	v12 =	vld.idx.msk [tilespmem:v46+s24+$0x0], $0xffff  }
0x82: {  	v58 =	vor.u32 $0x1A, v3;
	v57 =	vld.idx.msk [tilespmem:v47+s23+$0x0], $0xffff;
	v56 =	vmul.f32 v13, v45;
	v5 =	vadd.f32 v52, v5  }
0x83: {  	v59 =	vor.u32 $0x1B, v4;
	v14 =	vld.idx.msk [tilespmem:v50+s24+$0x0], $0xffff  }
0x84: {  	v62 =	vor.u32 $0x1B, v3;
	v61 =	vld.idx.msk [tilespmem:v51+s23+$0x0], $0xffff;
	v60 =	vmul.f32 v10, v49;
	v5 =	vadd.f32 v56, v5  }
0x85: {  	v63 =	vor.u32 $0x1C, v4;
	v11 =	vld.idx.msk [tilespmem:v54+s24+$0x0], $0xffff  }
0x86: {  	v22 =	vor.u32 $0x1C, v3;
	v21 =	vld.idx.msk [tilespmem:v55+s23+$0x0], $0xffff;
	v20 =	vmul.f32 v12, v53;
	v5 =	vadd.f32 v60, v5  }
0x87: {  	v23 =	vor.u32 $0x1D, v4;
	v13 =	vld.idx.msk [tilespmem:v58+s24+$0x0], $0xffff  }
0x88: {  	v26 =	vor.u32 $0x1D, v3;
	v25 =	vld.idx.msk [tilespmem:v59+s23+$0x0], $0xffff;
	v24 =	vmul.f32 v14, v57;
	v5 =	vadd.f32 v20, v5  }
0x89: {  	v30 =	vor.u32 $0x1E, v3;
	v10 =	vld.idx.msk [tilespmem:v62+s24+$0x0], $0xffff  }
0x8a: {  	v27 =	vor.u32 $0x1E, v4;
	v29 =	vld.idx.msk [tilespmem:v63+s23+$0x0], $0xffff;
	v28 =	vmul.f32 v11, v61;
	v5 =	vadd.f32 v24, v5  }
0x8b: {  	v31 =	vor.u32 $0x1F, v4;
	v12 =	vld.idx.msk [tilespmem:v22+s24+$0x0], $0xffff  }
0x8c: {  	v34 =	vor.u32 $0x1F, v3;
	v33 =	vld.idx.msk [tilespmem:v23+s23+$0x0], $0xffff;
	v32 =	vmul.f32 v13, v21;
	v5 =	vadd.f32 v28, v5  }
0x8d: {  	v14 =	vld.idx.msk [tilespmem:v26+s24+$0x0], $0xffff  }
0x8e: {  	v37 =	vld.idx.msk [tilespmem:v30+s24+$0x0], $0xffff;
	v35 =	vmul.f32 v10, v25;
	v5 =	vadd.f32 v32, v5  }
0x8f: {  	v36 =	vld.idx.msk [tilespmem:v27+s23+$0x0], $0xffff  }
0x90: {  	v39 =	vld.idx.msk [tilespmem:v31+s23+$0x0], $0xffff;
	v38 =	vmul.f32 v12, v29;
	v5 =	vadd.f32 v35, v5  }
0x91: {  	v40 =	vld.idx.msk [tilespmem:v34+s24+$0x0], $0xffff  }
0x92: {  	v41 =	vmul.f32 v14, v33;
	v5 =	vadd.f32 v38, v5;
	_ =	sdelay $0x1  }
0x93: {  	v42 =	vmul.f32 v37, v36;
	v5 =	vadd.f32 v41, v5;
	_ =	sdelay $0x1  }
0x94: {  	v43 =	vmul.f32 v40, v39;
	v5 =	vadd.f32 v42, v5;
	_ =	sdelay $0x1  }
0x95: {  	v5 =	vadd.f32 v43, v5;
	_ =	sdelay $0x1  }
0x96: {  	v5 =	vmul.f32 $1.442695020e+00, v5;
	_ =	sdelay $0x1  }
0x97: {  	(erf) = vpow2.f32 v5;
	_ =	sdelay $0x2  }
0x98: {  	v5 =	vmul.u32 $0x50, v2;
	_ =	sdelay $0x1  }
0x99: {  	v44 =	vadd.s32 $0x40, v5  }
0x9a: {  	v45 =	vor.u32 $0x20, v4  }
0x9b: {  	v46 =	vor.u32 $0x20, v3  }
0x9c: {  	v47 =	vor.u32 $0x21, v4  }
0x9d: {  	v48 =	vor.u32 $0x21, v3;
	v2 =	vpop (erf)  }
0x9e: {  	v49 =	vor.u32 $0x22, v4;
	[tilespmem:v44+s20+$0x0] =	vst.idx.msk $0xffff, v2  }
0x9f: {  	v50 =	vor.u32 $0x22, v3;
	v7 =	vld.idx.msk [tilespmem:v45+s23+$0x0], $0xffff  }
0xa0: {  	v51 =	vor.u32 $0x23, v4;
	v8 =	vld.idx.msk [tilespmem:v46+s24+$0x0], $0xffff  }
0xa1: {  	v52 =	vor.u32 $0x23, v3;
	v9 =	vld.idx.msk [tilespmem:v47+s23+$0x0], $0xffff  }
0xa2: {  	v53 =	vor.u32 $0x24, v4;
	v10 =	vld.idx.msk [tilespmem:v48+s24+$0x0], $0xffff  }
0xa3: {  	v54 =	vor.u32 $0x24, v3;
	v6 =	vld.idx.msk [tilespmem:v49+s23+$0x0], $0xffff  }
0xa4: {  	v55 =	vor.u32 $0x25, v4;
	v11 =	vld.idx.msk [tilespmem:v50+s24+$0x0], $0xffff  }
0xa5: {  	v57 =	vor.u32 $0x25, v3;
	v56 =	vld.idx.msk [tilespmem:v51+s23+$0x0], $0xffff;
	v7 =	vmul.f32 v8, v7  }
0xa6: {  	v58 =	vor.u32 $0x26, v4;
	v13 =	vld.idx.msk [tilespmem:v52+s24+$0x0], $0xffff  }
0xa7: {  	v60 =	vor.u32 $0x26, v3;
	v59 =	vld.idx.msk [tilespmem:v53+s23+$0x0], $0xffff;
	v9 =	vmul.f32 v10, v9;
	v7 =	vadd.f32 $0.0e+00, v7  }
0xa8: {  	v18 =	vor.u32 $0x27, v4;
	v15 =	vld.idx.msk [tilespmem:v54+s24+$0x0], $0xffff  }
0xa9: {  	v62 =	vor.u32 $0x27, v3;
	v61 =	vld.idx.msk [tilespmem:v55+s23+$0x0], $0xffff;
	v6 =	vmul.f32 v11, v6;
	v7 =	vadd.f32 v9, v7  }
0xaa: {  	v63 =	vor.u32 $0x28, v4;
	v12 =	vld.idx.msk [tilespmem:v57+s24+$0x0], $0xffff  }
0xab: {  	v22 =	vor.u32 $0x28, v3;
	v21 =	vld.idx.msk [tilespmem:v58+s23+$0x0], $0xffff;
	v20 =	vmul.f32 v13, v56;
	v6 =	vadd.f32 v6, v7  }
0xac: {  	v23 =	vor.u32 $0x29, v4;
	v14 =	vld.idx.msk [tilespmem:v60+s24+$0x0], $0xffff  }
0xad: {  	v26 =	vor.u32 $0x29, v3;
	v25 =	vld.idx.msk [tilespmem:v18+s23+$0x0], $0xffff;
	v24 =	vmul.f32 v15, v59;
	v6 =	vadd.f32 v20, v6  }
0xae: {  	v27 =	vor.u32 $0x2A, v4;
	v11 =	vld.idx.msk [tilespmem:v62+s24+$0x0], $0xffff  }
0xaf: {  	v30 =	vor.u32 $0x2A, v3;
	v29 =	vld.idx.msk [tilespmem:v63+s23+$0x0], $0xffff;
	v28 =	vmul.f32 v12, v61;
	v6 =	vadd.f32 v24, v6  }
0xb0: {  	v31 =	vor.u32 $0x2B, v4;
	v13 =	vld.idx.msk [tilespmem:v22+s24+$0x0], $0xffff  }
0xb1: {  	v34 =	vor.u32 $0x2B, v3;
	v33 =	vld.idx.msk [tilespmem:v23+s23+$0x0], $0xffff;
	v32 =	vmul.f32 v14, v21;
	v6 =	vadd.f32 v28, v6  }
0xb2: {  	v35 =	vor.u32 $0x2C, v4;
	v15 =	vld.idx.msk [tilespmem:v26+s24+$0x0], $0xffff  }
0xb3: {  	v38 =	vor.u32 $0x2C, v3;
	v37 =	vld.idx.msk [tilespmem:v27+s23+$0x0], $0xffff;
	v36 =	vmul.f32 v11, v25;
	v6 =	vadd.f32 v32, v6  }
0xb4: {  	v39 =	vor.u32 $0x2D, v4;
	v12 =	vld.idx.msk [tilespmem:v30+s24+$0x0], $0xffff  }
0xb5: {  	v42 =	vor.u32 $0x2D, v3;
	v41 =	vld.idx.msk [tilespmem:v31+s23+$0x0], $0xffff;
	v40 =	vmul.f32 v13, v29;
	v6 =	vadd.f32 v36, v6  }
0xb6: {  	v43 =	vor.u32 $0x2E, v4;
	v14 =	vld.idx.msk [tilespmem:v34+s24+$0x0], $0xffff  }
0xb7: {  	v45 =	vld.idx.msk [tilespmem:v35+s23+$0x0], $0xffff;
	v46 =	vor.u32 $0x2E, v3;
	v44 =	vmul.f32 v15, v33;
	v6 =	vadd.f32 v40, v6  }
0xb8: {  	v47 =	vor.u32 $0x2F, v4;
	v11 =	vld.idx.msk [tilespmem:v38+s24+$0x0], $0xffff  }
0xb9: {  	v49 =	vld.idx.msk [tilespmem:v39+s23+$0x0], $0xffff;
	v50 =	vor.u32 $0x2F, v3;
	v48 =	vmul.f32 v12, v37;
	v6 =	vadd.f32 v44, v6  }
0xba: {  	v51 =	vor.u32 $0x30, v4;
	v13 =	vld.idx.msk [tilespmem:v42+s24+$0x0], $0xffff  }
0xbb: {  	v53 =	vld.idx.msk [tilespmem:v43+s23+$0x0], $0xffff;
	v54 =	vor.u32 $0x30, v3;
	v52 =	vmul.f32 v14, v41;
	v6 =	vadd.f32 v48, v6  }
0xbc: {  	v55 =	vor.u32 $0x31, v4;
	v15 =	vld.idx.msk [tilespmem:v46+s24+$0x0], $0xffff  }
0xbd: {  	v58 =	vor.u32 $0x31, v3;
	v57 =	vld.idx.msk [tilespmem:v47+s23+$0x0], $0xffff;
	v56 =	vmul.f32 v11, v45;
	v6 =	vadd.f32 v52, v6  }
0xbe: {  	v59 =	vor.u32 $0x32, v4;
	v12 =	vld.idx.msk [tilespmem:v50+s24+$0x0], $0xffff  }
0xbf: {  	v61 =	vld.idx.msk [tilespmem:v51+s23+$0x0], $0xffff;
	v62 =	vor.u32 $0x32, v3;
	v60 =	vmul.f32 v13, v49;
	v6 =	vadd.f32 v56, v6  }
0xc0: {  	v63 =	vor.u32 $0x33, v4;
	v14 =	vld.idx.msk [tilespmem:v54+s24+$0x0], $0xffff  }
0xc1: {  	v23 =	vor.u32 $0x33, v3;
	v22 =	vld.idx.msk [tilespmem:v55+s23+$0x0], $0xffff;
	v21 =	vmul.f32 v15, v53;
	v6 =	vadd.f32 v60, v6  }
0xc2: {  	v27 =	vor.u32 $0x34, v3;
	v11 =	vld.idx.msk [tilespmem:v58+s24+$0x0], $0xffff  }
0xc3: {  	v26 =	vld.idx.msk [tilespmem:v59+s23+$0x0], $0xffff;
	v24 =	vor.u32 $0x34, v4;
	v25 =	vmul.f32 v12, v57;
	v6 =	vadd.f32 v21, v6  }
0xc4: {  	v31 =	vor.u32 $0x35, v3;
	v13 =	vld.idx.msk [tilespmem:v62+s24+$0x0], $0xffff  }
0xc5: {  	v30 =	vld.idx.msk [tilespmem:v63+s23+$0x0], $0xffff;
	v29 =	vmul.f32 v14, v61;
	v28 =	vor.u32 $0x35, v4;
	v6 =	vadd.f32 v25, v6  }
0xc6: {  	v35 =	vor.u32 $0x36, v3;
	v15 =	vld.idx.msk [tilespmem:v23+s24+$0x0], $0xffff  }
0xc7: {  	v12 =	vld.idx.msk [tilespmem:v27+s24+$0x0], $0xffff;
	v32 =	vor.u32 $0x36, v4;
	v33 =	vmul.f32 v11, v22;
	v6 =	vadd.f32 v29, v6  }
0xc8: {  	v39 =	vor.u32 $0x37, v3;
	v34 =	vld.idx.msk [tilespmem:v24+s23+$0x0], $0xffff  }
0xc9: {  	v14 =	vld.idx.msk [tilespmem:v31+s24+$0x0], $0xffff;
	v37 =	vmul.f32 v13, v26;
	v36 =	vor.u32 $0x37, v4;
	v6 =	vadd.f32 v33, v6  }
0xca: {  	v43 =	vor.u32 $0x38, v3;
	v38 =	vld.idx.msk [tilespmem:v28+s23+$0x0], $0xffff  }
0xcb: {  	v41 =	vmul.f32 v15, v30;
	v11 =	vld.idx.msk [tilespmem:v35+s24+$0x0], $0xffff;
	v40 =	vor.u32 $0x38, v4;
	v6 =	vadd.f32 v37, v6  }
0xcc: {  	v47 =	vor.u32 $0x39, v3;
	v42 =	vld.idx.msk [tilespmem:v32+s23+$0x0], $0xffff  }
0xcd: {  	v13 =	vld.idx.msk [tilespmem:v39+s24+$0x0], $0xffff;
	v44 =	vor.u32 $0x39, v4;
	v45 =	vmul.f32 v12, v34;
	v6 =	vadd.f32 v41, v6  }
0xce: {  	v51 =	vor.u32 $0x3A, v3;
	v46 =	vld.idx.msk [tilespmem:v36+s23+$0x0], $0xffff  }
0xcf: {  	v15 =	vld.idx.msk [tilespmem:v43+s24+$0x0], $0xffff;
	v48 =	vor.u32 $0x3A, v4;
	v49 =	vmul.f32 v14, v38;
	v6 =	vadd.f32 v45, v6  }
0xd0: {  	v55 =	vor.u32 $0x3B, v3;
	v50 =	vld.idx.msk [tilespmem:v40+s23+$0x0], $0xffff  }
0xd1: {  	v12 =	vld.idx.msk [tilespmem:v47+s24+$0x0], $0xffff;
	v52 =	vor.u32 $0x3B, v4;
	v53 =	vmul.f32 v11, v42;
	v6 =	vadd.f32 v49, v6  }
0xd2: {  	v59 =	vor.u32 $0x3C, v3;
	v54 =	vld.idx.msk [tilespmem:v44+s23+$0x0], $0xffff  }
0xd3: {  	v14 =	vld.idx.msk [tilespmem:v51+s24+$0x0], $0xffff;
	v56 =	vor.u32 $0x3C, v4;
	v57 =	vmul.f32 v13, v46;
	v6 =	vadd.f32 v53, v6  }
0xd4: {  	v63 =	vor.u32 $0x3D, v3;
	v58 =	vld.idx.msk [tilespmem:v48+s23+$0x0], $0xffff  }
0xd5: {  	v11 =	vld.idx.msk [tilespmem:v55+s24+$0x0], $0xffff;
	v60 =	vor.u32 $0x3D, v4;
	v61 =	vmul.f32 v15, v50;
	v6 =	vadd.f32 v57, v6  }
0xd6: {  	v20 =	vor.u32 $0x3E, v4;
	v62 =	vld.idx.msk [tilespmem:v52+s23+$0x0], $0xffff  }
0xd7: {  	v23 =	vor.u32 $0x3E, v3;
	v13 =	vld.idx.msk [tilespmem:v59+s24+$0x0], $0xffff;
	v21 =	vmul.f32 v12, v54;
	v6 =	vadd.f32 v61, v6  }
0xd8: {  	v3 =	vor.u32 $0x3F, v3;
	v22 =	vld.idx.msk [tilespmem:v56+s23+$0x0], $0xffff  }
0xd9: {  	v26 =	vld.idx.msk [tilespmem:v63+s24+$0x0], $0xffff;
	v4 =	vor.u32 $0x3F, v4;
	v24 =	vmul.f32 v14, v58;
	v6 =	vadd.f32 v21, v6  }
0xda: {  	v25 =	vld.idx.msk [tilespmem:v60+s23+$0x0], $0xffff  }
0xdb: {  	v28 =	vld.idx.msk [tilespmem:v20+s23+$0x0], $0xffff;
	v27 =	vmul.f32 v11, v62;
	v6 =	vadd.f32 v24, v6  }
0xdc: {  	v29 =	vld.idx.msk [tilespmem:v23+s24+$0x0], $0xffff  }
0xdd: {  	v3 =	vld.idx.msk [tilespmem:v3+s24+$0x0], $0xffff;
	v30 =	vmul.f32 v13, v22;
	v6 =	vadd.f32 v27, v6  }
0xde: {  	v4 =	vld.idx.msk [tilespmem:v4+s23+$0x0], $0xffff  }
0xdf: {  	v31 =	vmul.f32 v26, v25;
	v6 =	vadd.f32 v30, v6;
	_ =	sdelay $0x1  }
0xe0: {  	v32 =	vmul.f32 v29, v28;
	v6 =	vadd.f32 v31, v6;
	_ =	sdelay $0x1  }
0xe1: {  	v3 =	vmul.f32 v3, v4;
	v6 =	vadd.f32 v32, v6;
	_ =	sdelay $0x1  }
0xe2: {  	v3 =	vadd.f32 v3, v6;
	_ =	sdelay $0x1  }
0xe3: {  	v3 =	vmul.f32 $1.442695020e+00, v3;
	_ =	sdelay $0x1  }
0xe4: {  	(erf) = vpow2.f32 v3;
	_ =	sdelay $0x4  }
0xe5: {  	v33 =	vadd.s32 $0x41, v5;
	_ =	sdelay $0x3  }
0xe6: {  	v3 =	vpop (erf)  }
0xe7: {  	[tilespmem:v33+s20+$0x0] =	vst.idx.msk $0xffff, v3  }
0xe8: {  	v4 =	vld [tilespmem:s31+$0xFFFFFC00];
	_ =	sdelay $0x2  }
0xe9: {  	v34 =	vbroadcast v2, $0x0;
	_ =	sdelay $0x1  }
0xea: {  	v4 =	vmul.f32 v4, v34;
	_ =	sdelay $0x1  }
0xeb: {  	[tilespmem:s0+$0xFFFFFD80] =	vst v4  }
0xec: {  	v4 =	vld [tilespmem:s31+$0xFFFFFC10];
	_ =	sdelay $0x4  }
0xed: {  	v4 =	vmul.f32 v4, v34;
	_ =	sdelay $0x1  }
0xee: {  	[tilespmem:s0+$0xFFFFFD90] =	vst v4  }
0xef: {  	v4 =	vld [tilespmem:s31+$0xFFFFFC20];
	_ =	sdelay $0x2  }
0xf0: {  	v35 =	vbroadcast v3, $0x0;
	_ =	sdelay $0x1  }
0xf1: {  	v4 =	vmul.f32 v4, v35;
	_ =	sdelay $0x1  }
0xf2: {  	[tilespmem:s0+$0xFFFFFDA0] =	vst v4  }
0xf3: {  	v4 =	vld [tilespmem:s31+$0xFFFFFC30];
	_ =	sdelay $0x4  }
0xf4: {  	v4 =	vmul.f32 v4, v35;
	_ =	sdelay $0x1  }
0xf5: {  	[tilespmem:s0+$0xFFFFFDB0] =	vst v4  }
0xf6: {  	v4 =	vld [tilespmem:s31+$0xFFFFFC80];
	_ =	sdelay $0x2  }
0xf7: {  	v36 =	vbroadcast v2, $0x1;
	_ =	sdelay $0x1  }
0xf8: {  	v4 =	vmul.f32 v4, v36;
	_ =	sdelay $0x1  }
0xf9: {  	[tilespmem:s0+$0xFFFFFDD0] =	vst v4  }
0xfa: {  	v4 =	vld [tilespmem:s31+$0xFFFFFC90];
	_ =	sdelay $0x4  }
0xfb: {  	v4 =	vmul.f32 v4, v36;
	_ =	sdelay $0x1  }
0xfc: {  	[tilespmem:s0+$0xFFFFFDE0] =	vst v4  }
0xfd: {  	v4 =	vld [tilespmem:s31+$0xFFFFFCA0];
	_ =	sdelay $0x2  }
0xfe: {  	v37 =	vbroadcast v3, $0x1;
	_ =	sdelay $0x1  }
0xff: {  	v4 =	vmul.f32 v4, v37;
	_ =	sdelay $0x1  }
0x100: {  	[tilespmem:s0+$0xFFFFFDF0] =	vst v4  }
0x101: {  	v4 =	vld [tilespmem:s31+$0xFFFFFCB0];
	_ =	sdelay $0x4  }
0x102: {  	v4 =	vmul.f32 v4, v37;
	_ =	sdelay $0x1  }
0x103: {  	[tilespmem:s0+$0xFFFFFE00] =	vst v4  }
0x104: {  	v4 =	vld [tilespmem:s31+$0xFFFFFD00];
	_ =	sdelay $0x2  }
0x105: {  	v38 =	vbroadcast v2, $0x2;
	_ =	sdelay $0x1  }
0x106: {  	v4 =	vmul.f32 v4, v38;
	_ =	sdelay $0x1  }
0x107: {  	[tilespmem:s0+$0xFFFFFE20] =	vst v4  }
0x108: {  	v4 =	vld [tilespmem:s31+$0xFFFFFD10];
	_ =	sdelay $0x4  }
0x109: {  	v4 =	vmul.f32 v4, v38;
	_ =	sdelay $0x1  }
0x10a: {  	[tilespmem:s0+$0xFFFFFE30] =	vst v4  }
0x10b: {  	v4 =	vld [tilespmem:s31+$0xFFFFFD20];
	_ =	sdelay $0x2  }
0x10c: {  	v39 =	vbroadcast v3, $0x2;
	_ =	sdelay $0x1  }
0x10d: {  	v4 =	vmul.f32 v4, v39;
	_ =	sdelay $0x1  }
0x10e: {  	[tilespmem:s0+$0xFFFFFE40] =	vst v4  }
0x10f: {  	v4 =	vld [tilespmem:s31+$0xFFFFFD30];
	_ =	sdelay $0x4  }
0x110: {  	v4 =	vmul.f32 v4, v39;
	_ =	sdelay $0x1  }
0x111: {  	[tilespmem:s0+$0xFFFFFE50] =	vst v4  }
0x112: {  	v4 =	vld [tilespmem:s31+$0xFFFFFD80];
	_ =	sdelay $0x2  }
0x113: {  	v40 =	vbroadcast v2, $0x3;
	_ =	sdelay $0x1  }
0x114: {  	v4 =	vmul.f32 v4, v40;
	_ =	sdelay $0x1  }
0x115: {  	[tilespmem:s0+$0xFFFFFE70] =	vst v4  }
0x116: {  	v4 =	vld [tilespmem:s31+$0xFFFFFD90];
	_ =	sdelay $0x4  }
0x117: {  	v4 =	vmul.f32 v4, v40;
	_ =	sdelay $0x1  }
0x118: {  	[tilespmem:s0+$0xFFFFFE80] =	vst v4  }
0x119: {  	v4 =	vld [tilespmem:s31+$0xFFFFFDA0];
	_ =	sdelay $0x2  }
0x11a: {  	v41 =	vbroadcast v3, $0x3;
	_ =	sdelay $0x1  }
0x11b: {  	v4 =	vmul.f32 v4, v41;
	_ =	sdelay $0x1  }
0x11c: {  	[tilespmem:s0+$0xFFFFFE90] =	vst v4  }
0x11d: {  	v4 =	vld [tilespmem:s31+$0xFFFFFDB0];
	_ =	sdelay $0x4  }
0x11e: {  	v4 =	vmul.f32 v4, v41;
	_ =	sdelay $0x1  }
0x11f: {  	[tilespmem:s0+$0xFFFFFEA0] =	vst v4  }
0x120: {  	v4 =	vld [tilespmem:s31+$0xFFFFFE00];
	_ =	sdelay $0x2  }
0x121: {  	v42 =	vbroadcast v2, $0x4;
	_ =	sdelay $0x1  }
0x122: {  	v4 =	vmul.f32 v4, v42;
	_ =	sdelay $0x1  }
0x123: {  	[tilespmem:s0+$0xFFFFFEC0] =	vst v4  }
0x124: {  	v4 =	vld [tilespmem:s31+$0xFFFFFE10];
	_ =	sdelay $0x4  }
0x125: {  	v4 =	vmul.f32 v4, v42;
	_ =	sdelay $0x1  }
0x126: {  	[tilespmem:s0+$0xFFFFFED0] =	vst v4  }
0x127: {  	v4 =	vld [tilespmem:s31+$0xFFFFFE20];
	_ =	sdelay $0x2  }
0x128: {  	v43 =	vbroadcast v3, $0x4;
	_ =	sdelay $0x1  }
0x129: {  	v4 =	vmul.f32 v4, v43;
	_ =	sdelay $0x1  }
0x12a: {  	[tilespmem:s0+$0xFFFFFEE0] =	vst v4  }
0x12b: {  	v4 =	vld [tilespmem:s31+$0xFFFFFE30];
	_ =	sdelay $0x4  }
0x12c: {  	v4 =	vmul.f32 v4, v43;
	_ =	sdelay $0x1  }
0x12d: {  	[tilespmem:s0+$0xFFFFFEF0] =	vst v4  }
0x12e: {  	v4 =	vld [tilespmem:s31+$0xFFFFFE80];
	_ =	sdelay $0x2  }
0x12f: {  	v44 =	vbroadcast v2, $0x5;
	_ =	sdelay $0x1  }
0x130: {  	v4 =	vmul.f32 v4, v44;
	_ =	sdelay $0x1  }
0x131: {  	[tilespmem:s0+$0xFFFFFF10] =	vst v4  }
0x132: {  	v4 =	vld [tilespmem:s31+$0xFFFFFE90];
	_ =	sdelay $0x4  }
0x133: {  	v4 =	vmul.f32 v4, v44;
	_ =	sdelay $0x1  }
0x134: {  	[tilespmem:s0+$0xFFFFFF20] =	vst v4  }
0x135: {  	v4 =	vld [tilespmem:s31+$0xFFFFFEA0];
	_ =	sdelay $0x2  }
0x136: {  	v45 =	vbroadcast v3, $0x5;
	_ =	sdelay $0x1  }
0x137: {  	v4 =	vmul.f32 v4, v45;
	_ =	sdelay $0x1  }
0x138: {  	[tilespmem:s0+$0xFFFFFF30] =	vst v4  }
0x139: {  	v4 =	vld [tilespmem:s31+$0xFFFFFEB0];
	_ =	sdelay $0x4  }
0x13a: {  	v4 =	vmul.f32 v4, v45;
	_ =	sdelay $0x1  }
0x13b: {  	[tilespmem:s0+$0xFFFFFF40] =	vst v4  }
0x13c: {  	v4 =	vld [tilespmem:s31+$0xFFFFFF00];
	_ =	sdelay $0x2  }
0x13d: {  	v46 =	vbroadcast v2, $0x6;
	_ =	sdelay $0x1  }
0x13e: {  	v4 =	vmul.f32 v4, v46;
	_ =	sdelay $0x1  }
0x13f: {  	[tilespmem:s0+$0xFFFFFF60] =	vst v4  }
0x140: {  	v4 =	vld [tilespmem:s31+$0xFFFFFF10];
	_ =	sdelay $0x4  }
0x141: {  	v4 =	vmul.f32 v4, v46;
	_ =	sdelay $0x1  }
0x142: {  	[tilespmem:s0+$0xFFFFFF70] =	vst v4  }
0x143: {  	v4 =	vld [tilespmem:s31+$0xFFFFFF20];
	_ =	sdelay $0x2  }
0x144: {  	v47 =	vbroadcast v3, $0x6;
	_ =	sdelay $0x1  }
0x145: {  	v4 =	vmul.f32 v4, v47;
	_ =	sdelay $0x1  }
0x146: {  	[tilespmem:s0+$0xFFFFFF80] =	vst v4  }
0x147: {  	v4 =	vld [tilespmem:s31+$0xFFFFFF30];
	_ =	sdelay $0x4  }
0x148: {  	v4 =	vmul.f32 v4, v47;
	_ =	sdelay $0x1  }
0x149: {  	[tilespmem:s0+$0xFFFFFF90] =	vst v4  }
0x14a: {  	v4 =	vld [tilespmem:s31+$0xFFFFFF80];
	_ =	sdelay $0x2  }
0x14b: {  	v48 =	vbroadcast v2, $0x7;
	_ =	sdelay $0x1  }
0x14c: {  	v4 =	vmul.f32 v4, v48;
	_ =	sdelay $0x1  }
0x14d: {  	[tilespmem:s0+$0xFFFFFFB0] =	vst v4  }
0x14e: {  	v4 =	vld [tilespmem:s31+$0xFFFFFF90];
	_ =	sdelay $0x4  }
0x14f: {  	v4 =	vmul.f32 v4, v48;
	_ =	sdelay $0x1  }
0x150: {  	[tilespmem:s0+$0xFFFFFFC0] =	vst v4  }
0x151: {  	v4 =	vld [tilespmem:s31+$0xFFFFFFA0];
	_ =	sdelay $0x2  }
0x152: {  	v49 =	vbroadcast v3, $0x7;
	_ =	sdelay $0x1  }
0x153: {  	v4 =	vmul.f32 v4, v49;
	_ =	sdelay $0x1  }
0x154: {  	[tilespmem:s0+$0xFFFFFFD0] =	vst v4  }
0x155: {  	v4 =	vld [tilespmem:s31+$0xFFFFFFB0];
	_ =	sdelay $0x4  }
0x156: {  	v4 =	vmul.f32 v4, v49;
	_ =	sdelay $0x1  }
0x157: {  	[tilespmem:s0+$0xFFFFFFE0] =	vst v4  }
0x158: {  	v4 =	vld [tilespmem:s31+$0x0];
	_ =	sdelay $0x2  }
0x159: {  	v50 =	vbroadcast v2, $0x8;
	_ =	sdelay $0x1  }
0x15a: {  	v4 =	vmul.f32 v4, v50;
	_ =	sdelay $0x1  }
0x15b: {  	[tilespmem:s0+$0x0] =	vst v4  }
0x15c: {  	v4 =	vld [tilespmem:s31+$0x10];
	_ =	sdelay $0x4  }
0x15d: {  	v4 =	vmul.f32 v4, v50;
	_ =	sdelay $0x1  }
0x15e: {  	[tilespmem:s0+$0x10] =	vst v4  }
0x15f: {  	v4 =	vld [tilespmem:s31+$0x20];
	_ =	sdelay $0x2  }
0x160: {  	v51 =	vbroadcast v3, $0x8;
	_ =	sdelay $0x1  }
0x161: {  	v4 =	vmul.f32 v4, v51;
	_ =	sdelay $0x1  }
0x162: {  	[tilespmem:s0+$0x20] =	vst v4  }
0x163: {  	v4 =	vld [tilespmem:s31+$0x30];
	_ =	sdelay $0x4  }
0x164: {  	v4 =	vmul.f32 v4, v51;
	_ =	sdelay $0x1  }
0x165: {  	[tilespmem:s0+$0x30] =	vst v4  }
0x166: {  	v4 =	vld [tilespmem:s31+$0x80];
	_ =	sdelay $0x2  }
0x167: {  	v52 =	vbroadcast v2, $0x9;
	_ =	sdelay $0x1  }
0x168: {  	v4 =	vmul.f32 v4, v52;
	_ =	sdelay $0x1  }
0x169: {  	[tilespmem:s0+$0x50] =	vst v4  }
0x16a: {  	v4 =	vld [tilespmem:s31+$0x90];
	_ =	sdelay $0x4  }
0x16b: {  	v4 =	vmul.f32 v4, v52;
	_ =	sdelay $0x1  }
0x16c: {  	[tilespmem:s0+$0x60] =	vst v4  }
0x16d: {  	v4 =	vld [tilespmem:s31+$0xA0];
	_ =	sdelay $0x2  }
0x16e: {  	v53 =	vbroadcast v3, $0x9;
	_ =	sdelay $0x1  }
0x16f: {  	v4 =	vmul.f32 v4, v53;
	_ =	sdelay $0x1  }
0x170: {  	[tilespmem:s0+$0x70] =	vst v4  }
0x171: {  	v4 =	vld [tilespmem:s31+$0xB0];
	_ =	sdelay $0x4  }
0x172: {  	v4 =	vmul.f32 v4, v53;
	_ =	sdelay $0x1  }
0x173: {  	[tilespmem:s0+$0x80] =	vst v4  }
0x174: {  	v4 =	vld [tilespmem:s31+$0x100];
	_ =	sdelay $0x2  }
0x175: {  	v54 =	vbroadcast v2, $0xA;
	_ =	sdelay $0x1  }
0x176: {  	v4 =	vmul.f32 v4, v54;
	_ =	sdelay $0x1  }
0x177: {  	[tilespmem:s0+$0xA0] =	vst v4  }
0x178: {  	v4 =	vld [tilespmem:s31+$0x110];
	_ =	sdelay $0x4  }
0x179: {  	v4 =	vmul.f32 v4, v54;
	_ =	sdelay $0x1  }
0x17a: {  	[tilespmem:s0+$0xB0] =	vst v4  }
0x17b: {  	v4 =	vld [tilespmem:s31+$0x120];
	_ =	sdelay $0x2  }
0x17c: {  	v55 =	vbroadcast v3, $0xA;
	_ =	sdelay $0x1  }
0x17d: {  	v4 =	vmul.f32 v4, v55;
	_ =	sdelay $0x1  }
0x17e: {  	[tilespmem:s0+$0xC0] =	vst v4  }
0x17f: {  	v4 =	vld [tilespmem:s31+$0x130];
	_ =	sdelay $0x4  }
0x180: {  	v4 =	vmul.f32 v4, v55;
	_ =	sdelay $0x1  }
0x181: {  	[tilespmem:s0+$0xD0] =	vst v4  }
0x182: {  	v4 =	vld [tilespmem:s31+$0x180];
	_ =	sdelay $0x2  }
0x183: {  	v56 =	vbroadcast v2, $0xB;
	_ =	sdelay $0x1  }
0x184: {  	v4 =	vmul.f32 v4, v56;
	_ =	sdelay $0x1  }
0x185: {  	[tilespmem:s0+$0xF0] =	vst v4  }
0x186: {  	v4 =	vld [tilespmem:s31+$0x190];
	_ =	sdelay $0x4  }
0x187: {  	v4 =	vmul.f32 v4, v56;
	_ =	sdelay $0x1  }
0x188: {  	[tilespmem:s0+$0x100] =	vst v4  }
0x189: {  	v4 =	vld [tilespmem:s31+$0x1A0];
	_ =	sdelay $0x2  }
0x18a: {  	v57 =	vbroadcast v3, $0xB;
	_ =	sdelay $0x1  }
0x18b: {  	v4 =	vmul.f32 v4, v57;
	_ =	sdelay $0x1  }
0x18c: {  	[tilespmem:s0+$0x110] =	vst v4  }
0x18d: {  	v4 =	vld [tilespmem:s31+$0x1B0];
	_ =	sdelay $0x4  }
0x18e: {  	v4 =	vmul.f32 v4, v57;
	_ =	sdelay $0x1  }
0x18f: {  	[tilespmem:s0+$0x120] =	vst v4  }
0x190: {  	v4 =	vld [tilespmem:s31+$0x200];
	_ =	sdelay $0x2  }
0x191: {  	v58 =	vbroadcast v2, $0xC;
	_ =	sdelay $0x1  }
0x192: {  	v4 =	vmul.f32 v4, v58;
	_ =	sdelay $0x1  }
0x193: {  	[tilespmem:s0+$0x140] =	vst v4  }
0x194: {  	v4 =	vld [tilespmem:s31+$0x210];
	_ =	sdelay $0x4  }
0x195: {  	v4 =	vmul.f32 v4, v58;
	_ =	sdelay $0x1  }
0x196: {  	[tilespmem:s0+$0x150] =	vst v4  }
0x197: {  	v4 =	vld [tilespmem:s31+$0x220];
	_ =	sdelay $0x2  }
0x198: {  	v59 =	vbroadcast v3, $0xC;
	_ =	sdelay $0x1  }
0x199: {  	v4 =	vmul.f32 v4, v59;
	_ =	sdelay $0x1  }
0x19a: {  	[tilespmem:s0+$0x160] =	vst v4  }
0x19b: {  	v4 =	vld [tilespmem:s31+$0x230];
	_ =	sdelay $0x4  }
0x19c: {  	v4 =	vmul.f32 v4, v59;
	_ =	sdelay $0x1  }
0x19d: {  	[tilespmem:s0+$0x170] =	vst v4  }
0x19e: {  	v4 =	vld [tilespmem:s31+$0x280];
	_ =	sdelay $0x2  }
0x19f: {  	v60 =	vbroadcast v2, $0xD;
	_ =	sdelay $0x1  }
0x1a0: {  	v4 =	vmul.f32 v4, v60;
	_ =	sdelay $0x1  }
0x1a1: {  	[tilespmem:s0+$0x190] =	vst v4  }
0x1a2: {  	v4 =	vld [tilespmem:s31+$0x290];
	_ =	sdelay $0x4  }
0x1a3: {  	v4 =	vmul.f32 v4, v60;
	_ =	sdelay $0x1  }
0x1a4: {  	[tilespmem:s0+$0x1A0] =	vst v4  }
0x1a5: {  	v4 =	vld [tilespmem:s31+$0x2A0];
	_ =	sdelay $0x2  }
0x1a6: {  	v61 =	vbroadcast v3, $0xD;
	_ =	sdelay $0x1  }
0x1a7: {  	v4 =	vmul.f32 v4, v61;
	_ =	sdelay $0x1  }
0x1a8: {  	[tilespmem:s0+$0x1B0] =	vst v4  }
0x1a9: {  	v4 =	vld [tilespmem:s31+$0x2B0];
	_ =	sdelay $0x4  }
0x1aa: {  	v4 =	vmul.f32 v4, v61;
	_ =	sdelay $0x1  }
0x1ab: {  	[tilespmem:s0+$0x1C0] =	vst v4  }
0x1ac: {  	v4 =	vld [tilespmem:s31+$0x300];
	_ =	sdelay $0x2  }
0x1ad: {  	v62 =	vbroadcast v2, $0xE;
	_ =	sdelay $0x1  }
0x1ae: {  	v4 =	vmul.f32 v4, v62;
	_ =	sdelay $0x1  }
0x1af: {  	[tilespmem:s0+$0x1E0] =	vst v4  }
0x1b0: {  	v4 =	vld [tilespmem:s31+$0x310];
	_ =	sdelay $0x4  }
0x1b1: {  	v4 =	vmul.f32 v4, v62;
	_ =	sdelay $0x1  }
0x1b2: {  	[tilespmem:s0+$0x1F0] =	vst v4  }
0x1b3: {  	v4 =	vld [tilespmem:s31+$0x320];
	_ =	sdelay $0x2  }
0x1b4: {  	v63 =	vbroadcast v3, $0xE;
	_ =	sdelay $0x1  }
0x1b5: {  	v4 =	vmul.f32 v4, v63;
	_ =	sdelay $0x1  }
0x1b6: {  	[tilespmem:s0+$0x200] =	vst v4  }
0x1b7: {  	v4 =	vld [tilespmem:s31+$0x330];
	_ =	sdelay $0x4  }
0x1b8: {  	v4 =	vmul.f32 v4, v63;
	_ =	sdelay $0x1  }
0x1b9: {  	[tilespmem:s0+$0x210] =	vst v4  }
0x1ba: {  	v4 =	vld [tilespmem:s31+$0x380];
	_ =	sdelay $0x2  }
0x1bb: {  	v2 =	vbroadcast v2, $0xF;
	_ =	sdelay $0x1  }
0x1bc: {  	v4 =	vmul.f32 v4, v2;
	_ =	sdelay $0x1  }
0x1bd: {  	[tilespmem:s0+$0x230] =	vst v4  }
0x1be: {  	v4 =	vld [tilespmem:s31+$0x390];
	_ =	sdelay $0x4  }
0x1bf: {  	v2 =	vmul.f32 v4, v2;
	_ =	sdelay $0x1  }
0x1c0: {  	[tilespmem:s0+$0x240] =	vst v2  }
0x1c1: {  	v2 =	vld [tilespmem:s31+$0x3A0];
	_ =	sdelay $0x2  }
0x1c2: {  	v3 =	vbroadcast v3, $0xF;
	_ =	sdelay $0x1  }
0x1c3: {  	v2 =	vmul.f32 v2, v3;
	_ =	sdelay $0x1  }
0x1c4: {  	[tilespmem:s0+$0x250] =	vst v2  }
0x1c5: {  	v2 =	vld [tilespmem:s31+$0x3B0];
	_ =	sdelay $0x1  }
0x1c6: {  	p0 =	sne.s32 s4, $0x70  }
.Ltmp1:
0x1c7: {  	_ = 	snop;
	(pc) =	sbr.rel @p0 .LBB2_5-.Ltmp1, $3  }
0x1c8: {  	_ = 	snop  }
0x1c9: {  	v2 =	vmul.f32 v2, v3;
	_ =	sdelay $0x1  }
0x1ca: {  	s4 =	sadd.s32 $0x10, s4;
	s31 =	sadd.s32 $0x800, s31;
	[tilespmem:s0+$0x260] =	vst v2;
	s0 =	sadd.s32 $0x500, s0  }
0x1cb: {  	s30 =	sadd.s32 $0x1, s30  }
0x1cc: {  	p0 =	sne.s32 s30, $0xA0  }
.Ltmp2:
0x1cd: {  	_ = 	snop;
	(pc) =	sbr.rel @p0 .LBB2_4-.Ltmp2, $4  }
0x1ce: {  	[spmem:s2] =	stream.indirect.scatter.add.f32 [tilespmem:s20], [sflag:$0x3], $0x50, s3, s22, $0xb8;
	[tilespmem:$0x15100] =	vst v63  }
0x1cf: {  	_ =	swait.ge [sflag:s21], $0x2800  }
0x1d0: {  	[sflag:s21] =	ssyncset.done $0x0  }
0x1d1: {  	[sflag:s21] =	ssyncadd.s32 $0xFFFFD800  }
0x1d2: {  	[bflag:$0x0] =	sbarrier.arrive $0xFFFF  }
0x1d3: {  	[tilespmem:s20], [sflag:$0x3] =	stream.linear.gather [spmem:s8], $0x2800, $0x38;
	[tilespmem:$0x15100] =	vst v63  }
0x1d4: {  	_ =	swait.ge [sflag:s21], $0x2800  }
0x1d5: {  	[sflag:s21] =	ssyncset.done $0x0  }
0x1d6: {  	[sflag:s21] =	ssyncadd.s32 $0xFFFFD800  }
0x1d7: {  	[hbm4b:s14+s3] =	stream.linear.scatter [tilespmem:s20], [sflag:$0x3], $0x2800, $0x38;
	[tilespmem:$0x15100] =	vst v63  }
0x1d8: {  	_ =	swait.ge [sflag:s21], $0x2800  }
0x1d9: {  	[sflag:s21] =	ssyncset.done $0x0  }
0x1da: {  	[sflag:s21] =	ssyncadd.s32 $0xFFFFD800  }
0x1db: {  	[tilespmem:s20], [sflag:$0x3] =	stream.linear.gather [spmem:s9], $0x2800, $0x38;
	[tilespmem:$0x15100] =	vst v63  }
0x1dc: {  	_ =	swait.ge [sflag:s21], $0x2800  }
0x1dd: {  	[sflag:s21] =	ssyncset.done $0x0  }
0x1de: {  	[sflag:s21] =	ssyncadd.s32 $0xFFFFD800  }
0x1df: {  	[hbm4b:s15+s3] =	stream.linear.scatter [tilespmem:s20], [sflag:$0x3], $0x2800, $0x38;
	[tilespmem:$0x15100] =	vst v63  }
0x1e0: {  	_ =	swait.ge [sflag:s21], $0x2800  }
0x1e1: {  	[sflag:s21] =	ssyncset.done $0x0  }
0x1e2: {  	[sflag:s21] =	ssyncadd.s32 $0xFFFFD800  }
0x1e3: {  	[tilespmem:s20], [sflag:$0x3] =	stream.linear.gather [spmem:s10], $0x2800, $0x38;
	[tilespmem:$0x15100] =	vst v63  }
0x1e4: {  	_ =	swait.ge [sflag:s21], $0x2800  }
0x1e5: {  	[sflag:s21] =	ssyncset.done $0x0  }
0x1e6: {  	[sflag:s21] =	ssyncadd.s32 $0xFFFFD800  }
0x1e7: {  	[hbm4b:s16+s3] =	stream.linear.scatter [tilespmem:s20], [sflag:$0x3], $0x2800, $0x38;
	[tilespmem:$0x15100] =	vst v63  }
0x1e8: {  	_ =	swait.ge [sflag:s21], $0x2800  }
0x1e9: {  	[sflag:s21] =	ssyncset.done $0x0  }
0x1ea: {  	[sflag:s21] =	ssyncadd.s32 $0xFFFFD800  }
0x1eb: {  	[tilespmem:s20], [sflag:$0x3] =	stream.linear.gather [spmem:s11], $0x2800, $0x38;
	[tilespmem:$0x15100] =	vst v63  }
0x1ec: {  	_ =	swait.ge [sflag:s21], $0x2800  }
0x1ed: {  	[sflag:s21] =	ssyncset.done $0x0  }
0x1ee: {  	[sflag:s21] =	ssyncadd.s32 $0xFFFFD800  }
0x1ef: {  	[hbm4b:s17+s3] =	stream.linear.scatter [tilespmem:s20], [sflag:$0x3], $0x2800, $0x38;
	[tilespmem:$0x15100] =	vst v63  }
0x1f0: {  	_ =	swait.ge [sflag:s21], $0x2800  }
0x1f1: {  	[sflag:s21] =	ssyncset.done $0x0  }
0x1f2: {  	[sflag:s21] =	ssyncadd.s32 $0xFFFFD800  }
0x1f3: {  	[tilespmem:s20], [sflag:$0x3] =	stream.linear.gather [spmem:s12], $0x2800, $0x38;
	[tilespmem:$0x15100] =	vst v63  }
0x1f4: {  	s28 =	sadd.s32 $0x1, s28;
	_ =	swait.ge [sflag:s21], $0x2800  }
0x1f5: {  	p0 =	sne.s32 s28, s19;
	[sflag:s21] =	ssyncset.done $0x0  }
.Ltmp3:
0x1f6: {  	[sflag:s21] =	ssyncadd.s32 $0xFFFFD800;
	(pc) =	sbr.rel @p0 .LBB2_1-.Ltmp3, $4  }
0x1f7: {  	[hbm4b:s18+s3] =	stream.linear.scatter [tilespmem:s20], [sflag:$0x3], $0x2800, $0x38;
	[tilespmem:$0x15100] =	vst v63  }
0x1f8: {  	_ =	swait.ge [sflag:s21], $0x2800  }
0x1f9: {  	[sflag:s21] =	ssyncset.done $0x0  }
0x1fa: {  	[sflag:s21] =	ssyncadd.s32 $0xFFFFD800  }
0x1fb: {  	_ =	sfence.sel $0x180000  }
0x1fc: {  	[bflag:$0x0] =	sbarrier.arrive $0xFFFF  }
0x1fd: {  	_ =	strace $0x90000047  }
0x1fe: {  	s0 =	stileid.u32;
	[bflag:$0x2] =	sbarrier.arrive $0xFFFF  }
0x1ff: {  	p0 =	sne.s32 s0, $0x0;
	s0 =	rddreg [dreg:$0x3]  }
0x200: {  	s0 =	sadd.s32 @!p0 $0x100000, s0  }
0x201: {  	[sflag:s0] =	ssyncadd.tile.s32 @!p0 $0x1;
	_ =	shalt  }
.Lfunc_end2:
_tile_overlayer_lowered:
.L_overlay_start_2:
0x202: {  	(tag) =	ssettag $0x2  }
0x203: {  	s0 =	rddreg [dreg:$0x0];
	s2 =	stileid.u32  }
0x204: {  	s1 =	rddreg [dreg:$0x1];
	p0 =	sne.s32 s2, $0x0  }
0x205: {  	s3 =	rddreg [dreg:$0x2];
	[bflag:$0x3] =	sbarrier.arrive $0xFFFF;
	s2 =	simm.s32 @!p0 $0x1C03  }
0x206: {  	[timem:s3], [sflag:s2] =	dma.local @!p0 [hbm:s0], s1  }
0x207: {  	s0 =	simm.s32 @!p0 $0x3  }
0x208: {  	_ =	swait.ge @!p0 [sflag:s0], s1  }
0x209: {  	s1 =	ssub.s32 @!p0 $0x0, s1;
	[sflag:s0] =	ssyncset.done @!p0 $0x0  }
0x20a: {  	[sflag:s0] =	ssyncadd.s32 @!p0 s1  }
0x20b: {  	[bflag:$0x3] =	sbarrier.arrive $0xFFFF  }
0x20c: {  	_ =	shalt  }

</sc_bundles>
